<compile_context>
chip_gen: v7x
topology: tpu7x:2x2x1
jax: 0.10.2.dev20260603
libtpu: 0.0.44.dev20260713+nightly
codegen_flags: <defaults>
</compile_context>

<pallas_src>
import jax
import jax.numpy as jnp
from jax import lax
from jax.experimental import pallas as pl
from jax.experimental.pallas import tpu as pltpu
from jax.experimental.pallas import tpu_sc as plsc

N = 10000
NP = 10240
E = 160000
D = 256
H = 128
R = 2000
NT = 16
STRIPE = NP // NT
EC = 125
NCH = E // EC
CPT = NCH // NT
HB = CPT // 2
DPT = NCH // 2 // NT

_sc_mesh = plsc.VectorSubcoreMesh(core_axis_name="c", subcore_axis_name="s")


def _stripe_copy(src_ref, dst_ref, s):
    pltpu.sync_copy(src_ref.at[pl.ds(s * STRIPE, STRIPE)],
                    dst_ref.at[pl.ds(s * STRIPE, STRIPE)])


def _deg_body(dst2, dga, dgb, idx_d, ones_v, zbuf, acc):
    c = lax.axis_index("c")
    s = lax.axis_index("s")
    for off in range(0, 128, 16):
        ones_v[pl.ds(off, 16)] = jnp.ones((16,), jnp.float32)

    def _zb(k, carry):
        zbuf[pl.ds(k * 16, 16)] = jnp.zeros((16,), jnp.float32)
        return carry

    lax.fori_loop(0, STRIPE // 16, _zb, 0)

    pltpu.sync_copy(zbuf, acc.at[pl.ds(s * STRIPE, STRIPE)])
    plsc.subcore_barrier()

    for cc, out in ((0, dga), (1, dgb)):
        @pl.when(c == cc)
        def _(cc=cc, out=out):
            pltpu.sync_copy(dst2.at[pl.ds(cc * (NCH // 2) + s * DPT, DPT)],
                            idx_d)

            def _body(j, carry):
                pltpu.sync_copy(ones_v.at[pl.ds(0, EC)], acc.at[idx_d.at[j]],
                                add=True)
                return carry

            lax.fori_loop(0, DPT, _body, 0)
            plsc.subcore_barrier()
            _stripe_copy(acc, out, s)


_deg = pl.kernel(
    _deg_body,
    out_type=[jax.ShapeDtypeStruct((NP,), jnp.float32),
              jax.ShapeDtypeStruct((NP,), jnp.float32)],
    mesh=_sc_mesh,
    scratch_types=[
        pltpu.VMEM((DPT, EC), jnp.int32),
        pltpu.VMEM((128,), jnp.float32),
        pltpu.VMEM((STRIPE,), jnp.float32),
        pltpu.VMEM_SHARED((NP,), jnp.float32),
    ],
)


def _edge_body(yp0, yp1, src2, dst2, z0, z1, idx_s, idx_d, buf0, buf1, acc,
               sem0, sem1, semi):
    c = lax.axis_index("c")
    s = lax.axis_index("s")
    for cc, yp, z in ((0, yp0, z0), (1, yp1, z1)):
        @pl.when(c == cc)
        def _(yp=yp, z=z):
            dinit = pltpu.async_copy(yp.at[pl.ds(s * STRIPE, STRIPE)],
                                     acc.at[pl.ds(s * STRIPE, STRIPE)], semi)

            for h in range(2):
                rb = s * CPT + h * HB
                pltpu.sync_copy(src2.at[pl.ds(rb, HB)], idx_s)
                pltpu.sync_copy(dst2.at[pl.ds(rb, HB)], idx_d)
                if h == 0:
                    dinit.wait()
                    plsc.subcore_barrier()
                pltpu.async_copy(yp.at[idx_s.at[0]], buf0, sem0)
                pltpu.async_copy(yp.at[idx_s.at[1]], buf1, sem1)

                def _body(k, carry):
                    pltpu.make_async_copy(yp.at[idx_s.at[0]], buf0, sem0).wait()
                    pltpu.sync_copy(buf0, acc.at[idx_d.at[2 * k]], add=True)

                    @pl.when(k < HB // 2 - 1)
                    def _():
                        pltpu.async_copy(yp.at[idx_s.at[2 * k + 2]], buf0, sem0)

                    pltpu.make_async_copy(yp.at[idx_s.at[1]], buf1, sem1).wait()
                    pltpu.sync_copy(buf1, acc.at[idx_d.at[2 * k + 1]], add=True)

                    @pl.when(k < HB // 2 - 1)
                    def _():
                        pltpu.async_copy(yp.at[idx_s.at[2 * k + 3]], buf1, sem1)

                    return carry

                lax.fori_loop(0, HB // 2, _body, 0)

            plsc.subcore_barrier()
            _stripe_copy(acc, z, s)


_edge = pl.kernel(
    _edge_body,
    out_type=[jax.ShapeDtypeStruct((NP, H), jnp.float32),
              jax.ShapeDtypeStruct((NP, H), jnp.float32)],
    mesh=_sc_mesh,
    scratch_types=[
        pltpu.VMEM((HB, EC), jnp.int32),
        pltpu.VMEM((HB, EC), jnp.int32),
        pltpu.VMEM((EC, H), jnp.float32),
        pltpu.VMEM((EC, H), jnp.float32),
        pltpu.VMEM_SHARED((NP, H), jnp.float32),
        pltpu.SemaphoreType.DMA,
        pltpu.SemaphoreType.DMA,
        pltpu.SemaphoreType.DMA,
    ],
)


def _tc1_body(x_ref, w_ref, da_ref, db_ref, y0_ref, y1_ref, u_ref):
    u = lax.rsqrt(da_ref[...] + db_ref[...] + 1.0)
    y = jnp.dot(x_ref[...], w_ref[...], preferred_element_type=jnp.float32) * u
    y0_ref[...] = y[:, :H]
    y1_ref[...] = y[:, H:]
    u_ref[...] = u


_tc1 = pl.pallas_call(
    _tc1_body,
    grid=(N // R,),
    in_specs=[
        pl.BlockSpec((R, D), lambda i: (i, 0)),
        pl.BlockSpec((D, D), lambda i: (0, 0)),
        pl.BlockSpec((R, 1), lambda i: (i, 0)),
        pl.BlockSpec((R, 1), lambda i: (i, 0)),
    ],
    out_specs=[
        pl.BlockSpec((R, H), lambda i: (i, 0)),
        pl.BlockSpec((R, H), lambda i: (i, 0)),
        pl.BlockSpec((R, 1), lambda i: (i, 0)),
    ],
    out_shape=[
        jax.ShapeDtypeStruct((NP, H), jnp.float32),
        jax.ShapeDtypeStruct((NP, H), jnp.float32),
        jax.ShapeDtypeStruct((N, 1), jnp.float32),
    ],
)


def _tc2_body(z0_ref, z1_ref, u_ref, b_ref, w_ref, y0_ref, y1_ref):
    u = u_ref[...]
    h0 = jnp.maximum(z0_ref[...] * u + b_ref[:, :H], 0.0)
    h1 = jnp.maximum(z1_ref[...] * u + b_ref[:, H:], 0.0)
    h = jnp.concatenate([h0, h1], axis=1)
    y = jnp.dot(h, w_ref[...], preferred_element_type=jnp.float32) * u
    y0_ref[...] = y[:, :H]
    y1_ref[...] = y[:, H:]


_tc2 = pl.pallas_call(
    _tc2_body,
    grid=(N // R,),
    in_specs=[
        pl.BlockSpec((R, H), lambda i: (i, 0)),
        pl.BlockSpec((R, H), lambda i: (i, 0)),
        pl.BlockSpec((R, 1), lambda i: (i, 0)),
        pl.BlockSpec((1, D), lambda i: (0, 0)),
        pl.BlockSpec((D, D), lambda i: (0, 0)),
    ],
    out_specs=[
        pl.BlockSpec((R, H), lambda i: (i, 0)),
        pl.BlockSpec((R, H), lambda i: (i, 0)),
    ],
    out_shape=[
        jax.ShapeDtypeStruct((NP, H), jnp.float32),
        jax.ShapeDtypeStruct((NP, H), jnp.float32),
    ],
)


def _tc3_body(z0_ref, z1_ref, u_ref, b_ref, wl1_ref, bl1_ref, wl2_ref, bl2_ref,
              o_ref, acc_ref):
    i = pl.program_id(0)

    @pl.when(i == 0)
    def _():
        acc_ref[...] = jnp.zeros_like(acc_ref)

    u = u_ref[...]
    h0 = jnp.maximum(z0_ref[...] * u + b_ref[:, :H], 0.0)
    h1 = jnp.maximum(z1_ref[...] * u + b_ref[:, H:], 0.0)
    acc_ref[:, :H] += jnp.sum(h0, axis=0, keepdims=True)
    acc_ref[:, H:] += jnp.sum(h1, axis=0, keepdims=True)

    @pl.when(i == pl.num_programs(0) - 1)
    def _():
        g = acc_ref[...] * (1.0 / N)
        t = jnp.maximum(
            jnp.dot(g, wl1_ref[...], preferred_element_type=jnp.float32)
            + bl1_ref[...], 0.0)
        o = jnp.maximum(
            jnp.sum(t.reshape(D, 1) * wl2_ref[...], axis=0, keepdims=True)
            + bl2_ref[...], 0.0)
        o_ref[...] = o


_tc3 = pl.pallas_call(
    _tc3_body,
    grid=(N // R,),
    in_specs=[
        pl.BlockSpec((R, H), lambda i: (i, 0)),
        pl.BlockSpec((R, H), lambda i: (i, 0)),
        pl.BlockSpec((R, 1), lambda i: (i, 0)),
        pl.BlockSpec((1, D), lambda i: (0, 0)),
        pl.BlockSpec((D, D), lambda i: (0, 0)),
        pl.BlockSpec((1, D), lambda i: (0, 0)),
        pl.BlockSpec((D, 1), lambda i: (0, 0)),
        pl.BlockSpec((1, 1), lambda i: (0, 0)),
    ],
    out_specs=pl.BlockSpec((1, 1), lambda i: (0, 0)),
    out_shape=jax.ShapeDtypeStruct((1, 1), jnp.float32),
    scratch_shapes=[pltpu.VMEM((1, D), jnp.float32)],
)


def kernel(x, edge_index, W1, b1, W2, b2, Wl1, bl1, Wl2, bl2):
    src2 = edge_index[0].reshape(NCH, EC)
    dst2 = edge_index[1].reshape(NCH, EC)
    dga, dgb = _deg(dst2)
    y0, y1, u = _tc1(x, W1, dga[:N].reshape(N, 1), dgb[:N].reshape(N, 1))
    z0, z1 = _edge(y0, y1, src2, dst2)
    y0, y1 = _tc2(z0, z1, u, b1.reshape(1, D), W2)
    z0, z1 = _edge(y0, y1, src2, dst2)
    return _tc3(z0, z1, u, b2.reshape(1, D), Wl1, bl1.reshape(1, D),
                Wl2, bl2.reshape(1, 1))

# --- scband reference (transcript-rebuilt; emitter-appended) ---
"""Pipeline reference for scband-gcn-17970143166728 (READ-ONLY COPY).

The authoritative reference and input builder live on the scoring server;
editing this copy changes nothing except your own understanding.
"""

import jax, jax.numpy as jnp
import numpy as np

N_NODES = 10000
N_EDGES = 160000
D_IN = 256
D_HID = 256


def gcn_conv(x, edge_index, W, b):
    # GCNConv: out = D^{-1/2} (A + I) D^{-1/2} X W + b (self-loops added)
    n = x.shape[0]
    loop = jnp.arange(n, dtype=edge_index.dtype)
    src = jnp.concatenate([edge_index[0], loop])
    dst = jnp.concatenate([edge_index[1], loop])
    deg = jnp.zeros((n,), dtype=x.dtype).at[dst].add(1.0)
    deg_inv_sqrt = jnp.where(deg > 0, jax.lax.rsqrt(jnp.maximum(deg, 1e-12)), 0.0)
    norm = deg_inv_sqrt[src] * deg_inv_sqrt[dst]
    h = x @ W
    msg = h[src] * norm[:, None]
    out = jnp.zeros((n, W.shape[1]), dtype=x.dtype).at[dst].add(msg)
    return out + b


def setup_inputs(seed: int = 0) -> dict:
    key = jax.random.key(seed)
    ks = jax.random.split(key, 12)
    x = jax.random.normal(ks[0], (N_NODES, D_IN), dtype=jnp.float32)
    edge_index = jax.random.randint(ks[1], (2, N_EDGES), 0, N_NODES, dtype=jnp.int32)
    W1 = jax.random.normal(ks[2], (D_IN, D_HID), dtype=jnp.float32) * (1.0 / np.sqrt(D_IN))
    b1 = jnp.zeros((D_HID,), dtype=jnp.float32)
    W2 = jax.random.normal(ks[3], (D_HID, D_HID), dtype=jnp.float32) * (1.0 / np.sqrt(D_HID))
    b2 = jnp.zeros((D_HID,), dtype=jnp.float32)
    Wl1 = jax.random.normal(ks[4], (D_HID, D_HID), dtype=jnp.float32) * (1.0 / np.sqrt(D_HID))
    bl1 = jnp.zeros((D_HID,), dtype=jnp.float32)
    Wl2 = jax.random.normal(ks[5], (D_HID, 1), dtype=jnp.float32) * (1.0 / np.sqrt(D_HID))
    bl2 = jnp.zeros((1,), dtype=jnp.float32)
    return {"x": x, "edge_index": edge_index, "W1": W1, "b1": b1, "W2": W2, "b2": b2,
            "Wl1": Wl1, "bl1": bl1, "Wl2": Wl2, "bl2": bl2}


def reference(x, edge_index, W1, b1, W2, b2, Wl1, bl1, Wl2, bl2):
    # conv1 + relu (dropout = identity in eval mode)
    h = gcn_conv(x, edge_index, W1, b1)
    h = jax.nn.relu(h)
    # conv2 + relu
    h = gcn_conv(h, edge_index, W2, b2)
    h = jax.nn.relu(h)
    # global_mean_pool with batch = zeros -> single graph mean
    g = jnp.mean(h, axis=0, keepdims=True)
    # lin1 + relu
    g = jax.nn.relu(g @ Wl1 + bl1)
    # lin2 + relu
    g = jax.nn.relu(g @ Wl2 + bl2)
    return g

if __name__ == "__main__":
    import jax
    _d = setup_inputs()
    print(jax.jit(kernel)(*tuple(_d.values())))

</pallas_src>

<mosaic_0001>
#map = affine_map<(d0, d1) -> (0, 0)>
module attributes {stable_mosaic.version = 14 : i64} {
  func.func @_edge_body(%arg0: i32, %arg1: i32, %arg2: memref<10240x128xf32, #tpu.memory_space<hbm>>, %arg3: memref<10240x128xf32, #tpu.memory_space<hbm>>, %arg4: memref<1280x125xi32, #tpu.memory_space<hbm>>, %arg5: memref<1280x125xi32, #tpu.memory_space<hbm>>, %arg6: memref<10240x128xf32, #tpu.memory_space<hbm>>, %arg7: memref<10240x128xf32, #tpu.memory_space<hbm>>, %arg8: memref<40x125xi32, #tpu.memory_space<vmem>>, %arg9: memref<40x125xi32, #tpu.memory_space<vmem>>, %arg10: memref<125x128xf32, #tpu.memory_space<vmem>>, %arg11: memref<125x128xf32, #tpu.memory_space<vmem>>, %arg12: memref<10240x128xf32, #tpu.memory_space<vmem_shared>>, %arg13: memref<!tpu.dma_semaphore, #tpu.memory_space<semaphore_mem>>, %arg14: memref<!tpu.dma_semaphore, #tpu.memory_space<semaphore_mem>>, %arg15: memref<!tpu.dma_semaphore, #tpu.memory_space<semaphore_mem>>) attributes {dimension_semantics = [#tpu.dimension_semantics<core_parallel>, #tpu.dimension_semantics<subcore_parallel>], iteration_bounds = array<i64: 2, 16>, scalar_prefetch = 0 : i64, scratch_operands = 8 : i64, tpu.core_type = #tpu.core_type<sc_vector_subcore>, window_params = [{transform_indices = #map}, {transform_indices = #map}, {transform_indices = #map}, {transform_indices = #map}, {transform_indices = #map}, {transform_indices = #map}]} {
    %eq3A = arith.constant 0 : i32
    %eq3A_0 = arith.cmpi eq, %arg0, %eq3A : i32
    %convert_element_type3A = arith.extui %eq3A_0 : i1 to i32
    %cond3A = arith.constant 0 : i32
    %cond3A_1 = arith.cmpi ne, %convert_element_type3A, %cond3A : i32
    scf.if %cond3A_1 {
      %mul3A = arith.constant 640 : i32
      %mul3A_7 = arith.muli %arg1, %mul3A : i32
      %mul3A_8 = arith.constant 640 : i32
      %mul3A_9 = arith.muli %arg1, %mul3A_8 : i32
      %dma_start3A = arith.constant 0 : i32
      %dma_start3A_10 = tpu.memref_slice %arg12[%mul3A_9, %dma_start3A] : memref<10240x128xf32, #tpu.memory_space<vmem_shared>> -> memref<640x128xf32, #tpu.memory_space<vmem_shared>>
      %dma_start3A_11 = arith.constant 0 : i32
      %dma_start3A_12 = tpu.memref_slice %arg2[%mul3A_7, %dma_start3A_11] : memref<10240x128xf32, #tpu.memory_space<hbm>> -> memref<640x128xf32, #tpu.memory_space<hbm>>
      tpu.enqueue_dma source(%dma_start3A_12 : memref<640x128xf32, #tpu.memory_space<hbm>>) target(%dma_start3A_10 : memref<640x128xf32, #tpu.memory_space<vmem_shared>>) target_semaphore(%arg15 : memref<!tpu.dma_semaphore, #tpu.memory_space<semaphore_mem>>)
      %mul3A_13 = arith.constant 80 : i32
      %mul3A_14 = arith.muli %arg1, %mul3A_13 : i32
      %add3A = arith.constant 0 : i32
      %add3A_15 = arith.addi %mul3A_14, %add3A : i32
      "tpu.region"() ({
        %run_scoped3A = tpu.sem_alloc : memref<!tpu.dma_semaphore, #tpu.memory_space<semaphore_mem>>
        %dma_start3A_67 = arith.constant 0 : i32
        %dma_start3A_68 = tpu.memref_slice %arg4[%add3A_15, %dma_start3A_67] : memref<1280x125xi32, #tpu.memory_space<hbm>> -> memref<40x125xi32, #tpu.memory_space<hbm>>
        %dma_start3A_69 = arith.constant 0 : i32
        %dma_start3A_70 = tpu.memref_slice %arg4[%add3A_15, %dma_start3A_69] : memref<1280x125xi32, #tpu.memory_space<hbm>> -> memref<40x125xi32, #tpu.memory_space<hbm>>
        tpu.enqueue_dma source(%dma_start3A_70 : memref<40x125xi32, #tpu.memory_space<hbm>>) target(%arg8 : memref<40x125xi32, #tpu.memory_space<vmem>>) target_semaphore(%run_scoped3A : memref<!tpu.dma_semaphore, #tpu.memory_space<semaphore_mem>>)
        %dma_wait3A_71 = arith.constant 0 : i32
        %dma_wait3A_72 = tpu.memref_slice %arg4[%add3A_15, %dma_wait3A_71] : memref<1280x125xi32, #tpu.memory_space<hbm>> -> memref<40x125xi32, #tpu.memory_space<hbm>>
        %dma_wait3A_73 = arith.constant 0 : i32
        %dma_wait3A_74 = tpu.memref_slice %arg4[%add3A_15, %dma_wait3A_73] : memref<1280x125xi32, #tpu.memory_space<hbm>> -> memref<40x125xi32, #tpu.memory_space<hbm>>
        tpu.wait_dma2 semaphore(%run_scoped3A : memref<!tpu.dma_semaphore, #tpu.memory_space<semaphore_mem>>) src(%dma_wait3A_74 : memref<40x125xi32, #tpu.memory_space<hbm>>) dst(%arg8 : memref<40x125xi32, #tpu.memory_space<vmem>>)
        tpu.yield
      }) : () -> ()
      "tpu.region"() ({
        %run_scoped3A = tpu.sem_alloc : memref<!tpu.dma_semaphore, #tpu.memory_space<semaphore_mem>>
        %dma_start3A_67 = arith.constant 0 : i32
        %dma_start3A_68 = tpu.memref_slice %arg5[%add3A_15, %dma_start3A_67] : memref<1280x125xi32, #tpu.memory_space<hbm>> -> memref<40x125xi32, #tpu.memory_space<hbm>>
        %dma_start3A_69 = arith.constant 0 : i32
        %dma_start3A_70 = tpu.memref_slice %arg5[%add3A_15, %dma_start3A_69] : memref<1280x125xi32, #tpu.memory_space<hbm>> -> memref<40x125xi32, #tpu.memory_space<hbm>>
        tpu.enqueue_dma source(%dma_start3A_70 : memref<40x125xi32, #tpu.memory_space<hbm>>) target(%arg9 : memref<40x125xi32, #tpu.memory_space<vmem>>) target_semaphore(%run_scoped3A : memref<!tpu.dma_semaphore, #tpu.memory_space<semaphore_mem>>)
        %dma_wait3A_71 = arith.constant 0 : i32
        %dma_wait3A_72 = tpu.memref_slice %arg5[%add3A_15, %dma_wait3A_71] : memref<1280x125xi32, #tpu.memory_space<hbm>> -> memref<40x125xi32, #tpu.memory_space<hbm>>
        %dma_wait3A_73 = arith.constant 0 : i32
        %dma_wait3A_74 = tpu.memref_slice %arg5[%add3A_15, %dma_wait3A_73] : memref<1280x125xi32, #tpu.memory_space<hbm>> -> memref<40x125xi32, #tpu.memory_space<hbm>>
        tpu.wait_dma2 semaphore(%run_scoped3A : memref<!tpu.dma_semaphore, #tpu.memory_space<semaphore_mem>>) src(%dma_wait3A_74 : memref<40x125xi32, #tpu.memory_space<hbm>>) dst(%arg9 : memref<40x125xi32, #tpu.memory_space<vmem>>)
        tpu.yield
      }) : () -> ()
      %dma_wait3A = arith.constant 0 : i32
      %dma_wait3A_16 = tpu.memref_slice %arg12[%mul3A_9, %dma_wait3A] : memref<10240x128xf32, #tpu.memory_space<vmem_shared>> -> memref<640x128xf32, #tpu.memory_space<vmem_shared>>
      %dma_wait3A_17 = arith.constant 0 : i32
      %dma_wait3A_18 = tpu.memref_slice %arg2[%mul3A_7, %dma_wait3A_17] : memref<10240x128xf32, #tpu.memory_space<hbm>> -> memref<640x128xf32, #tpu.memory_space<hbm>>
      tpu.wait_dma2 semaphore(%arg15 : memref<!tpu.dma_semaphore, #tpu.memory_space<semaphore_mem>>) src(%dma_wait3A_18 : memref<640x128xf32, #tpu.memory_space<hbm>>) dst(%dma_wait3A_16 : memref<640x128xf32, #tpu.memory_space<vmem_shared>>)
      %barrier3A = arith.constant 0 : index
      tpu.barrier barrier_id(%barrier3A)
      %dma_start3A_19 = arith.constant 0 : i32
      %dma_start3A_20 = arith.constant 0 : i32
      %dma_start3A_21 = tpu.memref_slice %arg8[%dma_start3A_19, %dma_start3A_20] : memref<40x125xi32, #tpu.memory_space<vmem>> -> memref<1x125xi32, #tpu.memory_space<vmem>>
      %dma_start3A_22 = tpu.memref_squeeze %dma_start3A_21 : memref<1x125xi32, #tpu.memory_space<vmem>> -> memref<125xi32, #tpu.memory_space<vmem>>
      %dma_start3A_23 = arith.constant 0 : i32
      %dma_start3A_24 = arith.constant 0 : i32
      %dma_start3A_25 = tpu.memref_slice %arg2[%dma_start3A_23, %dma_start3A_24] : memref<10240x128xf32, #tpu.memory_space<hbm>> -> memref<10240x128xf32, #tpu.memory_space<hbm>>
      tpu.enqueue_indirect_dma source(%dma_start3A_25 : memref<10240x128xf32, #tpu.memory_space<hbm>>) target(%arg10 : memref<125x128xf32, #tpu.memory_space<vmem>>) offsets(%dma_start3A_22 : memref<125xi32, #tpu.memory_space<vmem>>) semaphore(%arg13 : memref<!tpu.dma_semaphore, #tpu.memory_space<semaphore_mem>>)
      %dma_start3A_26 = arith.constant 1 : i32
      %dma_start3A_27 = arith.constant 0 : i32
      %dma_start3A_28 = tpu.memref_slice %arg8[%dma_start3A_26, %dma_start3A_27] : memref<40x125xi32, #tpu.memory_space<vmem>> -> memref<1x125xi32, #tpu.memory_space<vmem>>
      %dma_start3A_29 = tpu.memref_squeeze %dma_start3A_28 : memref<1x125xi32, #tpu.memory_space<vmem>> -> memref<125xi32, #tpu.memory_space<vmem>>
      %dma_start3A_30 = arith.constant 0 : i32
      %dma_start3A_31 = arith.constant 0 : i32
      %dma_start3A_32 = tpu.memref_slice %arg2[%dma_start3A_30, %dma_start3A_31] : memref<10240x128xf32, #tpu.memory_space<hbm>> -> memref<10240x128xf32, #tpu.memory_space<hbm>>
      tpu.enqueue_indirect_dma source(%dma_start3A_32 : memref<10240x128xf32, #tpu.memory_space<hbm>>) target(%arg11 : memref<125x128xf32, #tpu.memory_space<vmem>>) offsets(%dma_start3A_29 : memref<125xi32, #tpu.memory_space<vmem>>) semaphore(%arg14 : memref<!tpu.dma_semaphore, #tpu.memory_space<semaphore_mem>>)
      %scan3A = arith.constant 0 : i32
      %scan3A_33 = arith.constant 0 : i32
      %scan3A_34 = arith.constant 20 : i32
      %scan3A_35 = arith.addi %scan3A_33, %scan3A_34 : i32
      %scan3A_36 = arith.constant 1 : i32
      scf.for %scan3A_67 = %scan3A_33 to %scan3A_35 step %scan3A_36  : i32 {
        %dma_wait3A_68 = arith.constant 0 : i32
        %dma_wait3A_69 = arith.constant 0 : i32
        %dma_wait3A_70 = tpu.memref_slice %arg8[%dma_wait3A_68, %dma_wait3A_69] : memref<40x125xi32, #tpu.memory_space<vmem>> -> memref<1x125xi32, #tpu.memory_space<vmem>>
        %dma_wait3A_71 = tpu.memref_squeeze %dma_wait3A_70 : memref<1x125xi32, #tpu.memory_space<vmem>> -> memref<125xi32, #tpu.memory_space<vmem>>
        %dma_wait3A_72 = arith.constant 0 : i32
        %dma_wait3A_73 = arith.constant 0 : i32
        %dma_wait3A_74 = tpu.memref_slice %arg2[%dma_wait3A_72, %dma_wait3A_73] : memref<10240x128xf32, #tpu.memory_space<hbm>> -> memref<10240x128xf32, #tpu.memory_space<hbm>>
        tpu.wait_indirect_dma semaphore(%arg13 : memref<!tpu.dma_semaphore, #tpu.memory_space<semaphore_mem>>) src(%dma_wait3A_74 : memref<10240x128xf32, #tpu.memory_space<hbm>>) dst(%arg10 : memref<125x128xf32, #tpu.memory_space<vmem>>)
        %mul3A_75 = arith.constant 2 : i32
        %mul3A_76 = arith.muli %mul3A_75, %scan3A_67 : i32
        "tpu.region"() ({
          %run_scoped3A = tpu.sem_alloc : memref<!tpu.dma_semaphore, #tpu.memory_space<semaphore_mem>>
          %dma_start3A_97 = arith.constant 0 : i32
          %dma_start3A_98 = tpu.memref_slice %arg9[%mul3A_76, %dma_start3A_97] : memref<40x125xi32, #tpu.memory_space<vmem>> -> memref<1x125xi32, #tpu.memory_space<vmem>>
          %dma_start3A_99 = tpu.memref_squeeze %dma_start3A_98 : memref<1x125xi32, #tpu.memory_space<vmem>> -> memref<125xi32, #tpu.memory_space<vmem>>
          %dma_start3A_100 = arith.constant 0 : i32
          %dma_start3A_101 = arith.constant 0 : i32
          %dma_start3A_102 = tpu.memref_slice %arg12[%dma_start3A_100, %dma_start3A_101] : memref<10240x128xf32, #tpu.memory_space<vmem_shared>> -> memref<10240x128xf32, #tpu.memory_space<vmem_shared>>
          tpu.enqueue_indirect_dma source(%arg10 : memref<125x128xf32, #tpu.memory_space<vmem>>) target(%dma_start3A_102 : memref<10240x128xf32, #tpu.memory_space<vmem_shared>>) offsets(%dma_start3A_99 : memref<125xi32, #tpu.memory_space<vmem>>) semaphore(%run_scoped3A : memref<!tpu.dma_semaphore, #tpu.memory_space<semaphore_mem>>) {add = true}
          %dma_wait3A_103 = arith.constant 0 : i32
          %dma_wait3A_104 = tpu.memref_slice %arg9[%mul3A_76, %dma_wait3A_103] : memref<40x125xi32, #tpu.memory_space<vmem>> -> memref<1x125xi32, #tpu.memory_space<vmem>>
          %dma_wait3A_105 = tpu.memref_squeeze %dma_wait3A_104 : memref<1x125xi32, #tpu.memory_space<vmem>> -> memref<125xi32, #tpu.memory_space<vmem>>
          %dma_wait3A_106 = arith.constant 0 : i32
          %dma_wait3A_107 = arith.constant 0 : i32
          %dma_wait3A_108 = tpu.memref_slice %arg12[%dma_wait3A_106, %dma_wait3A_107] : memref<10240x128xf32, #tpu.memory_space<vmem_shared>> -> memref<10240x128xf32, #tpu.memory_space<vmem_shared>>
          tpu.wait_indirect_dma semaphore(%run_scoped3A : memref<!tpu.dma_semaphore, #tpu.memory_space<semaphore_mem>>) src(%arg10 : memref<125x128xf32, #tpu.memory_space<vmem>>) dst(%dma_wait3A_108 : memref<10240x128xf32, #tpu.memory_space<vmem_shared>>)
          tpu.yield
        }) : () -> ()
        %lt3A = arith.constant 19 : i32
        %lt3A_77 = arith.cmpi slt, %scan3A_67, %lt3A : i32
        %convert_element_type3A_78 = arith.extui %lt3A_77 : i1 to i32
        %cond3A_79 = arith.constant 0 : i32
        %cond3A_80 = arith.cmpi ne, %convert_element_type3A_78, %cond3A_79 : i32
        scf.if %cond3A_80 {
          %mul3A_97 = arith.constant 2 : i32
          %mul3A_98 = arith.muli %mul3A_97, %scan3A_67 : i32
          %add3A_99 = arith.constant 2 : i32
          %add3A_100 = arith.addi %mul3A_98, %add3A_99 : i32
          %dma_start3A_101 = arith.constant 0 : i32
          %dma_start3A_102 = tpu.memref_slice %arg8[%add3A_100, %dma_start3A_101] : memref<40x125xi32, #tpu.memory_space<vmem>> -> memref<1x125xi32, #tpu.memory_space<vmem>>
          %dma_start3A_103 = tpu.memref_squeeze %dma_start3A_102 : memref<1x125xi32, #tpu.memory_space<vmem>> -> memref<125xi32, #tpu.memory_space<vmem>>
          %dma_start3A_104 = arith.constant 0 : i32
          %dma_start3A_105 = arith.constant 0 : i32
          %dma_start3A_106 = tpu.memref_slice %arg2[%dma_start3A_104, %dma_start3A_105] : memref<10240x128xf32, #tpu.memory_space<hbm>> -> memref<10240x128xf32, #tpu.memory_space<hbm>>
          tpu.enqueue_indirect_dma source(%dma_start3A_106 : memref<10240x128xf32, #tpu.memory_space<hbm>>) target(%arg10 : memref<125x128xf32, #tpu.memory_space<vmem>>) offsets(%dma_start3A_103 : memref<125xi32, #tpu.memory_space<vmem>>) semaphore(%arg13 : memref<!tpu.dma_semaphore, #tpu.memory_space<semaphore_mem>>)
        } else {
        }
        %dma_wait3A_81 = arith.constant 1 : i32
        %dma_wait3A_82 = arith.constant 0 : i32
        %dma_wait3A_83 = tpu.memref_slice %arg8[%dma_wait3A_81, %dma_wait3A_82] : memref<40x125xi32, #tpu.memory_space<vmem>> -> memref<1x125xi32, #tpu.memory_space<vmem>>
        %dma_wait3A_84 = tpu.memref_squeeze %dma_wait3A_83 : memref<1x125xi32, #tpu.memory_space<vmem>> -> memref<125xi32, #tpu.memory_space<vmem>>
        %dma_wait3A_85 = arith.constant 0 : i32
        %dma_wait3A_86 = arith.constant 0 : i32
        %dma_wait3A_87 = tpu.memref_slice %arg2[%dma_wait3A_85, %dma_wait3A_86] : memref<10240x128xf32, #tpu.memory_space<hbm>> -> memref<10240x128xf32, #tpu.memory_space<hbm>>
        tpu.wait_indirect_dma semaphore(%arg14 : memref<!tpu.dma_semaphore, #tpu.memory_space<semaphore_mem>>) src(%dma_wait3A_87 : memref<10240x128xf32, #tpu.memory_space<hbm>>) dst(%arg11 : memref<125x128xf32, #tpu.memory_space<vmem>>)
        %mul3A_88 = arith.constant 2 : i32
        %mul3A_89 = arith.muli %mul3A_88, %scan3A_67 : i32
        %add3A_90 = arith.constant 1 : i32
        %add3A_91 = arith.addi %mul3A_89, %add3A_90 : i32
        "tpu.region"() ({
          %run_scoped3A = tpu.sem_alloc : memref<!tpu.dma_semaphore, #tpu.memory_space<semaphore_mem>>
          %dma_start3A_97 = arith.constant 0 : i32
          %dma_start3A_98 = tpu.memref_slice %arg9[%add3A_91, %dma_start3A_97] : memref<40x125xi32, #tpu.memory_space<vmem>> -> memref<1x125xi32, #tpu.memory_space<vmem>>
          %dma_start3A_99 = tpu.memref_squeeze %dma_start3A_98 : memref<1x125xi32, #tpu.memory_space<vmem>> -> memref<125xi32, #tpu.memory_space<vmem>>
          %dma_start3A_100 = arith.constant 0 : i32
          %dma_start3A_101 = arith.constant 0 : i32
          %dma_start3A_102 = tpu.memref_slice %arg12[%dma_start3A_100, %dma_start3A_101] : memref<10240x128xf32, #tpu.memory_space<vmem_shared>> -> memref<10240x128xf32, #tpu.memory_space<vmem_shared>>
          tpu.enqueue_indirect_dma source(%arg11 : memref<125x128xf32, #tpu.memory_space<vmem>>) target(%dma_start3A_102 : memref<10240x128xf32, #tpu.memory_space<vmem_shared>>) offsets(%dma_start3A_99 : memref<125xi32, #tpu.memory_space<vmem>>) semaphore(%run_scoped3A : memref<!tpu.dma_semaphore, #tpu.memory_space<semaphore_mem>>) {add = true}
          %dma_wait3A_103 = arith.constant 0 : i32
          %dma_wait3A_104 = tpu.memref_slice %arg9[%add3A_91, %dma_wait3A_103] : memref<40x125xi32, #tpu.memory_space<vmem>> -> memref<1x125xi32, #tpu.memory_space<vmem>>
          %dma_wait3A_105 = tpu.memref_squeeze %dma_wait3A_104 : memref<1x125xi32, #tpu.memory_space<vmem>> -> memref<125xi32, #tpu.memory_space<vmem>>
          %dma_wait3A_106 = arith.constant 0 : i32
          %dma_wait3A_107 = arith.constant 0 : i32
          %dma_wait3A_108 = tpu.memref_slice %arg12[%dma_wait3A_106, %dma_wait3A_107] : memref<10240x128xf32, #tpu.memory_space<vmem_shared>> -> memref<10240x128xf32, #tpu.memory_space<vmem_shared>>
          tpu.wait_indirect_dma semaphore(%run_scoped3A : memref<!tpu.dma_semaphore, #tpu.memory_space<semaphore_mem>>) src(%arg11 : memref<125x128xf32, #tpu.memory_space<vmem>>) dst(%dma_wait3A_108 : memref<10240x128xf32, #tpu.memory_space<vmem_shared>>)
          tpu.yield
        }) : () -> ()
        %lt3A_92 = arith.constant 19 : i32
        %lt3A_93 = arith.cmpi slt, %scan3A_67, %lt3A_92 : i32
        %convert_element_type3A_94 = arith.extui %lt3A_93 : i1 to i32
        %cond3A_95 = arith.constant 0 : i32
        %cond3A_96 = arith.cmpi ne, %convert_element_type3A_94, %cond3A_95 : i32
        scf.if %cond3A_96 {
          %mul3A_97 = arith.constant 2 : i32
          %mul3A_98 = arith.muli %mul3A_97, %scan3A_67 : i32
          %add3A_99 = arith.constant 3 : i32
          %add3A_100 = arith.addi %mul3A_98, %add3A_99 : i32
          %dma_start3A_101 = arith.constant 0 : i32
          %dma_start3A_102 = tpu.memref_slice %arg8[%add3A_100, %dma_start3A_101] : memref<40x125xi32, #tpu.memory_space<vmem>> -> memref<1x125xi32, #tpu.memory_space<vmem>>
          %dma_start3A_103 = tpu.memref_squeeze %dma_start3A_102 : memref<1x125xi32, #tpu.memory_space<vmem>> -> memref<125xi32, #tpu.memory_space<vmem>>
          %dma_start3A_104 = arith.constant 0 : i32
          %dma_start3A_105 = arith.constant 0 : i32
          %dma_start3A_106 = tpu.memref_slice %arg2[%dma_start3A_104, %dma_start3A_105] : memref<10240x128xf32, #tpu.memory_space<hbm>> -> memref<10240x128xf32, #tpu.memory_space<hbm>>
          tpu.enqueue_indirect_dma source(%dma_start3A_106 : memref<10240x128xf32, #tpu.memory_space<hbm>>) target(%arg11 : memref<125x128xf32, #tpu.memory_space<vmem>>) offsets(%dma_start3A_103 : memref<125xi32, #tpu.memory_space<vmem>>) semaphore(%arg14 : memref<!tpu.dma_semaphore, #tpu.memory_space<semaphore_mem>>)
        } else {
        }
      }
      %scan3A_37 = arith.constant 20 : i32
      %mul3A_38 = arith.constant 80 : i32
      %mul3A_39 = arith.muli %arg1, %mul3A_38 : i32
      %add3A_40 = arith.constant 40 : i32
      %add3A_41 = arith.addi %mul3A_39, %add3A_40 : i32
      "tpu.region"() ({
        %run_scoped3A = tpu.sem_alloc : memref<!tpu.dma_semaphore, #tpu.memory_space<semaphore_mem>>
        %dma_start3A_67 = arith.constant 0 : i32
        %dma_start3A_68 = tpu.memref_slice %arg4[%add3A_41, %dma_start3A_67] : memref<1280x125xi32, #tpu.memory_space<hbm>> -> memref<40x125xi32, #tpu.memory_space<hbm>>
        %dma_start3A_69 = arith.constant 0 : i32
        %dma_start3A_70 = tpu.memref_slice %arg4[%add3A_41, %dma_start3A_69] : memref<1280x125xi32, #tpu.memory_space<hbm>> -> memref<40x125xi32, #tpu.memory_space<hbm>>
        tpu.enqueue_dma source(%dma_start3A_70 : memref<40x125xi32, #tpu.memory_space<hbm>>) target(%arg8 : memref<40x125xi32, #tpu.memory_space<vmem>>) target_semaphore(%run_scoped3A : memref<!tpu.dma_semaphore, #tpu.memory_space<semaphore_mem>>)
        %dma_wait3A_71 = arith.constant 0 : i32
        %dma_wait3A_72 = tpu.memref_slice %arg4[%add3A_41, %dma_wait3A_71] : memref<1280x125xi32, #tpu.memory_space<hbm>> -> memref<40x125xi32, #tpu.memory_space<hbm>>
        %dma_wait3A_73 = arith.constant 0 : i32
        %dma_wait3A_74 = tpu.memref_slice %arg4[%add3A_41, %dma_wait3A_73] : memref<1280x125xi32, #tpu.memory_space<hbm>> -> memref<40x125xi32, #tpu.memory_space<hbm>>
        tpu.wait_dma2 semaphore(%run_scoped3A : memref<!tpu.dma_semaphore, #tpu.memory_space<semaphore_mem>>) src(%dma_wait3A_74 : memref<40x125xi32, #tpu.memory_space<hbm>>) dst(%arg8 : memref<40x125xi32, #tpu.memory_space<vmem>>)
        tpu.yield
      }) : () -> ()
      "tpu.region"() ({
        %run_scoped3A = tpu.sem_alloc : memref<!tpu.dma_semaphore, #tpu.memory_space<semaphore_mem>>
        %dma_start3A_67 = arith.constant 0 : i32
        %dma_start3A_68 = tpu.memref_slice %arg5[%add3A_41, %dma_start3A_67] : memref<1280x125xi32, #tpu.memory_space<hbm>> -> memref<40x125xi32, #tpu.memory_space<hbm>>
        %dma_start3A_69 = arith.constant 0 : i32
        %dma_start3A_70 = tpu.memref_slice %arg5[%add3A_41, %dma_start3A_69] : memref<1280x125xi32, #tpu.memory_space<hbm>> -> memref<40x125xi32, #tpu.memory_space<hbm>>
        tpu.enqueue_dma source(%dma_start3A_70 : memref<40x125xi32, #tpu.memory_space<hbm>>) target(%arg9 : memref<40x125xi32, #tpu.memory_space<vmem>>) target_semaphore(%run_scoped3A : memref<!tpu.dma_semaphore, #tpu.memory_space<semaphore_mem>>)
        %dma_wait3A_71 = arith.constant 0 : i32
        %dma_wait3A_72 = tpu.memref_slice %arg5[%add3A_41, %dma_wait3A_71] : memref<1280x125xi32, #tpu.memory_space<hbm>> -> memref<40x125xi32, #tpu.memory_space<hbm>>
        %dma_wait3A_73 = arith.constant 0 : i32
        %dma_wait3A_74 = tpu.memref_slice %arg5[%add3A_41, %dma_wait3A_73] : memref<1280x125xi32, #tpu.memory_space<hbm>> -> memref<40x125xi32, #tpu.memory_space<hbm>>
        tpu.wait_dma2 semaphore(%run_scoped3A : memref<!tpu.dma_semaphore, #tpu.memory_space<semaphore_mem>>) src(%dma_wait3A_74 : memref<40x125xi32, #tpu.memory_space<hbm>>) dst(%arg9 : memref<40x125xi32, #tpu.memory_space<vmem>>)
        tpu.yield
      }) : () -> ()
      %dma_start3A_42 = arith.constant 0 : i32
      %dma_start3A_43 = arith.constant 0 : i32
      %dma_start3A_44 = tpu.memref_slice %arg8[%dma_start3A_42, %dma_start3A_43] : memref<40x125xi32, #tpu.memory_space<vmem>> -> memref<1x125xi32, #tpu.memory_space<vmem>>
      %dma_start3A_45 = tpu.memref_squeeze %dma_start3A_44 : memref<1x125xi32, #tpu.memory_space<vmem>> -> memref<125xi32, #tpu.memory_space<vmem>>
      %dma_start3A_46 = arith.constant 0 : i32
      %dma_start3A_47 = arith.constant 0 : i32
      %dma_start3A_48 = tpu.memref_slice %arg2[%dma_start3A_46, %dma_start3A_47] : memref<10240x128xf32, #tpu.memory_space<hbm>> -> memref<10240x128xf32, #tpu.memory_space<hbm>>
      tpu.enqueue_indirect_dma source(%dma_start3A_48 : memref<10240x128xf32, #tpu.memory_space<hbm>>) target(%arg10 : memref<125x128xf32, #tpu.memory_space<vmem>>) offsets(%dma_start3A_45 : memref<125xi32, #tpu.memory_space<vmem>>) semaphore(%arg13 : memref<!tpu.dma_semaphore, #tpu.memory_space<semaphore_mem>>)
      %dma_start3A_49 = arith.constant 1 : i32
      %dma_start3A_50 = arith.constant 0 : i32
      %dma_start3A_51 = tpu.memref_slice %arg8[%dma_start3A_49, %dma_start3A_50] : memref<40x125xi32, #tpu.memory_space<vmem>> -> memref<1x125xi32, #tpu.memory_space<vmem>>
      %dma_start3A_52 = tpu.memref_squeeze %dma_start3A_51 : memref<1x125xi32, #tpu.memory_space<vmem>> -> memref<125xi32, #tpu.memory_space<vmem>>
      %dma_start3A_53 = arith.constant 0 : i32
      %dma_start3A_54 = arith.constant 0 : i32
      %dma_start3A_55 = tpu.memref_slice %arg2[%dma_start3A_53, %dma_start3A_54] : memref<10240x128xf32, #tpu.memory_space<hbm>> -> memref<10240x128xf32, #tpu.memory_space<hbm>>
      tpu.enqueue_indirect_dma source(%dma_start3A_55 : memref<10240x128xf32, #tpu.memory_space<hbm>>) target(%arg11 : memref<125x128xf32, #tpu.memory_space<vmem>>) offsets(%dma_start3A_52 : memref<125xi32, #tpu.memory_space<vmem>>) semaphore(%arg14 : memref<!tpu.dma_semaphore, #tpu.memory_space<semaphore_mem>>)
      %scan3A_56 = arith.constant 0 : i32
      %scan3A_57 = arith.constant 0 : i32
      %scan3A_58 = arith.constant 20 : i32
      %scan3A_59 = arith.addi %scan3A_57, %scan3A_58 : i32
      %scan3A_60 = arith.constant 1 : i32
      scf.for %scan3A_67 = %scan3A_57 to %scan3A_59 step %scan3A_60  : i32 {
        %dma_wait3A_68 = arith.constant 0 : i32
        %dma_wait3A_69 = arith.constant 0 : i32
        %dma_wait3A_70 = tpu.memref_slice %arg8[%dma_wait3A_68, %dma_wait3A_69] : memref<40x125xi32, #tpu.memory_space<vmem>> -> memref<1x125xi32, #tpu.memory_space<vmem>>
        %dma_wait3A_71 = tpu.memref_squeeze %dma_wait3A_70 : memref<1x125xi32, #tpu.memory_space<vmem>> -> memref<125xi32, #tpu.memory_space<vmem>>
        %dma_wait3A_72 = arith.constant 0 : i32
        %dma_wait3A_73 = arith.constant 0 : i32
        %dma_wait3A_74 = tpu.memref_slice %arg2[%dma_wait3A_72, %dma_wait3A_73] : memref<10240x128xf32, #tpu.memory_space<hbm>> -> memref<10240x128xf32, #tpu.memory_space<hbm>>
        tpu.wait_indirect_dma semaphore(%arg13 : memref<!tpu.dma_semaphore, #tpu.memory_space<semaphore_mem>>) src(%dma_wait3A_74 : memref<10240x128xf32, #tpu.memory_space<hbm>>) dst(%arg10 : memref<125x128xf32, #tpu.memory_space<vmem>>)
        %mul3A_75 = arith.constant 2 : i32
        %mul3A_76 = arith.muli %mul3A_75, %scan3A_67 : i32
        "tpu.region"() ({
          %run_scoped3A = tpu.sem_alloc : memref<!tpu.dma_semaphore, #tpu.memory_space<semaphore_mem>>
          %dma_start3A_97 = arith.constant 0 : i32
          %dma_start3A_98 = tpu.memref_slice %arg9[%mul3A_76, %dma_start3A_97] : memref<40x125xi32, #tpu.memory_space<vmem>> -> memref<1x125xi32, #tpu.memory_space<vmem>>
          %dma_start3A_99 = tpu.memref_squeeze %dma_start3A_98 : memref<1x125xi32, #tpu.memory_space<vmem>> -> memref<125xi32, #tpu.memory_space<vmem>>
          %dma_start3A_100 = arith.constant 0 : i32
          %dma_start3A_101 = arith.constant 0 : i32
          %dma_start3A_102 = tpu.memref_slice %arg12[%dma_start3A_100, %dma_start3A_101] : memref<10240x128xf32, #tpu.memory_space<vmem_shared>> -> memref<10240x128xf32, #tpu.memory_space<vmem_shared>>
          tpu.enqueue_indirect_dma source(%arg10 : memref<125x128xf32, #tpu.memory_space<vmem>>) target(%dma_start3A_102 : memref<10240x128xf32, #tpu.memory_space<vmem_shared>>) offsets(%dma_start3A_99 : memref<125xi32, #tpu.memory_space<vmem>>) semaphore(%run_scoped3A : memref<!tpu.dma_semaphore, #tpu.memory_space<semaphore_mem>>) {add = true}
          %dma_wait3A_103 = arith.constant 0 : i32
          %dma_wait3A_104 = tpu.memref_slice %arg9[%mul3A_76, %dma_wait3A_103] : memref<40x125xi32, #tpu.memory_space<vmem>> -> memref<1x125xi32, #tpu.memory_space<vmem>>
          %dma_wait3A_105 = tpu.memref_squeeze %dma_wait3A_104 : memref<1x125xi32, #tpu.memory_space<vmem>> -> memref<125xi32, #tpu.memory_space<vmem>>
          %dma_wait3A_106 = arith.constant 0 : i32
          %dma_wait3A_107 = arith.constant 0 : i32
          %dma_wait3A_108 = tpu.memref_slice %arg12[%dma_wait3A_106, %dma_wait3A_107] : memref<10240x128xf32, #tpu.memory_space<vmem_shared>> -> memref<10240x128xf32, #tpu.memory_space<vmem_shared>>
          tpu.wait_indirect_dma semaphore(%run_scoped3A : memref<!tpu.dma_semaphore, #tpu.memory_space<semaphore_mem>>) src(%arg10 : memref<125x128xf32, #tpu.memory_space<vmem>>) dst(%dma_wait3A_108 : memref<10240x128xf32, #tpu.memory_space<vmem_shared>>)
          tpu.yield
        }) : () -> ()
        %lt3A = arith.constant 19 : i32
        %lt3A_77 = arith.cmpi slt, %scan3A_67, %lt3A : i32
        %convert_element_type3A_78 = arith.extui %lt3A_77 : i1 to i32
        %cond3A_79 = arith.constant 0 : i32
        %cond3A_80 = arith.cmpi ne, %convert_element_type3A_78, %cond3A_79 : i32
        scf.if %cond3A_80 {
          %mul3A_97 = arith.constant 2 : i32
          %mul3A_98 = arith.muli %mul3A_97, %scan3A_67 : i32
          %add3A_99 = arith.constant 2 : i32
          %add3A_100 = arith.addi %mul3A_98, %add3A_99 : i32
          %dma_start3A_101 = arith.constant 0 : i32
          %dma_start3A_102 = tpu.memref_slice %arg8[%add3A_100, %dma_start3A_101] : memref<40x125xi32, #tpu.memory_space<vmem>> -> memref<1x125xi32, #tpu.memory_space<vmem>>
          %dma_start3A_103 = tpu.memref_squeeze %dma_start3A_102 : memref<1x125xi32, #tpu.memory_space<vmem>> -> memref<125xi32, #tpu.memory_space<vmem>>
          %dma_start3A_104 = arith.constant 0 : i32
          %dma_start3A_105 = arith.constant 0 : i32
          %dma_start3A_106 = tpu.memref_slice %arg2[%dma_start3A_104, %dma_start3A_105] : memref<10240x128xf32, #tpu.memory_space<hbm>> -> memref<10240x128xf32, #tpu.memory_space<hbm>>
          tpu.enqueue_indirect_dma source(%dma_start3A_106 : memref<10240x128xf32, #tpu.memory_space<hbm>>) target(%arg10 : memref<125x128xf32, #tpu.memory_space<vmem>>) offsets(%dma_start3A_103 : memref<125xi32, #tpu.memory_space<vmem>>) semaphore(%arg13 : memref<!tpu.dma_semaphore, #tpu.memory_space<semaphore_mem>>)
        } else {
        }
        %dma_wait3A_81 = arith.constant 1 : i32
        %dma_wait3A_82 = arith.constant 0 : i32
        %dma_wait3A_83 = tpu.memref_slice %arg8[%dma_wait3A_81, %dma_wait3A_82] : memref<40x125xi32, #tpu.memory_space<vmem>> -> memref<1x125xi32, #tpu.memory_space<vmem>>
        %dma_wait3A_84 = tpu.memref_squeeze %dma_wait3A_83 : memref<1x125xi32, #tpu.memory_space<vmem>> -> memref<125xi32, #tpu.memory_space<vmem>>
        %dma_wait3A_85 = arith.constant 0 : i32
        %dma_wait3A_86 = arith.constant 0 : i32
        %dma_wait3A_87 = tpu.memref_slice %arg2[%dma_wait3A_85, %dma_wait3A_86] : memref<10240x128xf32, #tpu.memory_space<hbm>> -> memref<10240x128xf32, #tpu.memory_space<hbm>>
        tpu.wait_indirect_dma semaphore(%arg14 : memref<!tpu.dma_semaphore, #tpu.memory_space<semaphore_mem>>) src(%dma_wait3A_87 : memref<10240x128xf32, #tpu.memory_space<hbm>>) dst(%arg11 : memref<125x128xf32, #tpu.memory_space<vmem>>)
        %mul3A_88 = arith.constant 2 : i32
        %mul3A_89 = arith.muli %mul3A_88, %scan3A_67 : i32
        %add3A_90 = arith.constant 1 : i32
        %add3A_91 = arith.addi %mul3A_89, %add3A_90 : i32
        "tpu.region"() ({
          %run_scoped3A = tpu.sem_alloc : memref<!tpu.dma_semaphore, #tpu.memory_space<semaphore_mem>>
          %dma_start3A_97 = arith.constant 0 : i32
          %dma_start3A_98 = tpu.memref_slice %arg9[%add3A_91, %dma_start3A_97] : memref<40x125xi32, #tpu.memory_space<vmem>> -> memref<1x125xi32, #tpu.memory_space<vmem>>
          %dma_start3A_99 = tpu.memref_squeeze %dma_start3A_98 : memref<1x125xi32, #tpu.memory_space<vmem>> -> memref<125xi32, #tpu.memory_space<vmem>>
          %dma_start3A_100 = arith.constant 0 : i32
          %dma_start3A_101 = arith.constant 0 : i32
          %dma_start3A_102 = tpu.memref_slice %arg12[%dma_start3A_100, %dma_start3A_101] : memref<10240x128xf32, #tpu.memory_space<vmem_shared>> -> memref<10240x128xf32, #tpu.memory_space<vmem_shared>>
          tpu.enqueue_indirect_dma source(%arg11 : memref<125x128xf32, #tpu.memory_space<vmem>>) target(%dma_start3A_102 : memref<10240x128xf32, #tpu.memory_space<vmem_shared>>) offsets(%dma_start3A_99 : memref<125xi32, #tpu.memory_space<vmem>>) semaphore(%run_scoped3A : memref<!tpu.dma_semaphore, #tpu.memory_space<semaphore_mem>>) {add = true}
          %dma_wait3A_103 = arith.constant 0 : i32
          %dma_wait3A_104 = tpu.memref_slice %arg9[%add3A_91, %dma_wait3A_103] : memref<40x125xi32, #tpu.memory_space<vmem>> -> memref<1x125xi32, #tpu.memory_space<vmem>>
          %dma_wait3A_105 = tpu.memref_squeeze %dma_wait3A_104 : memref<1x125xi32, #tpu.memory_space<vmem>> -> memref<125xi32, #tpu.memory_space<vmem>>
          %dma_wait3A_106 = arith.constant 0 : i32
          %dma_wait3A_107 = arith.constant 0 : i32
          %dma_wait3A_108 = tpu.memref_slice %arg12[%dma_wait3A_106, %dma_wait3A_107] : memref<10240x128xf32, #tpu.memory_space<vmem_shared>> -> memref<10240x128xf32, #tpu.memory_space<vmem_shared>>
          tpu.wait_indirect_dma semaphore(%run_scoped3A : memref<!tpu.dma_semaphore, #tpu.memory_space<semaphore_mem>>) src(%arg11 : memref<125x128xf32, #tpu.memory_space<vmem>>) dst(%dma_wait3A_108 : memref<10240x128xf32, #tpu.memory_space<vmem_shared>>)
          tpu.yield
        }) : () -> ()
        %lt3A_92 = arith.constant 19 : i32
        %lt3A_93 = arith.cmpi slt, %scan3A_67, %lt3A_92 : i32
        %convert_element_type3A_94 = arith.extui %lt3A_93 : i1 to i32
        %cond3A_95 = arith.constant 0 : i32
        %cond3A_96 = arith.cmpi ne, %convert_element_type3A_94, %cond3A_95 : i32
        scf.if %cond3A_96 {
          %mul3A_97 = arith.constant 2 : i32
          %mul3A_98 = arith.muli %mul3A_97, %scan3A_67 : i32
          %add3A_99 = arith.constant 3 : i32
          %add3A_100 = arith.addi %mul3A_98, %add3A_99 : i32
          %dma_start3A_101 = arith.constant 0 : i32
          %dma_start3A_102 = tpu.memref_slice %arg8[%add3A_100, %dma_start3A_101] : memref<40x125xi32, #tpu.memory_space<vmem>> -> memref<1x125xi32, #tpu.memory_space<vmem>>
          %dma_start3A_103 = tpu.memref_squeeze %dma_start3A_102 : memref<1x125xi32, #tpu.memory_space<vmem>> -> memref<125xi32, #tpu.memory_space<vmem>>
          %dma_start3A_104 = arith.constant 0 : i32
          %dma_start3A_105 = arith.constant 0 : i32
          %dma_start3A_106 = tpu.memref_slice %arg2[%dma_start3A_104, %dma_start3A_105] : memref<10240x128xf32, #tpu.memory_space<hbm>> -> memref<10240x128xf32, #tpu.memory_space<hbm>>
          tpu.enqueue_indirect_dma source(%dma_start3A_106 : memref<10240x128xf32, #tpu.memory_space<hbm>>) target(%arg11 : memref<125x128xf32, #tpu.memory_space<vmem>>) offsets(%dma_start3A_103 : memref<125xi32, #tpu.memory_space<vmem>>) semaphore(%arg14 : memref<!tpu.dma_semaphore, #tpu.memory_space<semaphore_mem>>)
        } else {
        }
      }
      %scan3A_61 = arith.constant 20 : i32
      %barrier3A_62 = arith.constant 0 : index
      tpu.barrier barrier_id(%barrier3A_62)
      %mul3A_63 = arith.constant 640 : i32
      %mul3A_64 = arith.muli %arg1, %mul3A_63 : i32
      %mul3A_65 = arith.constant 640 : i32
      %mul3A_66 = arith.muli %arg1, %mul3A_65 : i32
      "tpu.region"() ({
        %run_scoped3A = tpu.sem_alloc : memref<!tpu.dma_semaphore, #tpu.memory_space<semaphore_mem>>
        %dma_start3A_67 = arith.constant 0 : i32
        %dma_start3A_68 = tpu.memref_slice %arg6[%mul3A_66, %dma_start3A_67] : memref<10240x128xf32, #tpu.memory_space<hbm>> -> memref<640x128xf32, #tpu.memory_space<hbm>>
        %dma_start3A_69 = arith.constant 0 : i32
        %dma_start3A_70 = tpu.memref_slice %arg12[%mul3A_64, %dma_start3A_69] : memref<10240x128xf32, #tpu.memory_space<vmem_shared>> -> memref<640x128xf32, #tpu.memory_space<vmem_shared>>
        tpu.enqueue_dma source(%dma_start3A_70 : memref<640x128xf32, #tpu.memory_space<vmem_shared>>) target(%dma_start3A_68 : memref<640x128xf32, #tpu.memory_space<hbm>>) target_semaphore(%run_scoped3A : memref<!tpu.dma_semaphore, #tpu.memory_space<semaphore_mem>>)
        %dma_wait3A_71 = arith.constant 0 : i32
        %dma_wait3A_72 = tpu.memref_slice %arg6[%mul3A_66, %dma_wait3A_71] : memref<10240x128xf32, #tpu.memory_space<hbm>> -> memref<640x128xf32, #tpu.memory_space<hbm>>
        %dma_wait3A_73 = arith.constant 0 : i32
        %dma_wait3A_74 = tpu.memref_slice %arg12[%mul3A_64, %dma_wait3A_73] : memref<10240x128xf32, #tpu.memory_space<vmem_shared>> -> memref<640x128xf32, #tpu.memory_space<vmem_shared>>
        tpu.wait_dma2 semaphore(%run_scoped3A : memref<!tpu.dma_semaphore, #tpu.memory_space<semaphore_mem>>) src(%dma_wait3A_74 : memref<640x128xf32, #tpu.memory_space<vmem_shared>>) dst(%dma_wait3A_72 : memref<640x128xf32, #tpu.memory_space<hbm>>)
        tpu.yield
      }) : () -> ()
    } else {
    }
    %eq3A_2 = arith.constant 1 : i32
    %eq3A_3 = arith.cmpi eq, %arg0, %eq3A_2 : i32
    %convert_element_type3A_4 = arith.extui %eq3A_3 : i1 to i32
    %cond3A_5 = arith.constant 0 : i32
    %cond3A_6 = arith.cmpi ne, %convert_element_type3A_4, %cond3A_5 : i32
    scf.if %cond3A_6 {
      %mul3A = arith.constant 640 : i32
      %mul3A_7 = arith.muli %arg1, %mul3A : i32
      %mul3A_8 = arith.constant 640 : i32
      %mul3A_9 = arith.muli %arg1, %mul3A_8 : i32
      %dma_start3A = arith.constant 0 : i32
      %dma_start3A_10 = tpu.memref_slice %arg12[%mul3A_9, %dma_start3A] : memref<10240x128xf32, #tpu.memory_space<vmem_shared>> -> memref<640x128xf32, #tpu.memory_space<vmem_shared>>
      %dma_start3A_11 = arith.constant 0 : i32
      %dma_start3A_12 = tpu.memref_slice %arg3[%mul3A_7, %dma_start3A_11] : memref<10240x128xf32, #tpu.memory_space<hbm>> -> memref<640x128xf32, #tpu.memory_space<hbm>>
      tpu.enqueue_dma source(%dma_start3A_12 : memref<640x128xf32, #tpu.memory_space<hbm>>) target(%dma_start3A_10 : memref<640x128xf32, #tpu.memory_space<vmem_shared>>) target_semaphore(%arg15 : memref<!tpu.dma_semaphore, #tpu.memory_space<semaphore_mem>>)
      %mul3A_13 = arith.constant 80 : i32
      %mul3A_14 = arith.muli %arg1, %mul3A_13 : i32
      %add3A = arith.constant 0 : i32
      %add3A_15 = arith.addi %mul3A_14, %add3A : i32
      "tpu.region"() ({
        %run_scoped3A = tpu.sem_alloc : memref<!tpu.dma_semaphore, #tpu.memory_space<semaphore_mem>>
        %dma_start3A_67 = arith.constant 0 : i32
        %dma_start3A_68 = tpu.memref_slice %arg4[%add3A_15, %dma_start3A_67] : memref<1280x125xi32, #tpu.memory_space<hbm>> -> memref<40x125xi32, #tpu.memory_space<hbm>>
        %dma_start3A_69 = arith.constant 0 : i32
        %dma_start3A_70 = tpu.memref_slice %arg4[%add3A_15, %dma_start3A_69] : memref<1280x125xi32, #tpu.memory_space<hbm>> -> memref<40x125xi32, #tpu.memory_space<hbm>>
        tpu.enqueue_dma source(%dma_start3A_70 : memref<40x125xi32, #tpu.memory_space<hbm>>) target(%arg8 : memref<40x125xi32, #tpu.memory_space<vmem>>) target_semaphore(%run_scoped3A : memref<!tpu.dma_semaphore, #tpu.memory_space<semaphore_mem>>)
        %dma_wait3A_71 = arith.constant 0 : i32
        %dma_wait3A_72 = tpu.memref_slice %arg4[%add3A_15, %dma_wait3A_71] : memref<1280x125xi32, #tpu.memory_space<hbm>> -> memref<40x125xi32, #tpu.memory_space<hbm>>
        %dma_wait3A_73 = arith.constant 0 : i32
        %dma_wait3A_74 = tpu.memref_slice %arg4[%add3A_15, %dma_wait3A_73] : memref<1280x125xi32, #tpu.memory_space<hbm>> -> memref<40x125xi32, #tpu.memory_space<hbm>>
        tpu.wait_dma2 semaphore(%run_scoped3A : memref<!tpu.dma_semaphore, #tpu.memory_space<semaphore_mem>>) src(%dma_wait3A_74 : memref<40x125xi32, #tpu.memory_space<hbm>>) dst(%arg8 : memref<40x125xi32, #tpu.memory_space<vmem>>)
        tpu.yield
      }) : () -> ()
      "tpu.region"() ({
        %run_scoped3A = tpu.sem_alloc : memref<!tpu.dma_semaphore, #tpu.memory_space<semaphore_mem>>
        %dma_start3A_67 = arith.constant 0 : i32
        %dma_start3A_68 = tpu.memref_slice %arg5[%add3A_15, %dma_start3A_67] : memref<1280x125xi32, #tpu.memory_space<hbm>> -> memref<40x125xi32, #tpu.memory_space<hbm>>
        %dma_start3A_69 = arith.constant 0 : i32
        %dma_start3A_70 = tpu.memref_slice %arg5[%add3A_15, %dma_start3A_69] : memref<1280x125xi32, #tpu.memory_space<hbm>> -> memref<40x125xi32, #tpu.memory_space<hbm>>
        tpu.enqueue_dma source(%dma_start3A_70 : memref<40x125xi32, #tpu.memory_space<hbm>>) target(%arg9 : memref<40x125xi32, #tpu.memory_space<vmem>>) target_semaphore(%run_scoped3A : memref<!tpu.dma_semaphore, #tpu.memory_space<semaphore_mem>>)
        %dma_wait3A_71 = arith.constant 0 : i32
        %dma_wait3A_72 = tpu.memref_slice %arg5[%add3A_15, %dma_wait3A_71] : memref<1280x125xi32, #tpu.memory_space<hbm>> -> memref<40x125xi32, #tpu.memory_space<hbm>>
        %dma_wait3A_73 = arith.constant 0 : i32
        %dma_wait3A_74 = tpu.memref_slice %arg5[%add3A_15, %dma_wait3A_73] : memref<1280x125xi32, #tpu.memory_space<hbm>> -> memref<40x125xi32, #tpu.memory_space<hbm>>
        tpu.wait_dma2 semaphore(%run_scoped3A : memref<!tpu.dma_semaphore, #tpu.memory_space<semaphore_mem>>) src(%dma_wait3A_74 : memref<40x125xi32, #tpu.memory_space<hbm>>) dst(%arg9 : memref<40x125xi32, #tpu.memory_space<vmem>>)
        tpu.yield
      }) : () -> ()
      %dma_wait3A = arith.constant 0 : i32
      %dma_wait3A_16 = tpu.memref_slice %arg12[%mul3A_9, %dma_wait3A] : memref<10240x128xf32, #tpu.memory_space<vmem_shared>> -> memref<640x128xf32, #tpu.memory_space<vmem_shared>>
      %dma_wait3A_17 = arith.constant 0 : i32
      %dma_wait3A_18 = tpu.memref_slice %arg3[%mul3A_7, %dma_wait3A_17] : memref<10240x128xf32, #tpu.memory_space<hbm>> -> memref<640x128xf32, #tpu.memory_space<hbm>>
      tpu.wait_dma2 semaphore(%arg15 : memref<!tpu.dma_semaphore, #tpu.memory_space<semaphore_mem>>) src(%dma_wait3A_18 : memref<640x128xf32, #tpu.memory_space<hbm>>) dst(%dma_wait3A_16 : memref<640x128xf32, #tpu.memory_space<vmem_shared>>)
      %barrier3A = arith.constant 0 : index
      tpu.barrier barrier_id(%barrier3A)
      %dma_start3A_19 = arith.constant 0 : i32
      %dma_start3A_20 = arith.constant 0 : i32
      %dma_start3A_21 = tpu.memref_slice %arg8[%dma_start3A_19, %dma_start3A_20] : memref<40x125xi32, #tpu.memory_space<vmem>> -> memref<1x125xi32, #tpu.memory_space<vmem>>
      %dma_start3A_22 = tpu.memref_squeeze %dma_start3A_21 : memref<1x125xi32, #tpu.memory_space<vmem>> -> memref<125xi32, #tpu.memory_space<vmem>>
      %dma_start3A_23 = arith.constant 0 : i32
      %dma_start3A_24 = arith.constant 0 : i32
      %dma_start3A_25 = tpu.memref_slice %arg3[%dma_start3A_23, %dma_start3A_24] : memref<10240x128xf32, #tpu.memory_space<hbm>> -> memref<10240x128xf32, #tpu.memory_space<hbm>>
      tpu.enqueue_indirect_dma source(%dma_start3A_25 : memref<10240x128xf32, #tpu.memory_space<hbm>>) target(%arg10 : memref<125x128xf32, #tpu.memory_space<vmem>>) offsets(%dma_start3A_22 : memref<125xi32, #tpu.memory_space<vmem>>) semaphore(%arg13 : memref<!tpu.dma_semaphore, #tpu.memory_space<semaphore_mem>>)
      %dma_start3A_26 = arith.constant 1 : i32
      %dma_start3A_27 = arith.constant 0 : i32
      %dma_start3A_28 = tpu.memref_slice %arg8[%dma_start3A_26, %dma_start3A_27] : memref<40x125xi32, #tpu.memory_space<vmem>> -> memref<1x125xi32, #tpu.memory_space<vmem>>
      %dma_start3A_29 = tpu.memref_squeeze %dma_start3A_28 : memref<1x125xi32, #tpu.memory_space<vmem>> -> memref<125xi32, #tpu.memory_space<vmem>>
      %dma_start3A_30 = arith.constant 0 : i32
      %dma_start3A_31 = arith.constant 0 : i32
      %dma_start3A_32 = tpu.memref_slice %arg3[%dma_start3A_30, %dma_start3A_31] : memref<10240x128xf32, #tpu.memory_space<hbm>> -> memref<10240x128xf32, #tpu.memory_space<hbm>>
      tpu.enqueue_indirect_dma source(%dma_start3A_32 : memref<10240x128xf32, #tpu.memory_space<hbm>>) target(%arg11 : memref<125x128xf32, #tpu.memory_space<vmem>>) offsets(%dma_start3A_29 : memref<125xi32, #tpu.memory_space<vmem>>) semaphore(%arg14 : memref<!tpu.dma_semaphore, #tpu.memory_space<semaphore_mem>>)
      %scan3A = arith.constant 0 : i32
      %scan3A_33 = arith.constant 0 : i32
      %scan3A_34 = arith.constant 20 : i32
      %scan3A_35 = arith.addi %scan3A_33, %scan3A_34 : i32
      %scan3A_36 = arith.constant 1 : i32
      scf.for %scan3A_67 = %scan3A_33 to %scan3A_35 step %scan3A_36  : i32 {
        %dma_wait3A_68 = arith.constant 0 : i32
        %dma_wait3A_69 = arith.constant 0 : i32
        %dma_wait3A_70 = tpu.memref_slice %arg8[%dma_wait3A_68, %dma_wait3A_69] : memref<40x125xi32, #tpu.memory_space<vmem>> -> memref<1x125xi32, #tpu.memory_space<vmem>>
        %dma_wait3A_71 = tpu.memref_squeeze %dma_wait3A_70 : memref<1x125xi32, #tpu.memory_space<vmem>> -> memref<125xi32, #tpu.memory_space<vmem>>
        %dma_wait3A_72 = arith.constant 0 : i32
        %dma_wait3A_73 = arith.constant 0 : i32
        %dma_wait3A_74 = tpu.memref_slice %arg3[%dma_wait3A_72, %dma_wait3A_73] : memref<10240x128xf32, #tpu.memory_space<hbm>> -> memref<10240x128xf32, #tpu.memory_space<hbm>>
        tpu.wait_indirect_dma semaphore(%arg13 : memref<!tpu.dma_semaphore, #tpu.memory_space<semaphore_mem>>) src(%dma_wait3A_74 : memref<10240x128xf32, #tpu.memory_space<hbm>>) dst(%arg10 : memref<125x128xf32, #tpu.memory_space<vmem>>)
        %mul3A_75 = arith.constant 2 : i32
        %mul3A_76 = arith.muli %mul3A_75, %scan3A_67 : i32
        "tpu.region"() ({
          %run_scoped3A = tpu.sem_alloc : memref<!tpu.dma_semaphore, #tpu.memory_space<semaphore_mem>>
          %dma_start3A_97 = arith.constant 0 : i32
          %dma_start3A_98 = tpu.memref_slice %arg9[%mul3A_76, %dma_start3A_97] : memref<40x125xi32, #tpu.memory_space<vmem>> -> memref<1x125xi32, #tpu.memory_space<vmem>>
          %dma_start3A_99 = tpu.memref_squeeze %dma_start3A_98 : memref<1x125xi32, #tpu.memory_space<vmem>> -> memref<125xi32, #tpu.memory_space<vmem>>
          %dma_start3A_100 = arith.constant 0 : i32
          %dma_start3A_101 = arith.constant 0 : i32
          %dma_start3A_102 = tpu.memref_slice %arg12[%dma_start3A_100, %dma_start3A_101] : memref<10240x128xf32, #tpu.memory_space<vmem_shared>> -> memref<10240x128xf32, #tpu.memory_space<vmem_shared>>
          tpu.enqueue_indirect_dma source(%arg10 : memref<125x128xf32, #tpu.memory_space<vmem>>) target(%dma_start3A_102 : memref<10240x128xf32, #tpu.memory_space<vmem_shared>>) offsets(%dma_start3A_99 : memref<125xi32, #tpu.memory_space<vmem>>) semaphore(%run_scoped3A : memref<!tpu.dma_semaphore, #tpu.memory_space<semaphore_mem>>) {add = true}
          %dma_wait3A_103 = arith.constant 0 : i32
          %dma_wait3A_104 = tpu.memref_slice %arg9[%mul3A_76, %dma_wait3A_103] : memref<40x125xi32, #tpu.memory_space<vmem>> -> memref<1x125xi32, #tpu.memory_space<vmem>>
          %dma_wait3A_105 = tpu.memref_squeeze %dma_wait3A_104 : memref<1x125xi32, #tpu.memory_space<vmem>> -> memref<125xi32, #tpu.memory_space<vmem>>
          %dma_wait3A_106 = arith.constant 0 : i32
          %dma_wait3A_107 = arith.constant 0 : i32
          %dma_wait3A_108 = tpu.memref_slice %arg12[%dma_wait3A_106, %dma_wait3A_107] : memref<10240x128xf32, #tpu.memory_space<vmem_shared>> -> memref<10240x128xf32, #tpu.memory_space<vmem_shared>>
          tpu.wait_indirect_dma semaphore(%run_scoped3A : memref<!tpu.dma_semaphore, #tpu.memory_space<semaphore_mem>>) src(%arg10 : memref<125x128xf32, #tpu.memory_space<vmem>>) dst(%dma_wait3A_108 : memref<10240x128xf32, #tpu.memory_space<vmem_shared>>)
          tpu.yield
        }) : () -> ()
        %lt3A = arith.constant 19 : i32
        %lt3A_77 = arith.cmpi slt, %scan3A_67, %lt3A : i32
        %convert_element_type3A_78 = arith.extui %lt3A_77 : i1 to i32
        %cond3A_79 = arith.constant 0 : i32
        %cond3A_80 = arith.cmpi ne, %convert_element_type3A_78, %cond3A_79 : i32
        scf.if %cond3A_80 {
          %mul3A_97 = arith.constant 2 : i32
          %mul3A_98 = arith.muli %mul3A_97, %scan3A_67 : i32
          %add3A_99 = arith.constant 2 : i32
          %add3A_100 = arith.addi %mul3A_98, %add3A_99 : i32
          %dma_start3A_101 = arith.constant 0 : i32
          %dma_start3A_102 = tpu.memref_slice %arg8[%add3A_100, %dma_start3A_101] : memref<40x125xi32, #tpu.memory_space<vmem>> -> memref<1x125xi32, #tpu.memory_space<vmem>>
          %dma_start3A_103 = tpu.memref_squeeze %dma_start3A_102 : memref<1x125xi32, #tpu.memory_space<vmem>> -> memref<125xi32, #tpu.memory_space<vmem>>
          %dma_start3A_104 = arith.constant 0 : i32
          %dma_start3A_105 = arith.constant 0 : i32
          %dma_start3A_106 = tpu.memref_slice %arg3[%dma_start3A_104, %dma_start3A_105] : memref<10240x128xf32, #tpu.memory_space<hbm>> -> memref<10240x128xf32, #tpu.memory_space<hbm>>
          tpu.enqueue_indirect_dma source(%dma_start3A_106 : memref<10240x128xf32, #tpu.memory_space<hbm>>) target(%arg10 : memref<125x128xf32, #tpu.memory_space<vmem>>) offsets(%dma_start3A_103 : memref<125xi32, #tpu.memory_space<vmem>>) semaphore(%arg13 : memref<!tpu.dma_semaphore, #tpu.memory_space<semaphore_mem>>)
        } else {
        }
        %dma_wait3A_81 = arith.constant 1 : i32
        %dma_wait3A_82 = arith.constant 0 : i32
        %dma_wait3A_83 = tpu.memref_slice %arg8[%dma_wait3A_81, %dma_wait3A_82] : memref<40x125xi32, #tpu.memory_space<vmem>> -> memref<1x125xi32, #tpu.memory_space<vmem>>
        %dma_wait3A_84 = tpu.memref_squeeze %dma_wait3A_83 : memref<1x125xi32, #tpu.memory_space<vmem>> -> memref<125xi32, #tpu.memory_space<vmem>>
        %dma_wait3A_85 = arith.constant 0 : i32
        %dma_wait3A_86 = arith.constant 0 : i32
        %dma_wait3A_87 = tpu.memref_slice %arg3[%dma_wait3A_85, %dma_wait3A_86] : memref<10240x128xf32, #tpu.memory_space<hbm>> -> memref<10240x128xf32, #tpu.memory_space<hbm>>
        tpu.wait_indirect_dma semaphore(%arg14 : memref<!tpu.dma_semaphore, #tpu.memory_space<semaphore_mem>>) src(%dma_wait3A_87 : memref<10240x128xf32, #tpu.memory_space<hbm>>) dst(%arg11 : memref<125x128xf32, #tpu.memory_space<vmem>>)
        %mul3A_88 = arith.constant 2 : i32
        %mul3A_89 = arith.muli %mul3A_88, %scan3A_67 : i32
        %add3A_90 = arith.constant 1 : i32
        %add3A_91 = arith.addi %mul3A_89, %add3A_90 : i32
        "tpu.region"() ({
          %run_scoped3A = tpu.sem_alloc : memref<!tpu.dma_semaphore, #tpu.memory_space<semaphore_mem>>
          %dma_start3A_97 = arith.constant 0 : i32
          %dma_start3A_98 = tpu.memref_slice %arg9[%add3A_91, %dma_start3A_97] : memref<40x125xi32, #tpu.memory_space<vmem>> -> memref<1x125xi32, #tpu.memory_space<vmem>>
          %dma_start3A_99 = tpu.memref_squeeze %dma_start3A_98 : memref<1x125xi32, #tpu.memory_space<vmem>> -> memref<125xi32, #tpu.memory_space<vmem>>
          %dma_start3A_100 = arith.constant 0 : i32
          %dma_start3A_101 = arith.constant 0 : i32
          %dma_start3A_102 = tpu.memref_slice %arg12[%dma_start3A_100, %dma_start3A_101] : memref<10240x128xf32, #tpu.memory_space<vmem_shared>> -> memref<10240x128xf32, #tpu.memory_space<vmem_shared>>
          tpu.enqueue_indirect_dma source(%arg11 : memref<125x128xf32, #tpu.memory_space<vmem>>) target(%dma_start3A_102 : memref<10240x128xf32, #tpu.memory_space<vmem_shared>>) offsets(%dma_start3A_99 : memref<125xi32, #tpu.memory_space<vmem>>) semaphore(%run_scoped3A : memref<!tpu.dma_semaphore, #tpu.memory_space<semaphore_mem>>) {add = true}
          %dma_wait3A_103 = arith.constant 0 : i32
          %dma_wait3A_104 = tpu.memref_slice %arg9[%add3A_91, %dma_wait3A_103] : memref<40x125xi32, #tpu.memory_space<vmem>> -> memref<1x125xi32, #tpu.memory_space<vmem>>
          %dma_wait3A_105 = tpu.memref_squeeze %dma_wait3A_104 : memref<1x125xi32, #tpu.memory_space<vmem>> -> memref<125xi32, #tpu.memory_space<vmem>>
          %dma_wait3A_106 = arith.constant 0 : i32
          %dma_wait3A_107 = arith.constant 0 : i32
          %dma_wait3A_108 = tpu.memref_slice %arg12[%dma_wait3A_106, %dma_wait3A_107] : memref<10240x128xf32, #tpu.memory_space<vmem_shared>> -> memref<10240x128xf32, #tpu.memory_space<vmem_shared>>
          tpu.wait_indirect_dma semaphore(%run_scoped3A : memref<!tpu.dma_semaphore, #tpu.memory_space<semaphore_mem>>) src(%arg11 : memref<125x128xf32, #tpu.memory_space<vmem>>) dst(%dma_wait3A_108 : memref<10240x128xf32, #tpu.memory_space<vmem_shared>>)
          tpu.yield
        }) : () -> ()
        %lt3A_92 = arith.constant 19 : i32
        %lt3A_93 = arith.cmpi slt, %scan3A_67, %lt3A_92 : i32
        %convert_element_type3A_94 = arith.extui %lt3A_93 : i1 to i32
        %cond3A_95 = arith.constant 0 : i32
        %cond3A_96 = arith.cmpi ne, %convert_element_type3A_94, %cond3A_95 : i32
        scf.if %cond3A_96 {
          %mul3A_97 = arith.constant 2 : i32
          %mul3A_98 = arith.muli %mul3A_97, %scan3A_67 : i32
          %add3A_99 = arith.constant 3 : i32
          %add3A_100 = arith.addi %mul3A_98, %add3A_99 : i32
          %dma_start3A_101 = arith.constant 0 : i32
          %dma_start3A_102 = tpu.memref_slice %arg8[%add3A_100, %dma_start3A_101] : memref<40x125xi32, #tpu.memory_space<vmem>> -> memref<1x125xi32, #tpu.memory_space<vmem>>
          %dma_start3A_103 = tpu.memref_squeeze %dma_start3A_102 : memref<1x125xi32, #tpu.memory_space<vmem>> -> memref<125xi32, #tpu.memory_space<vmem>>
          %dma_start3A_104 = arith.constant 0 : i32
          %dma_start3A_105 = arith.constant 0 : i32
          %dma_start3A_106 = tpu.memref_slice %arg3[%dma_start3A_104, %dma_start3A_105] : memref<10240x128xf32, #tpu.memory_space<hbm>> -> memref<10240x128xf32, #tpu.memory_space<hbm>>
          tpu.enqueue_indirect_dma source(%dma_start3A_106 : memref<10240x128xf32, #tpu.memory_space<hbm>>) target(%arg11 : memref<125x128xf32, #tpu.memory_space<vmem>>) offsets(%dma_start3A_103 : memref<125xi32, #tpu.memory_space<vmem>>) semaphore(%arg14 : memref<!tpu.dma_semaphore, #tpu.memory_space<semaphore_mem>>)
        } else {
        }
      }
      %scan3A_37 = arith.constant 20 : i32
      %mul3A_38 = arith.constant 80 : i32
      %mul3A_39 = arith.muli %arg1, %mul3A_38 : i32
      %add3A_40 = arith.constant 40 : i32
      %add3A_41 = arith.addi %mul3A_39, %add3A_40 : i32
      "tpu.region"() ({
        %run_scoped3A = tpu.sem_alloc : memref<!tpu.dma_semaphore, #tpu.memory_space<semaphore_mem>>
        %dma_start3A_67 = arith.constant 0 : i32
        %dma_start3A_68 = tpu.memref_slice %arg4[%add3A_41, %dma_start3A_67] : memref<1280x125xi32, #tpu.memory_space<hbm>> -> memref<40x125xi32, #tpu.memory_space<hbm>>
        %dma_start3A_69 = arith.constant 0 : i32
        %dma_start3A_70 = tpu.memref_slice %arg4[%add3A_41, %dma_start3A_69] : memref<1280x125xi32, #tpu.memory_space<hbm>> -> memref<40x125xi32, #tpu.memory_space<hbm>>
        tpu.enqueue_dma source(%dma_start3A_70 : memref<40x125xi32, #tpu.memory_space<hbm>>) target(%arg8 : memref<40x125xi32, #tpu.memory_space<vmem>>) target_semaphore(%run_scoped3A : memref<!tpu.dma_semaphore, #tpu.memory_space<semaphore_mem>>)
        %dma_wait3A_71 = arith.constant 0 : i32
        %dma_wait3A_72 = tpu.memref_slice %arg4[%add3A_41, %dma_wait3A_71] : memref<1280x125xi32, #tpu.memory_space<hbm>> -> memref<40x125xi32, #tpu.memory_space<hbm>>
        %dma_wait3A_73 = arith.constant 0 : i32
        %dma_wait3A_74 = tpu.memref_slice %arg4[%add3A_41, %dma_wait3A_73] : memref<1280x125xi32, #tpu.memory_space<hbm>> -> memref<40x125xi32, #tpu.memory_space<hbm>>
        tpu.wait_dma2 semaphore(%run_scoped3A : memref<!tpu.dma_semaphore, #tpu.memory_space<semaphore_mem>>) src(%dma_wait3A_74 : memref<40x125xi32, #tpu.memory_space<hbm>>) dst(%arg8 : memref<40x125xi32, #tpu.memory_space<vmem>>)
        tpu.yield
      }) : () -> ()
      "tpu.region"() ({
        %run_scoped3A = tpu.sem_alloc : memref<!tpu.dma_semaphore, #tpu.memory_space<semaphore_mem>>
        %dma_start3A_67 = arith.constant 0 : i32
        %dma_start3A_68 = tpu.memref_slice %arg5[%add3A_41, %dma_start3A_67] : memref<1280x125xi32, #tpu.memory_space<hbm>> -> memref<40x125xi32, #tpu.memory_space<hbm>>
        %dma_start3A_69 = arith.constant 0 : i32
        %dma_start3A_70 = tpu.memref_slice %arg5[%add3A_41, %dma_start3A_69] : memref<1280x125xi32, #tpu.memory_space<hbm>> -> memref<40x125xi32, #tpu.memory_space<hbm>>
        tpu.enqueue_dma source(%dma_start3A_70 : memref<40x125xi32, #tpu.memory_space<hbm>>) target(%arg9 : memref<40x125xi32, #tpu.memory_space<vmem>>) target_semaphore(%run_scoped3A : memref<!tpu.dma_semaphore, #tpu.memory_space<semaphore_mem>>)
        %dma_wait3A_71 = arith.constant 0 : i32
        %dma_wait3A_72 = tpu.memref_slice %arg5[%add3A_41, %dma_wait3A_71] : memref<1280x125xi32, #tpu.memory_space<hbm>> -> memref<40x125xi32, #tpu.memory_space<hbm>>
        %dma_wait3A_73 = arith.constant 0 : i32
        %dma_wait3A_74 = tpu.memref_slice %arg5[%add3A_41, %dma_wait3A_73] : memref<1280x125xi32, #tpu.memory_space<hbm>> -> memref<40x125xi32, #tpu.memory_space<hbm>>
        tpu.wait_dma2 semaphore(%run_scoped3A : memref<!tpu.dma_semaphore, #tpu.memory_space<semaphore_mem>>) src(%dma_wait3A_74 : memref<40x125xi32, #tpu.memory_space<hbm>>) dst(%arg9 : memref<40x125xi32, #tpu.memory_space<vmem>>)
        tpu.yield
      }) : () -> ()
      %dma_start3A_42 = arith.constant 0 : i32
      %dma_start3A_43 = arith.constant 0 : i32
      %dma_start3A_44 = tpu.memref_slice %arg8[%dma_start3A_42, %dma_start3A_43] : memref<40x125xi32, #tpu.memory_space<vmem>> -> memref<1x125xi32, #tpu.memory_space<vmem>>
      %dma_start3A_45 = tpu.memref_squeeze %dma_start3A_44 : memref<1x125xi32, #tpu.memory_space<vmem>> -> memref<125xi32, #tpu.memory_space<vmem>>
      %dma_start3A_46 = arith.constant 0 : i32
      %dma_start3A_47 = arith.constant 0 : i32
      %dma_start3A_48 = tpu.memref_slice %arg3[%dma_start3A_46, %dma_start3A_47] : memref<10240x128xf32, #tpu.memory_space<hbm>> -> memref<10240x128xf32, #tpu.memory_space<hbm>>
      tpu.enqueue_indirect_dma source(%dma_start3A_48 : memref<10240x128xf32, #tpu.memory_space<hbm>>) target(%arg10 : memref<125x128xf32, #tpu.memory_space<vmem>>) offsets(%dma_start3A_45 : memref<125xi32, #tpu.memory_space<vmem>>) semaphore(%arg13 : memref<!tpu.dma_semaphore, #tpu.memory_space<semaphore_mem>>)
      %dma_start3A_49 = arith.constant 1 : i32
      %dma_start3A_50 = arith.constant 0 : i32
      %dma_start3A_51 = tpu.memref_slice %arg8[%dma_start3A_49, %dma_start3A_50] : memref<40x125xi32, #tpu.memory_space<vmem>> -> memref<1x125xi32, #tpu.memory_space<vmem>>
      %dma_start3A_52 = tpu.memref_squeeze %dma_start3A_51 : memref<1x125xi32, #tpu.memory_space<vmem>> -> memref<125xi32, #tpu.memory_space<vmem>>
      %dma_start3A_53 = arith.constant 0 : i32
      %dma_start3A_54 = arith.constant 0 : i32
      %dma_start3A_55 = tpu.memref_slice %arg3[%dma_start3A_53, %dma_start3A_54] : memref<10240x128xf32, #tpu.memory_space<hbm>> -> memref<10240x128xf32, #tpu.memory_space<hbm>>
      tpu.enqueue_indirect_dma source(%dma_start3A_55 : memref<10240x128xf32, #tpu.memory_space<hbm>>) target(%arg11 : memref<125x128xf32, #tpu.memory_space<vmem>>) offsets(%dma_start3A_52 : memref<125xi32, #tpu.memory_space<vmem>>) semaphore(%arg14 : memref<!tpu.dma_semaphore, #tpu.memory_space<semaphore_mem>>)
      %scan3A_56 = arith.constant 0 : i32
      %scan3A_57 = arith.constant 0 : i32
      %scan3A_58 = arith.constant 20 : i32
      %scan3A_59 = arith.addi %scan3A_57, %scan3A_58 : i32
      %scan3A_60 = arith.constant 1 : i32
      scf.for %scan3A_67 = %scan3A_57 to %scan3A_59 step %scan3A_60  : i32 {
        %dma_wait3A_68 = arith.constant 0 : i32
        %dma_wait3A_69 = arith.constant 0 : i32
        %dma_wait3A_70 = tpu.memref_slice %arg8[%dma_wait3A_68, %dma_wait3A_69] : memref<40x125xi32, #tpu.memory_space<vmem>> -> memref<1x125xi32, #tpu.memory_space<vmem>>
        %dma_wait3A_71 = tpu.memref_squeeze %dma_wait3A_70 : memref<1x125xi32, #tpu.memory_space<vmem>> -> memref<125xi32, #tpu.memory_space<vmem>>
        %dma_wait3A_72 = arith.constant 0 : i32
        %dma_wait3A_73 = arith.constant 0 : i32
        %dma_wait3A_74 = tpu.memref_slice %arg3[%dma_wait3A_72, %dma_wait3A_73] : memref<10240x128xf32, #tpu.memory_space<hbm>> -> memref<10240x128xf32, #tpu.memory_space<hbm>>
        tpu.wait_indirect_dma semaphore(%arg13 : memref<!tpu.dma_semaphore, #tpu.memory_space<semaphore_mem>>) src(%dma_wait3A_74 : memref<10240x128xf32, #tpu.memory_space<hbm>>) dst(%arg10 : memref<125x128xf32, #tpu.memory_space<vmem>>)
        %mul3A_75 = arith.constant 2 : i32
        %mul3A_76 = arith.muli %mul3A_75, %scan3A_67 : i32
        "tpu.region"() ({
          %run_scoped3A = tpu.sem_alloc : memref<!tpu.dma_semaphore, #tpu.memory_space<semaphore_mem>>
          %dma_start3A_97 = arith.constant 0 : i32
          %dma_start3A_98 = tpu.memref_slice %arg9[%mul3A_76, %dma_start3A_97] : memref<40x125xi32, #tpu.memory_space<vmem>> -> memref<1x125xi32, #tpu.memory_space<vmem>>
          %dma_start3A_99 = tpu.memref_squeeze %dma_start3A_98 : memref<1x125xi32, #tpu.memory_space<vmem>> -> memref<125xi32, #tpu.memory_space<vmem>>
          %dma_start3A_100 = arith.constant 0 : i32
          %dma_start3A_101 = arith.constant 0 : i32
          %dma_start3A_102 = tpu.memref_slice %arg12[%dma_start3A_100, %dma_start3A_101] : memref<10240x128xf32, #tpu.memory_space<vmem_shared>> -> memref<10240x128xf32, #tpu.memory_space<vmem_shared>>
          tpu.enqueue_indirect_dma source(%arg10 : memref<125x128xf32, #tpu.memory_space<vmem>>) target(%dma_start3A_102 : memref<10240x128xf32, #tpu.memory_space<vmem_shared>>) offsets(%dma_start3A_99 : memref<125xi32, #tpu.memory_space<vmem>>) semaphore(%run_scoped3A : memref<!tpu.dma_semaphore, #tpu.memory_space<semaphore_mem>>) {add = true}
          %dma_wait3A_103 = arith.constant 0 : i32
          %dma_wait3A_104 = tpu.memref_slice %arg9[%mul3A_76, %dma_wait3A_103] : memref<40x125xi32, #tpu.memory_space<vmem>> -> memref<1x125xi32, #tpu.memory_space<vmem>>
          %dma_wait3A_105 = tpu.memref_squeeze %dma_wait3A_104 : memref<1x125xi32, #tpu.memory_space<vmem>> -> memref<125xi32, #tpu.memory_space<vmem>>
          %dma_wait3A_106 = arith.constant 0 : i32
          %dma_wait3A_107 = arith.constant 0 : i32
          %dma_wait3A_108 = tpu.memref_slice %arg12[%dma_wait3A_106, %dma_wait3A_107] : memref<10240x128xf32, #tpu.memory_space<vmem_shared>> -> memref<10240x128xf32, #tpu.memory_space<vmem_shared>>
          tpu.wait_indirect_dma semaphore(%run_scoped3A : memref<!tpu.dma_semaphore, #tpu.memory_space<semaphore_mem>>) src(%arg10 : memref<125x128xf32, #tpu.memory_space<vmem>>) dst(%dma_wait3A_108 : memref<10240x128xf32, #tpu.memory_space<vmem_shared>>)
          tpu.yield
        }) : () -> ()
        %lt3A = arith.constant 19 : i32
        %lt3A_77 = arith.cmpi slt, %scan3A_67, %lt3A : i32
        %convert_element_type3A_78 = arith.extui %lt3A_77 : i1 to i32
        %cond3A_79 = arith.constant 0 : i32
        %cond3A_80 = arith.cmpi ne, %convert_element_type3A_78, %cond3A_79 : i32
        scf.if %cond3A_80 {
          %mul3A_97 = arith.constant 2 : i32
          %mul3A_98 = arith.muli %mul3A_97, %scan3A_67 : i32
          %add3A_99 = arith.constant 2 : i32
          %add3A_100 = arith.addi %mul3A_98, %add3A_99 : i32
          %dma_start3A_101 = arith.constant 0 : i32
          %dma_start3A_102 = tpu.memref_slice %arg8[%add3A_100, %dma_start3A_101] : memref<40x125xi32, #tpu.memory_space<vmem>> -> memref<1x125xi32, #tpu.memory_space<vmem>>
          %dma_start3A_103 = tpu.memref_squeeze %dma_start3A_102 : memref<1x125xi32, #tpu.memory_space<vmem>> -> memref<125xi32, #tpu.memory_space<vmem>>
          %dma_start3A_104 = arith.constant 0 : i32
          %dma_start3A_105 = arith.constant 0 : i32
          %dma_start3A_106 = tpu.memref_slice %arg3[%dma_start3A_104, %dma_start3A_105] : memref<10240x128xf32, #tpu.memory_space<hbm>> -> memref<10240x128xf32, #tpu.memory_space<hbm>>
          tpu.enqueue_indirect_dma source(%dma_start3A_106 : memref<10240x128xf32, #tpu.memory_space<hbm>>) target(%arg10 : memref<125x128xf32, #tpu.memory_space<vmem>>) offsets(%dma_start3A_103 : memref<125xi32, #tpu.memory_space<vmem>>) semaphore(%arg13 : memref<!tpu.dma_semaphore, #tpu.memory_space<semaphore_mem>>)
        } else {
        }
        %dma_wait3A_81 = arith.constant 1 : i32
        %dma_wait3A_82 = arith.constant 0 : i32
        %dma_wait3A_83 = tpu.memref_slice %arg8[%dma_wait3A_81, %dma_wait3A_82] : memref<40x125xi32, #tpu.memory_space<vmem>> -> memref<1x125xi32, #tpu.memory_space<vmem>>
        %dma_wait3A_84 = tpu.memref_squeeze %dma_wait3A_83 : memref<1x125xi32, #tpu.memory_space<vmem>> -> memref<125xi32, #tpu.memory_space<vmem>>
        %dma_wait3A_85 = arith.constant 0 : i32
        %dma_wait3A_86 = arith.constant 0 : i32
        %dma_wait3A_87 = tpu.memref_slice %arg3[%dma_wait3A_85, %dma_wait3A_86] : memref<10240x128xf32, #tpu.memory_space<hbm>> -> memref<10240x128xf32, #tpu.memory_space<hbm>>
        tpu.wait_indirect_dma semaphore(%arg14 : memref<!tpu.dma_semaphore, #tpu.memory_space<semaphore_mem>>) src(%dma_wait3A_87 : memref<10240x128xf32, #tpu.memory_space<hbm>>) dst(%arg11 : memref<125x128xf32, #tpu.memory_space<vmem>>)
        %mul3A_88 = arith.constant 2 : i32
        %mul3A_89 = arith.muli %mul3A_88, %scan3A_67 : i32
        %add3A_90 = arith.constant 1 : i32
        %add3A_91 = arith.addi %mul3A_89, %add3A_90 : i32
        "tpu.region"() ({
          %run_scoped3A = tpu.sem_alloc : memref<!tpu.dma_semaphore, #tpu.memory_space<semaphore_mem>>
          %dma_start3A_97 = arith.constant 0 : i32
          %dma_start3A_98 = tpu.memref_slice %arg9[%add3A_91, %dma_start3A_97] : memref<40x125xi32, #tpu.memory_space<vmem>> -> memref<1x125xi32, #tpu.memory_space<vmem>>
          %dma_start3A_99 = tpu.memref_squeeze %dma_start3A_98 : memref<1x125xi32, #tpu.memory_space<vmem>> -> memref<125xi32, #tpu.memory_space<vmem>>
          %dma_start3A_100 = arith.constant 0 : i32
          %dma_start3A_101 = arith.constant 0 : i32
          %dma_start3A_102 = tpu.memref_slice %arg12[%dma_start3A_100, %dma_start3A_101] : memref<10240x128xf32, #tpu.memory_space<vmem_shared>> -> memref<10240x128xf32, #tpu.memory_space<vmem_shared>>
          tpu.enqueue_indirect_dma source(%arg11 : memref<125x128xf32, #tpu.memory_space<vmem>>) target(%dma_start3A_102 : memref<10240x128xf32, #tpu.memory_space<vmem_shared>>) offsets(%dma_start3A_99 : memref<125xi32, #tpu.memory_space<vmem>>) semaphore(%run_scoped3A : memref<!tpu.dma_semaphore, #tpu.memory_space<semaphore_mem>>) {add = true}
          %dma_wait3A_103 = arith.constant 0 : i32
          %dma_wait3A_104 = tpu.memref_slice %arg9[%add3A_91, %dma_wait3A_103] : memref<40x125xi32, #tpu.memory_space<vmem>> -> memref<1x125xi32, #tpu.memory_space<vmem>>
          %dma_wait3A_105 = tpu.memref_squeeze %dma_wait3A_104 : memref<1x125xi32, #tpu.memory_space<vmem>> -> memref<125xi32, #tpu.memory_space<vmem>>
          %dma_wait3A_106 = arith.constant 0 : i32
          %dma_wait3A_107 = arith.constant 0 : i32
          %dma_wait3A_108 = tpu.memref_slice %arg12[%dma_wait3A_106, %dma_wait3A_107] : memref<10240x128xf32, #tpu.memory_space<vmem_shared>> -> memref<10240x128xf32, #tpu.memory_space<vmem_shared>>
          tpu.wait_indirect_dma semaphore(%run_scoped3A : memref<!tpu.dma_semaphore, #tpu.memory_space<semaphore_mem>>) src(%arg11 : memref<125x128xf32, #tpu.memory_space<vmem>>) dst(%dma_wait3A_108 : memref<10240x128xf32, #tpu.memory_space<vmem_shared>>)
          tpu.yield
        }) : () -> ()
        %lt3A_92 = arith.constant 19 : i32
        %lt3A_93 = arith.cmpi slt, %scan3A_67, %lt3A_92 : i32
        %convert_element_type3A_94 = arith.extui %lt3A_93 : i1 to i32
        %cond3A_95 = arith.constant 0 : i32
        %cond3A_96 = arith.cmpi ne, %convert_element_type3A_94, %cond3A_95 : i32
        scf.if %cond3A_96 {
          %mul3A_97 = arith.constant 2 : i32
          %mul3A_98 = arith.muli %mul3A_97, %scan3A_67 : i32
          %add3A_99 = arith.constant 3 : i32
          %add3A_100 = arith.addi %mul3A_98, %add3A_99 : i32
          %dma_start3A_101 = arith.constant 0 : i32
          %dma_start3A_102 = tpu.memref_slice %arg8[%add3A_100, %dma_start3A_101] : memref<40x125xi32, #tpu.memory_space<vmem>> -> memref<1x125xi32, #tpu.memory_space<vmem>>
          %dma_start3A_103 = tpu.memref_squeeze %dma_start3A_102 : memref<1x125xi32, #tpu.memory_space<vmem>> -> memref<125xi32, #tpu.memory_space<vmem>>
          %dma_start3A_104 = arith.constant 0 : i32
          %dma_start3A_105 = arith.constant 0 : i32
          %dma_start3A_106 = tpu.memref_slice %arg3[%dma_start3A_104, %dma_start3A_105] : memref<10240x128xf32, #tpu.memory_space<hbm>> -> memref<10240x128xf32, #tpu.memory_space<hbm>>
          tpu.enqueue_indirect_dma source(%dma_start3A_106 : memref<10240x128xf32, #tpu.memory_space<hbm>>) target(%arg11 : memref<125x128xf32, #tpu.memory_space<vmem>>) offsets(%dma_start3A_103 : memref<125xi32, #tpu.memory_space<vmem>>) semaphore(%arg14 : memref<!tpu.dma_semaphore, #tpu.memory_space<semaphore_mem>>)
        } else {
        }
      }
      %scan3A_61 = arith.constant 20 : i32
      %barrier3A_62 = arith.constant 0 : index
      tpu.barrier barrier_id(%barrier3A_62)
      %mul3A_63 = arith.constant 640 : i32
      %mul3A_64 = arith.muli %arg1, %mul3A_63 : i32
      %mul3A_65 = arith.constant 640 : i32
      %mul3A_66 = arith.muli %arg1, %mul3A_65 : i32
      "tpu.region"() ({
        %run_scoped3A = tpu.sem_alloc : memref<!tpu.dma_semaphore, #tpu.memory_space<semaphore_mem>>
        %dma_start3A_67 = arith.constant 0 : i32
        %dma_start3A_68 = tpu.memref_slice %arg7[%mul3A_66, %dma_start3A_67] : memref<10240x128xf32, #tpu.memory_space<hbm>> -> memref<640x128xf32, #tpu.memory_space<hbm>>
        %dma_start3A_69 = arith.constant 0 : i32
        %dma_start3A_70 = tpu.memref_slice %arg12[%mul3A_64, %dma_start3A_69] : memref<10240x128xf32, #tpu.memory_space<vmem_shared>> -> memref<640x128xf32, #tpu.memory_space<vmem_shared>>
        tpu.enqueue_dma source(%dma_start3A_70 : memref<640x128xf32, #tpu.memory_space<vmem_shared>>) target(%dma_start3A_68 : memref<640x128xf32, #tpu.memory_space<hbm>>) target_semaphore(%run_scoped3A : memref<!tpu.dma_semaphore, #tpu.memory_space<semaphore_mem>>)
        %dma_wait3A_71 = arith.constant 0 : i32
        %dma_wait3A_72 = tpu.memref_slice %arg7[%mul3A_66, %dma_wait3A_71] : memref<10240x128xf32, #tpu.memory_space<hbm>> -> memref<640x128xf32, #tpu.memory_space<hbm>>
        %dma_wait3A_73 = arith.constant 0 : i32
        %dma_wait3A_74 = tpu.memref_slice %arg12[%mul3A_64, %dma_wait3A_73] : memref<10240x128xf32, #tpu.memory_space<vmem_shared>> -> memref<640x128xf32, #tpu.memory_space<vmem_shared>>
        tpu.wait_dma2 semaphore(%run_scoped3A : memref<!tpu.dma_semaphore, #tpu.memory_space<semaphore_mem>>) src(%dma_wait3A_74 : memref<640x128xf32, #tpu.memory_space<vmem_shared>>) dst(%dma_wait3A_72 : memref<640x128xf32, #tpu.memory_space<hbm>>)
        tpu.yield
      }) : () -> ()
    } else {
    }
    return
  }
}

#map = affine_map<(d0, d1) -> (0, 0)>
#map1 = affine_map<(d0, d1) -> (0)>
module attributes {stable_mosaic.version = 14 : i64} {
  func.func @_deg_body(%arg0: i32, %arg1: i32, %arg2: memref<1280x125xi32, #tpu.memory_space<hbm>>, %arg3: memref<10240xf32, #tpu.memory_space<hbm>>, %arg4: memref<10240xf32, #tpu.memory_space<hbm>>, %arg5: memref<40x125xi32, #tpu.memory_space<vmem>>, %arg6: memref<128xf32, #tpu.memory_space<vmem>>, %arg7: memref<640xf32, #tpu.memory_space<vmem>>, %arg8: memref<10240xf32, #tpu.memory_space<vmem_shared>>) attributes {dimension_semantics = [#tpu.dimension_semantics<core_parallel>, #tpu.dimension_semantics<subcore_parallel>], iteration_bounds = array<i64: 2, 16>, scalar_prefetch = 0 : i64, scratch_operands = 4 : i64, tpu.core_type = #tpu.core_type<sc_vector_subcore>, window_params = [{transform_indices = #map}, {transform_indices = #map1}, {transform_indices = #map1}]} {
    %broadcast_in_dim3A = arith.constant 1.000000e+00 : f32
    %broadcast_in_dim3A_0 = vector.broadcast %broadcast_in_dim3A : f32 to vector<16xf32>
    %swap3A = arith.constant 0 : index
    %swap3A_1 = tpu.vector_load %arg6[%swap3A] {strides = array<i32>} : memref<128xf32, #tpu.memory_space<vmem>>, vector<16xf32>,
    %swap3A_2 = vector.shape_cast %swap3A_1 : vector<16xf32> to vector<16xf32>
    %swap3A_3 = vector.shape_cast %broadcast_in_dim3A_0 : vector<16xf32> to vector<16xf32>
    tpu.vector_store %arg6[%swap3A], %swap3A_3 {strides = array<i32>} : memref<128xf32, #tpu.memory_space<vmem>>, vector<16xf32>,
    %broadcast_in_dim3A_4 = arith.constant 1.000000e+00 : f32
    %broadcast_in_dim3A_5 = vector.broadcast %broadcast_in_dim3A_4 : f32 to vector<16xf32>
    %swap3A_6 = arith.constant 16 : index
    %swap3A_7 = tpu.vector_load %arg6[%swap3A_6] {strides = array<i32>} : memref<128xf32, #tpu.memory_space<vmem>>, vector<16xf32>,
    %swap3A_8 = vector.shape_cast %swap3A_7 : vector<16xf32> to vector<16xf32>
    %swap3A_9 = vector.shape_cast %broadcast_in_dim3A_5 : vector<16xf32> to vector<16xf32>
    tpu.vector_store %arg6[%swap3A_6], %swap3A_9 {strides = array<i32>} : memref<128xf32, #tpu.memory_space<vmem>>, vector<16xf32>,
    %broadcast_in_dim3A_10 = arith.constant 1.000000e+00 : f32
    %broadcast_in_dim3A_11 = vector.broadcast %broadcast_in_dim3A_10 : f32 to vector<16xf32>
    %swap3A_12 = arith.constant 32 : index
    %swap3A_13 = tpu.vector_load %arg6[%swap3A_12] {strides = array<i32>} : memref<128xf32, #tpu.memory_space<vmem>>, vector<16xf32>,
    %swap3A_14 = vector.shape_cast %swap3A_13 : vector<16xf32> to vector<16xf32>
    %swap3A_15 = vector.shape_cast %broadcast_in_dim3A_11 : vector<16xf32> to vector<16xf32>
    tpu.vector_store %arg6[%swap3A_12], %swap3A_15 {strides = array<i32>} : memref<128xf32, #tpu.memory_space<vmem>>, vector<16xf32>,
    %broadcast_in_dim3A_16 = arith.constant 1.000000e+00 : f32
    %broadcast_in_dim3A_17 = vector.broadcast %broadcast_in_dim3A_16 : f32 to vector<16xf32>
    %swap3A_18 = arith.constant 48 : index
    %swap3A_19 = tpu.vector_load %arg6[%swap3A_18] {strides = array<i32>} : memref<128xf32, #tpu.memory_space<vmem>>, vector<16xf32>,
    %swap3A_20 = vector.shape_cast %swap3A_19 : vector<16xf32> to vector<16xf32>
    %swap3A_21 = vector.shape_cast %broadcast_in_dim3A_17 : vector<16xf32> to vector<16xf32>
    tpu.vector_store %arg6[%swap3A_18], %swap3A_21 {strides = array<i32>} : memref<128xf32, #tpu.memory_space<vmem>>, vector<16xf32>,
    %broadcast_in_dim3A_22 = arith.constant 1.000000e+00 : f32
    %broadcast_in_dim3A_23 = vector.broadcast %broadcast_in_dim3A_22 : f32 to vector<16xf32>
    %swap3A_24 = arith.constant 64 : index
    %swap3A_25 = tpu.vector_load %arg6[%swap3A_24] {strides = array<i32>} : memref<128xf32, #tpu.memory_space<vmem>>, vector<16xf32>,
    %swap3A_26 = vector.shape_cast %swap3A_25 : vector<16xf32> to vector<16xf32>
    %swap3A_27 = vector.shape_cast %broadcast_in_dim3A_23 : vector<16xf32> to vector<16xf32>
    tpu.vector_store %arg6[%swap3A_24], %swap3A_27 {strides = array<i32>} : memref<128xf32, #tpu.memory_space<vmem>>, vector<16xf32>,
    %broadcast_in_dim3A_28 = arith.constant 1.000000e+00 : f32
    %broadcast_in_dim3A_29 = vector.broadcast %broadcast_in_dim3A_28 : f32 to vector<16xf32>
    %swap3A_30 = arith.constant 80 : index
    %swap3A_31 = tpu.vector_load %arg6[%swap3A_30] {strides = array<i32>} : memref<128xf32, #tpu.memory_space<vmem>>, vector<16xf32>,
    %swap3A_32 = vector.shape_cast %swap3A_31 : vector<16xf32> to vector<16xf32>
    %swap3A_33 = vector.shape_cast %broadcast_in_dim3A_29 : vector<16xf32> to vector<16xf32>
    tpu.vector_store %arg6[%swap3A_30], %swap3A_33 {strides = array<i32>} : memref<128xf32, #tpu.memory_space<vmem>>, vector<16xf32>,
    %broadcast_in_dim3A_34 = arith.constant 1.000000e+00 : f32
    %broadcast_in_dim3A_35 = vector.broadcast %broadcast_in_dim3A_34 : f32 to vector<16xf32>
    %swap3A_36 = arith.constant 96 : index
    %swap3A_37 = tpu.vector_load %arg6[%swap3A_36] {strides = array<i32>} : memref<128xf32, #tpu.memory_space<vmem>>, vector<16xf32>,
    %swap3A_38 = vector.shape_cast %swap3A_37 : vector<16xf32> to vector<16xf32>
    %swap3A_39 = vector.shape_cast %broadcast_in_dim3A_35 : vector<16xf32> to vector<16xf32>
    tpu.vector_store %arg6[%swap3A_36], %swap3A_39 {strides = array<i32>} : memref<128xf32, #tpu.memory_space<vmem>>, vector<16xf32>,
    %broadcast_in_dim3A_40 = arith.constant 1.000000e+00 : f32
    %broadcast_in_dim3A_41 = vector.broadcast %broadcast_in_dim3A_40 : f32 to vector<16xf32>
    %swap3A_42 = arith.constant 112 : index
    %swap3A_43 = tpu.vector_load %arg6[%swap3A_42] {strides = array<i32>} : memref<128xf32, #tpu.memory_space<vmem>>, vector<16xf32>,
    %swap3A_44 = vector.shape_cast %swap3A_43 : vector<16xf32> to vector<16xf32>
    %swap3A_45 = vector.shape_cast %broadcast_in_dim3A_41 : vector<16xf32> to vector<16xf32>
    tpu.vector_store %arg6[%swap3A_42], %swap3A_45 {strides = array<i32>} : memref<128xf32, #tpu.memory_space<vmem>>, vector<16xf32>,
    %scan3A = arith.constant 0 : i32
    %scan3A_46 = arith.constant 0 : i32
    %scan3A_47 = arith.constant 40 : i32
    %scan3A_48 = arith.addi %scan3A_46, %scan3A_47 : i32
    %scan3A_49 = arith.constant 1 : i32
    scf.for %scan3A_59 = %scan3A_46 to %scan3A_48 step %scan3A_49  : i32 {
      %broadcast_in_dim3A_60 = arith.constant 0.000000e+00 : f32
      %broadcast_in_dim3A_61 = vector.broadcast %broadcast_in_dim3A_60 : f32 to vector<16xf32>
      %mul3A_62 = arith.constant 16 : i32
      %mul3A_63 = arith.muli %scan3A_59, %mul3A_62 : i32
      %swap3A_64 = arith.index_cast %mul3A_63 : i32 to index
      %swap3A_65 = tpu.vector_load %arg7[%swap3A_64] {strides = array<i32>} : memref<640xf32, #tpu.memory_space<vmem>>, vector<16xf32>,
      %swap3A_66 = vector.shape_cast %swap3A_65 : vector<16xf32> to vector<16xf32>
      %swap3A_67 = vector.shape_cast %broadcast_in_dim3A_61 : vector<16xf32> to vector<16xf32>
      tpu.vector_store %arg7[%swap3A_64], %swap3A_67 {strides = array<i32>} : memref<640xf32, #tpu.memory_space<vmem>>, vector<16xf32>,
    }
    %scan3A_50 = arith.constant 40 : i32
    %mul3A = arith.constant 640 : i32
    %mul3A_51 = arith.muli %arg1, %mul3A : i32
    "tpu.region"() ({
      %run_scoped3A = tpu.sem_alloc : memref<!tpu.dma_semaphore, #tpu.memory_space<semaphore_mem>>
      %dma_start3A = tpu.memref_slice %arg8[%mul3A_51] : memref<10240xf32, #tpu.memory_space<vmem_shared>> -> memref<640xf32, #tpu.memory_space<vmem_shared>>
      %dma_start3A_59 = tpu.memref_slice %arg8[%mul3A_51] : memref<10240xf32, #tpu.memory_space<vmem_shared>> -> memref<640xf32, #tpu.memory_space<vmem_shared>>
      tpu.enqueue_dma source(%arg7 : memref<640xf32, #tpu.memory_space<vmem>>) target(%dma_start3A_59 : memref<640xf32, #tpu.memory_space<vmem_shared>>) target_semaphore(%run_scoped3A : memref<!tpu.dma_semaphore, #tpu.memory_space<semaphore_mem>>)
      %dma_wait3A = tpu.memref_slice %arg8[%mul3A_51] : memref<10240xf32, #tpu.memory_space<vmem_shared>> -> memref<640xf32, #tpu.memory_space<vmem_shared>>
      %dma_wait3A_60 = tpu.memref_slice %arg8[%mul3A_51] : memref<10240xf32, #tpu.memory_space<vmem_shared>> -> memref<640xf32, #tpu.memory_space<vmem_shared>>
      tpu.wait_dma2 semaphore(%run_scoped3A : memref<!tpu.dma_semaphore, #tpu.memory_space<semaphore_mem>>) src(%arg7 : memref<640xf32, #tpu.memory_space<vmem>>) dst(%dma_wait3A_60 : memref<640xf32, #tpu.memory_space<vmem_shared>>)
      tpu.yield
    }) : () -> ()
    %barrier3A = arith.constant 0 : index
    tpu.barrier barrier_id(%barrier3A)
    %eq3A = arith.constant 0 : i32
    %eq3A_52 = arith.cmpi eq, %arg0, %eq3A : i32
    %convert_element_type3A = arith.extui %eq3A_52 : i1 to i32
    %cond3A = arith.constant 0 : i32
    %cond3A_53 = arith.cmpi ne, %convert_element_type3A, %cond3A : i32
    scf.if %cond3A_53 {
      %mul3A_59 = arith.constant 40 : i32
      %mul3A_60 = arith.muli %arg1, %mul3A_59 : i32
      %add3A = arith.constant 0 : i32
      %add3A_61 = arith.addi %add3A, %mul3A_60 : i32
      "tpu.region"() ({
        %run_scoped3A = tpu.sem_alloc : memref<!tpu.dma_semaphore, #tpu.memory_space<semaphore_mem>>
        %dma_start3A = arith.constant 0 : i32
        %dma_start3A_73 = tpu.memref_slice %arg2[%add3A_61, %dma_start3A] : memref<1280x125xi32, #tpu.memory_space<hbm>> -> memref<40x125xi32, #tpu.memory_space<hbm>>
        %dma_start3A_74 = arith.constant 0 : i32
        %dma_start3A_75 = tpu.memref_slice %arg2[%add3A_61, %dma_start3A_74] : memref<1280x125xi32, #tpu.memory_space<hbm>> -> memref<40x125xi32, #tpu.memory_space<hbm>>
        tpu.enqueue_dma source(%dma_start3A_75 : memref<40x125xi32, #tpu.memory_space<hbm>>) target(%arg5 : memref<40x125xi32, #tpu.memory_space<vmem>>) target_semaphore(%run_scoped3A : memref<!tpu.dma_semaphore, #tpu.memory_space<semaphore_mem>>)
        %dma_wait3A = arith.constant 0 : i32
        %dma_wait3A_76 = tpu.memref_slice %arg2[%add3A_61, %dma_wait3A] : memref<1280x125xi32, #tpu.memory_space<hbm>> -> memref<40x125xi32, #tpu.memory_space<hbm>>
        %dma_wait3A_77 = arith.constant 0 : i32
        %dma_wait3A_78 = tpu.memref_slice %arg2[%add3A_61, %dma_wait3A_77] : memref<1280x125xi32, #tpu.memory_space<hbm>> -> memref<40x125xi32, #tpu.memory_space<hbm>>
        tpu.wait_dma2 semaphore(%run_scoped3A : memref<!tpu.dma_semaphore, #tpu.memory_space<semaphore_mem>>) src(%dma_wait3A_78 : memref<40x125xi32, #tpu.memory_space<hbm>>) dst(%arg5 : memref<40x125xi32, #tpu.memory_space<vmem>>)
        tpu.yield
      }) : () -> ()
      %scan3A_62 = arith.constant 0 : i32
      %scan3A_63 = arith.constant 0 : i32
      %scan3A_64 = arith.constant 40 : i32
      %scan3A_65 = arith.addi %scan3A_63, %scan3A_64 : i32
      %scan3A_66 = arith.constant 1 : i32
      scf.for %scan3A_73 = %scan3A_63 to %scan3A_65 step %scan3A_66  : i32 {
        "tpu.region"() ({
          %run_scoped3A = tpu.sem_alloc : memref<!tpu.dma_semaphore, #tpu.memory_space<semaphore_mem>>
          %dma_start3A = arith.constant 0 : i32
          %dma_start3A_74 = tpu.memref_slice %arg6[%dma_start3A] : memref<128xf32, #tpu.memory_space<vmem>> -> memref<125xf32, #tpu.memory_space<vmem>>
          %dma_start3A_75 = arith.constant 0 : i32
          %dma_start3A_76 = tpu.memref_slice %arg5[%scan3A_73, %dma_start3A_75] : memref<40x125xi32, #tpu.memory_space<vmem>> -> memref<1x125xi32, #tpu.memory_space<vmem>>
          %dma_start3A_77 = tpu.memref_squeeze %dma_start3A_76 : memref<1x125xi32, #tpu.memory_space<vmem>> -> memref<125xi32, #tpu.memory_space<vmem>>
          %dma_start3A_78 = arith.constant 0 : i32
          %dma_start3A_79 = tpu.memref_slice %arg8[%dma_start3A_78] : memref<10240xf32, #tpu.memory_space<vmem_shared>> -> memref<10240xf32, #tpu.memory_space<vmem_shared>>
          tpu.enqueue_indirect_dma source(%dma_start3A_74 : memref<125xf32, #tpu.memory_space<vmem>>) target(%dma_start3A_79 : memref<10240xf32, #tpu.memory_space<vmem_shared>>) offsets(%dma_start3A_77 : memref<125xi32, #tpu.memory_space<vmem>>) semaphore(%run_scoped3A : memref<!tpu.dma_semaphore, #tpu.memory_space<semaphore_mem>>) {add = true}
          %dma_wait3A = arith.constant 0 : i32
          %dma_wait3A_80 = tpu.memref_slice %arg6[%dma_wait3A] : memref<128xf32, #tpu.memory_space<vmem>> -> memref<125xf32, #tpu.memory_space<vmem>>
          %dma_wait3A_81 = arith.constant 0 : i32
          %dma_wait3A_82 = tpu.memref_slice %arg5[%scan3A_73, %dma_wait3A_81] : memref<40x125xi32, #tpu.memory_space<vmem>> -> memref<1x125xi32, #tpu.memory_space<vmem>>
          %dma_wait3A_83 = tpu.memref_squeeze %dma_wait3A_82 : memref<1x125xi32, #tpu.memory_space<vmem>> -> memref<125xi32, #tpu.memory_space<vmem>>
          %dma_wait3A_84 = arith.constant 0 : i32
          %dma_wait3A_85 = tpu.memref_slice %arg8[%dma_wait3A_84] : memref<10240xf32, #tpu.memory_space<vmem_shared>> -> memref<10240xf32, #tpu.memory_space<vmem_shared>>
          tpu.wait_indirect_dma semaphore(%run_scoped3A : memref<!tpu.dma_semaphore, #tpu.memory_space<semaphore_mem>>) src(%dma_wait3A_80 : memref<125xf32, #tpu.memory_space<vmem>>) dst(%dma_wait3A_85 : memref<10240xf32, #tpu.memory_space<vmem_shared>>)
          tpu.yield
        }) : () -> ()
      }
      %scan3A_67 = arith.constant 40 : i32
      %barrier3A_68 = arith.constant 0 : index
      tpu.barrier barrier_id(%barrier3A_68)
      %mul3A_69 = arith.constant 640 : i32
      %mul3A_70 = arith.muli %arg1, %mul3A_69 : i32
      %mul3A_71 = arith.constant 640 : i32
      %mul3A_72 = arith.muli %arg1, %mul3A_71 : i32
      "tpu.region"() ({
        %run_scoped3A = tpu.sem_alloc : memref<!tpu.dma_semaphore, #tpu.memory_space<semaphore_mem>>
        %dma_start3A = tpu.memref_slice %arg3[%mul3A_72] : memref<10240xf32, #tpu.memory_space<hbm>> -> memref<640xf32, #tpu.memory_space<hbm>>
        %dma_start3A_73 = tpu.memref_slice %arg8[%mul3A_70] : memref<10240xf32, #tpu.memory_space<vmem_shared>> -> memref<640xf32, #tpu.memory_space<vmem_shared>>
        tpu.enqueue_dma source(%dma_start3A_73 : memref<640xf32, #tpu.memory_space<vmem_shared>>) target(%dma_start3A : memref<640xf32, #tpu.memory_space<hbm>>) target_semaphore(%run_scoped3A : memref<!tpu.dma_semaphore, #tpu.memory_space<semaphore_mem>>)
        %dma_wait3A = tpu.memref_slice %arg3[%mul3A_72] : memref<10240xf32, #tpu.memory_space<hbm>> -> memref<640xf32, #tpu.memory_space<hbm>>
        %dma_wait3A_74 = tpu.memref_slice %arg8[%mul3A_70] : memref<10240xf32, #tpu.memory_space<vmem_shared>> -> memref<640xf32, #tpu.memory_space<vmem_shared>>
        tpu.wait_dma2 semaphore(%run_scoped3A : memref<!tpu.dma_semaphore, #tpu.memory_space<semaphore_mem>>) src(%dma_wait3A_74 : memref<640xf32, #tpu.memory_space<vmem_shared>>) dst(%dma_wait3A : memref<640xf32, #tpu.memory_space<hbm>>)
        tpu.yield
      }) : () -> ()
    } else {
    }
    %eq3A_54 = arith.constant 1 : i32
    %eq3A_55 = arith.cmpi eq, %arg0, %eq3A_54 : i32
    %convert_element_type3A_56 = arith.extui %eq3A_55 : i1 to i32
    %cond3A_57 = arith.constant 0 : i32
    %cond3A_58 = arith.cmpi ne, %convert_element_type3A_56, %cond3A_57 : i32
    scf.if %cond3A_58 {
      %mul3A_59 = arith.constant 40 : i32
      %mul3A_60 = arith.muli %arg1, %mul3A_59 : i32
      %add3A = arith.constant 640 : i32
      %add3A_61 = arith.addi %add3A, %mul3A_60 : i32
      "tpu.region"() ({
        %run_scoped3A = tpu.sem_alloc : memref<!tpu.dma_semaphore, #tpu.memory_space<semaphore_mem>>
        %dma_start3A = arith.constant 0 : i32
        %dma_start3A_73 = tpu.memref_slice %arg2[%add3A_61, %dma_start3A] : memref<1280x125xi32, #tpu.memory_space<hbm>> -> memref<40x125xi32, #tpu.memory_space<hbm>>
        %dma_start3A_74 = arith.constant 0 : i32
        %dma_start3A_75 = tpu.memref_slice %arg2[%add3A_61, %dma_start3A_74] : memref<1280x125xi32, #tpu.memory_space<hbm>> -> memref<40x125xi32, #tpu.memory_space<hbm>>
        tpu.enqueue_dma source(%dma_start3A_75 : memref<40x125xi32, #tpu.memory_space<hbm>>) target(%arg5 : memref<40x125xi32, #tpu.memory_space<vmem>>) target_semaphore(%run_scoped3A : memref<!tpu.dma_semaphore, #tpu.memory_space<semaphore_mem>>)
        %dma_wait3A = arith.constant 0 : i32
        %dma_wait3A_76 = tpu.memref_slice %arg2[%add3A_61, %dma_wait3A] : memref<1280x125xi32, #tpu.memory_space<hbm>> -> memref<40x125xi32, #tpu.memory_space<hbm>>
        %dma_wait3A_77 = arith.constant 0 : i32
        %dma_wait3A_78 = tpu.memref_slice %arg2[%add3A_61, %dma_wait3A_77] : memref<1280x125xi32, #tpu.memory_space<hbm>> -> memref<40x125xi32, #tpu.memory_space<hbm>>
        tpu.wait_dma2 semaphore(%run_scoped3A : memref<!tpu.dma_semaphore, #tpu.memory_space<semaphore_mem>>) src(%dma_wait3A_78 : memref<40x125xi32, #tpu.memory_space<hbm>>) dst(%arg5 : memref<40x125xi32, #tpu.memory_space<vmem>>)
        tpu.yield
      }) : () -> ()
      %scan3A_62 = arith.constant 0 : i32
      %scan3A_63 = arith.constant 0 : i32
      %scan3A_64 = arith.constant 40 : i32
      %scan3A_65 = arith.addi %scan3A_63, %scan3A_64 : i32
      %scan3A_66 = arith.constant 1 : i32
      scf.for %scan3A_73 = %scan3A_63 to %scan3A_65 step %scan3A_66  : i32 {
        "tpu.region"() ({
          %run_scoped3A = tpu.sem_alloc : memref<!tpu.dma_semaphore, #tpu.memory_space<semaphore_mem>>
          %dma_start3A = arith.constant 0 : i32
          %dma_start3A_74 = tpu.memref_slice %arg6[%dma_start3A] : memref<128xf32, #tpu.memory_space<vmem>> -> memref<125xf32, #tpu.memory_space<vmem>>
          %dma_start3A_75 = arith.constant 0 : i32
          %dma_start3A_76 = tpu.memref_slice %arg5[%scan3A_73, %dma_start3A_75] : memref<40x125xi32, #tpu.memory_space<vmem>> -> memref<1x125xi32, #tpu.memory_space<vmem>>
          %dma_start3A_77 = tpu.memref_squeeze %dma_start3A_76 : memref<1x125xi32, #tpu.memory_space<vmem>> -> memref<125xi32, #tpu.memory_space<vmem>>
          %dma_start3A_78 = arith.constant 0 : i32
          %dma_start3A_79 = tpu.memref_slice %arg8[%dma_start3A_78] : memref<10240xf32, #tpu.memory_space<vmem_shared>> -> memref<10240xf32, #tpu.memory_space<vmem_shared>>
          tpu.enqueue_indirect_dma source(%dma_start3A_74 : memref<125xf32, #tpu.memory_space<vmem>>) target(%dma_start3A_79 : memref<10240xf32, #tpu.memory_space<vmem_shared>>) offsets(%dma_start3A_77 : memref<125xi32, #tpu.memory_space<vmem>>) semaphore(%run_scoped3A : memref<!tpu.dma_semaphore, #tpu.memory_space<semaphore_mem>>) {add = true}
          %dma_wait3A = arith.constant 0 : i32
          %dma_wait3A_80 = tpu.memref_slice %arg6[%dma_wait3A] : memref<128xf32, #tpu.memory_space<vmem>> -> memref<125xf32, #tpu.memory_space<vmem>>
          %dma_wait3A_81 = arith.constant 0 : i32
          %dma_wait3A_82 = tpu.memref_slice %arg5[%scan3A_73, %dma_wait3A_81] : memref<40x125xi32, #tpu.memory_space<vmem>> -> memref<1x125xi32, #tpu.memory_space<vmem>>
          %dma_wait3A_83 = tpu.memref_squeeze %dma_wait3A_82 : memref<1x125xi32, #tpu.memory_space<vmem>> -> memref<125xi32, #tpu.memory_space<vmem>>
          %dma_wait3A_84 = arith.constant 0 : i32
          %dma_wait3A_85 = tpu.memref_slice %arg8[%dma_wait3A_84] : memref<10240xf32, #tpu.memory_space<vmem_shared>> -> memref<10240xf32, #tpu.memory_space<vmem_shared>>
          tpu.wait_indirect_dma semaphore(%run_scoped3A : memref<!tpu.dma_semaphore, #tpu.memory_space<semaphore_mem>>) src(%dma_wait3A_80 : memref<125xf32, #tpu.memory_space<vmem>>) dst(%dma_wait3A_85 : memref<10240xf32, #tpu.memory_space<vmem_shared>>)
          tpu.yield
        }) : () -> ()
      }
      %scan3A_67 = arith.constant 40 : i32
      %barrier3A_68 = arith.constant 0 : index
      tpu.barrier barrier_id(%barrier3A_68)
      %mul3A_69 = arith.constant 640 : i32
      %mul3A_70 = arith.muli %arg1, %mul3A_69 : i32
      %mul3A_71 = arith.constant 640 : i32
      %mul3A_72 = arith.muli %arg1, %mul3A_71 : i32
      "tpu.region"() ({
        %run_scoped3A = tpu.sem_alloc : memref<!tpu.dma_semaphore, #tpu.memory_space<semaphore_mem>>
        %dma_start3A = tpu.memref_slice %arg4[%mul3A_72] : memref<10240xf32, #tpu.memory_space<hbm>> -> memref<640xf32, #tpu.memory_space<hbm>>
        %dma_start3A_73 = tpu.memref_slice %arg8[%mul3A_70] : memref<10240xf32, #tpu.memory_space<vmem_shared>> -> memref<640xf32, #tpu.memory_space<vmem_shared>>
        tpu.enqueue_dma source(%dma_start3A_73 : memref<640xf32, #tpu.memory_space<vmem_shared>>) target(%dma_start3A : memref<640xf32, #tpu.memory_space<hbm>>) target_semaphore(%run_scoped3A : memref<!tpu.dma_semaphore, #tpu.memory_space<semaphore_mem>>)
        %dma_wait3A = tpu.memref_slice %arg4[%mul3A_72] : memref<10240xf32, #tpu.memory_space<hbm>> -> memref<640xf32, #tpu.memory_space<hbm>>
        %dma_wait3A_74 = tpu.memref_slice %arg8[%mul3A_70] : memref<10240xf32, #tpu.memory_space<vmem_shared>> -> memref<640xf32, #tpu.memory_space<vmem_shared>>
        tpu.wait_dma2 semaphore(%run_scoped3A : memref<!tpu.dma_semaphore, #tpu.memory_space<semaphore_mem>>) src(%dma_wait3A_74 : memref<640xf32, #tpu.memory_space<vmem_shared>>) dst(%dma_wait3A : memref<640xf32, #tpu.memory_space<hbm>>)
        tpu.yield
      }) : () -> ()
    } else {
    }
    return
  }
}

#map = affine_map<(d0, d1) -> (0, 0)>
module attributes {stable_mosaic.version = 14 : i64} {
  func.func @_edge_body(%arg0: i32, %arg1: i32, %arg2: memref<10240x128xf32, #tpu.memory_space<hbm>>, %arg3: memref<10240x128xf32, #tpu.memory_space<hbm>>, %arg4: memref<1280x125xi32, #tpu.memory_space<hbm>>, %arg5: memref<1280x125xi32, #tpu.memory_space<hbm>>, %arg6: memref<10240x128xf32, #tpu.memory_space<hbm>>, %arg7: memref<10240x128xf32, #tpu.memory_space<hbm>>, %arg8: memref<40x125xi32, #tpu.memory_space<vmem>>, %arg9: memref<40x125xi32, #tpu.memory_space<vmem>>, %arg10: memref<125x128xf32, #tpu.memory_space<vmem>>, %arg11: memref<125x128xf32, #tpu.memory_space<vmem>>, %arg12: memref<10240x128xf32, #tpu.memory_space<vmem_shared>>, %arg13: memref<!tpu.dma_semaphore, #tpu.memory_space<semaphore_mem>>, %arg14: memref<!tpu.dma_semaphore, #tpu.memory_space<semaphore_mem>>, %arg15: memref<!tpu.dma_semaphore, #tpu.memory_space<semaphore_mem>>) attributes {dimension_semantics = [#tpu.dimension_semantics<core_parallel>, #tpu.dimension_semantics<subcore_parallel>], iteration_bounds = array<i64: 2, 16>, scalar_prefetch = 0 : i64, scratch_operands = 8 : i64, tpu.core_type = #tpu.core_type<sc_vector_subcore>, window_params = [{transform_indices = #map}, {transform_indices = #map}, {transform_indices = #map}, {transform_indices = #map}, {transform_indices = #map}, {transform_indices = #map}]} {
    %eq3A = arith.constant 0 : i32
    %eq3A_0 = arith.cmpi eq, %arg0, %eq3A : i32
    %convert_element_type3A = arith.extui %eq3A_0 : i1 to i32
    %cond3A = arith.constant 0 : i32
    %cond3A_1 = arith.cmpi ne, %convert_element_type3A, %cond3A : i32
    scf.if %cond3A_1 {
      %mul3A = arith.constant 640 : i32
      %mul3A_7 = arith.muli %arg1, %mul3A : i32
      %mul3A_8 = arith.constant 640 : i32
      %mul3A_9 = arith.muli %arg1, %mul3A_8 : i32
      %dma_start3A = arith.constant 0 : i32
      %dma_start3A_10 = tpu.memref_slice %arg12[%mul3A_9, %dma_start3A] : memref<10240x128xf32, #tpu.memory_space<vmem_shared>> -> memref<640x128xf32, #tpu.memory_space<vmem_shared>>
      %dma_start3A_11 = arith.constant 0 : i32
      %dma_start3A_12 = tpu.memref_slice %arg2[%mul3A_7, %dma_start3A_11] : memref<10240x128xf32, #tpu.memory_space<hbm>> -> memref<640x128xf32, #tpu.memory_space<hbm>>
      tpu.enqueue_dma source(%dma_start3A_12 : memref<640x128xf32, #tpu.memory_space<hbm>>) target(%dma_start3A_10 : memref<640x128xf32, #tpu.memory_space<vmem_shared>>) target_semaphore(%arg15 : memref<!tpu.dma_semaphore, #tpu.memory_space<semaphore_mem>>)
      %mul3A_13 = arith.constant 80 : i32
      %mul3A_14 = arith.muli %arg1, %mul3A_13 : i32
      %add3A = arith.constant 0 : i32
      %add3A_15 = arith.addi %mul3A_14, %add3A : i32
      "tpu.region"() ({
        %run_scoped3A = tpu.sem_alloc : memref<!tpu.dma_semaphore, #tpu.memory_space<semaphore_mem>>
        %dma_start3A_67 = arith.constant 0 : i32
        %dma_start3A_68 = tpu.memref_slice %arg4[%add3A_15, %dma_start3A_67] : memref<1280x125xi32, #tpu.memory_space<hbm>> -> memref<40x125xi32, #tpu.memory_space<hbm>>
        %dma_start3A_69 = arith.constant 0 : i32
        %dma_start3A_70 = tpu.memref_slice %arg4[%add3A_15, %dma_start3A_69] : memref<1280x125xi32, #tpu.memory_space<hbm>> -> memref<40x125xi32, #tpu.memory_space<hbm>>
        tpu.enqueue_dma source(%dma_start3A_70 : memref<40x125xi32, #tpu.memory_space<hbm>>) target(%arg8 : memref<40x125xi32, #tpu.memory_space<vmem>>) target_semaphore(%run_scoped3A : memref<!tpu.dma_semaphore, #tpu.memory_space<semaphore_mem>>)
        %dma_wait3A_71 = arith.constant 0 : i32
        %dma_wait3A_72 = tpu.memref_slice %arg4[%add3A_15, %dma_wait3A_71] : memref<1280x125xi32, #tpu.memory_space<hbm>> -> memref<40x125xi32, #tpu.memory_space<hbm>>
        %dma_wait3A_73 = arith.constant 0 : i32
        %dma_wait3A_74 = tpu.memref_slice %arg4[%add3A_15, %dma_wait3A_73] : memref<1280x125xi32, #tpu.memory_space<hbm>> -> memref<40x125xi32, #tpu.memory_space<hbm>>
        tpu.wait_dma2 semaphore(%run_scoped3A : memref<!tpu.dma_semaphore, #tpu.memory_space<semaphore_mem>>) src(%dma_wait3A_74 : memref<40x125xi32, #tpu.memory_space<hbm>>) dst(%arg8 : memref<40x125xi32, #tpu.memory_space<vmem>>)
        tpu.yield
      }) : () -> ()
      "tpu.region"() ({
        %run_scoped3A = tpu.sem_alloc : memref<!tpu.dma_semaphore, #tpu.memory_space<semaphore_mem>>
        %dma_start3A_67 = arith.constant 0 : i32
        %dma_start3A_68 = tpu.memref_slice %arg5[%add3A_15, %dma_start3A_67] : memref<1280x125xi32, #tpu.memory_space<hbm>> -> memref<40x125xi32, #tpu.memory_space<hbm>>
        %dma_start3A_69 = arith.constant 0 : i32
        %dma_start3A_70 = tpu.memref_slice %arg5[%add3A_15, %dma_start3A_69] : memref<1280x125xi32, #tpu.memory_space<hbm>> -> memref<40x125xi32, #tpu.memory_space<hbm>>
        tpu.enqueue_dma source(%dma_start3A_70 : memref<40x125xi32, #tpu.memory_space<hbm>>) target(%arg9 : memref<40x125xi32, #tpu.memory_space<vmem>>) target_semaphore(%run_scoped3A : memref<!tpu.dma_semaphore, #tpu.memory_space<semaphore_mem>>)
        %dma_wait3A_71 = arith.constant 0 : i32
        %dma_wait3A_72 = tpu.memref_slice %arg5[%add3A_15, %dma_wait3A_71] : memref<1280x125xi32, #tpu.memory_space<hbm>> -> memref<40x125xi32, #tpu.memory_space<hbm>>
        %dma_wait3A_73 = arith.constant 0 : i32
        %dma_wait3A_74 = tpu.memref_slice %arg5[%add3A_15, %dma_wait3A_73] : memref<1280x125xi32, #tpu.memory_space<hbm>> -> memref<40x125xi32, #tpu.memory_space<hbm>>
        tpu.wait_dma2 semaphore(%run_scoped3A : memref<!tpu.dma_semaphore, #tpu.memory_space<semaphore_mem>>) src(%dma_wait3A_74 : memref<40x125xi32, #tpu.memory_space<hbm>>) dst(%arg9 : memref<40x125xi32, #tpu.memory_space<vmem>>)
        tpu.yield
      }) : () -> ()
      %dma_wait3A = arith.constant 0 : i32
      %dma_wait3A_16 = tpu.memref_slice %arg12[%mul3A_9, %dma_wait3A] : memref<10240x128xf32, #tpu.memory_space<vmem_shared>> -> memref<640x128xf32, #tpu.memory_space<vmem_shared>>
      %dma_wait3A_17 = arith.constant 0 : i32
      %dma_wait3A_18 = tpu.memref_slice %arg2[%mul3A_7, %dma_wait3A_17] : memref<10240x128xf32, #tpu.memory_space<hbm>> -> memref<640x128xf32, #tpu.memory_space<hbm>>
      tpu.wait_dma2 semaphore(%arg15 : memref<!tpu.dma_semaphore, #tpu.memory_space<semaphore_mem>>) src(%dma_wait3A_18 : memref<640x128xf32, #tpu.memory_space<hbm>>) dst(%dma_wait3A_16 : memref<640x128xf32, #tpu.memory_space<vmem_shared>>)
      %barrier3A = arith.constant 0 : index
      tpu.barrier barrier_id(%barrier3A)
      %dma_start3A_19 = arith.constant 0 : i32
      %dma_start3A_20 = arith.constant 0 : i32
      %dma_start3A_21 = tpu.memref_slice %arg8[%dma_start3A_19, %dma_start3A_20] : memref<40x125xi32, #tpu.memory_space<vmem>> -> memref<1x125xi32, #tpu.memory_space<vmem>>
      %dma_start3A_22 = tpu.memref_squeeze %dma_start3A_21 : memref<1x125xi32, #tpu.memory_space<vmem>> -> memref<125xi32, #tpu.memory_space<vmem>>
      %dma_start3A_23 = arith.constant 0 : i32
      %dma_start3A_24 = arith.constant 0 : i32
      %dma_start3A_25 = tpu.memref_slice %arg2[%dma_start3A_23, %dma_start3A_24] : memref<10240x128xf32, #tpu.memory_space<hbm>> -> memref<10240x128xf32, #tpu.memory_space<hbm>>
      tpu.enqueue_indirect_dma source(%dma_start3A_25 : memref<10240x128xf32, #tpu.memory_space<hbm>>) target(%arg10 : memref<125x128xf32, #tpu.memory_space<vmem>>) offsets(%dma_start3A_22 : memref<125xi32, #tpu.memory_space<vmem>>) semaphore(%arg13 : memref<!tpu.dma_semaphore, #tpu.memory_space<semaphore_mem>>)
      %dma_start3A_26 = arith.constant 1 : i32
      %dma_start3A_27 = arith.constant 0 : i32
      %dma_start3A_28 = tpu.memref_slice %arg8[%dma_start3A_26, %dma_start3A_27] : memref<40x125xi32, #tpu.memory_space<vmem>> -> memref<1x125xi32, #tpu.memory_space<vmem>>
      %dma_start3A_29 = tpu.memref_squeeze %dma_start3A_28 : memref<1x125xi32, #tpu.memory_space<vmem>> -> memref<125xi32, #tpu.memory_space<vmem>>
      %dma_start3A_30 = arith.constant 0 : i32
      %dma_start3A_31 = arith.constant 0 : i32
      %dma_start3A_32 = tpu.memref_slice %arg2[%dma_start3A_30, %dma_start3A_31] : memref<10240x128xf32, #tpu.memory_space<hbm>> -> memref<10240x128xf32, #tpu.memory_space<hbm>>
      tpu.enqueue_indirect_dma source(%dma_start3A_32 : memref<10240x128xf32, #tpu.memory_space<hbm>>) target(%arg11 : memref<125x128xf32, #tpu.memory_space<vmem>>) offsets(%dma_start3A_29 : memref<125xi32, #tpu.memory_space<vmem>>) semaphore(%arg14 : memref<!tpu.dma_semaphore, #tpu.memory_space<semaphore_mem>>)
      %scan3A = arith.constant 0 : i32
      %scan3A_33 = arith.constant 0 : i32
      %scan3A_34 = arith.constant 20 : i32
      %scan3A_35 = arith.addi %scan3A_33, %scan3A_34 : i32
      %scan3A_36 = arith.constant 1 : i32
      scf.for %scan3A_67 = %scan3A_33 to %scan3A_35 step %scan3A_36  : i32 {
        %dma_wait3A_68 = arith.constant 0 : i32
        %dma_wait3A_69 = arith.constant 0 : i32
        %dma_wait3A_70 = tpu.memref_slice %arg8[%dma_wait3A_68, %dma_wait3A_69] : memref<40x125xi32, #tpu.memory_space<vmem>> -> memref<1x125xi32, #tpu.memory_space<vmem>>
        %dma_wait3A_71 = tpu.memref_squeeze %dma_wait3A_70 : memref<1x125xi32, #tpu.memory_space<vmem>> -> memref<125xi32, #tpu.memory_space<vmem>>
        %dma_wait3A_72 = arith.constant 0 : i32
        %dma_wait3A_73 = arith.constant 0 : i32
        %dma_wait3A_74 = tpu.memref_slice %arg2[%dma_wait3A_72, %dma_wait3A_73] : memref<10240x128xf32, #tpu.memory_space<hbm>> -> memref<10240x128xf32, #tpu.memory_space<hbm>>
        tpu.wait_indirect_dma semaphore(%arg13 : memref<!tpu.dma_semaphore, #tpu.memory_space<semaphore_mem>>) src(%dma_wait3A_74 : memref<10240x128xf32, #tpu.memory_space<hbm>>) dst(%arg10 : memref<125x128xf32, #tpu.memory_space<vmem>>)
        %mul3A_75 = arith.constant 2 : i32
        %mul3A_76 = arith.muli %mul3A_75, %scan3A_67 : i32
        "tpu.region"() ({
          %run_scoped3A = tpu.sem_alloc : memref<!tpu.dma_semaphore, #tpu.memory_space<semaphore_mem>>
          %dma_start3A_97 = arith.constant 0 : i32
          %dma_start3A_98 = tpu.memref_slice %arg9[%mul3A_76, %dma_start3A_97] : memref<40x125xi32, #tpu.memory_space<vmem>> -> memref<1x125xi32, #tpu.memory_space<vmem>>
          %dma_start3A_99 = tpu.memref_squeeze %dma_start3A_98 : memref<1x125xi32, #tpu.memory_space<vmem>> -> memref<125xi32, #tpu.memory_space<vmem>>
          %dma_start3A_100 = arith.constant 0 : i32
          %dma_start3A_101 = arith.constant 0 : i32
          %dma_start3A_102 = tpu.memref_slice %arg12[%dma_start3A_100, %dma_start3A_101] : memref<10240x128xf32, #tpu.memory_space<vmem_shared>> -> memref<10240x128xf32, #tpu.memory_space<vmem_shared>>
          tpu.enqueue_indirect_dma source(%arg10 : memref<125x128xf32, #tpu.memory_space<vmem>>) target(%dma_start3A_102 : memref<10240x128xf32, #tpu.memory_space<vmem_shared>>) offsets(%dma_start3A_99 : memref<125xi32, #tpu.memory_space<vmem>>) semaphore(%run_scoped3A : memref<!tpu.dma_semaphore, #tpu.memory_space<semaphore_mem>>) {add = true}
          %dma_wait3A_103 = arith.constant 0 : i32
          %dma_wait3A_104 = tpu.memref_slice %arg9[%mul3A_76, %dma_wait3A_103] : memref<40x125xi32, #tpu.memory_space<vmem>> -> memref<1x125xi32, #tpu.memory_space<vmem>>
          %dma_wait3A_105 = tpu.memref_squeeze %dma_wait3A_104 : memref<1x125xi32, #tpu.memory_space<vmem>> -> memref<125xi32, #tpu.memory_space<vmem>>
          %dma_wait3A_106 = arith.constant 0 : i32
          %dma_wait3A_107 = arith.constant 0 : i32
          %dma_wait3A_108 = tpu.memref_slice %arg12[%dma_wait3A_106, %dma_wait3A_107] : memref<10240x128xf32, #tpu.memory_space<vmem_shared>> -> memref<10240x128xf32, #tpu.memory_space<vmem_shared>>
          tpu.wait_indirect_dma semaphore(%run_scoped3A : memref<!tpu.dma_semaphore, #tpu.memory_space<semaphore_mem>>) src(%arg10 : memref<125x128xf32, #tpu.memory_space<vmem>>) dst(%dma_wait3A_108 : memref<10240x128xf32, #tpu.memory_space<vmem_shared>>)
          tpu.yield
        }) : () -> ()
        %lt3A = arith.constant 19 : i32
        %lt3A_77 = arith.cmpi slt, %scan3A_67, %lt3A : i32
        %convert_element_type3A_78 = arith.extui %lt3A_77 : i1 to i32
        %cond3A_79 = arith.constant 0 : i32
        %cond3A_80 = arith.cmpi ne, %convert_element_type3A_78, %cond3A_79 : i32
        scf.if %cond3A_80 {
          %mul3A_97 = arith.constant 2 : i32
          %mul3A_98 = arith.muli %mul3A_97, %scan3A_67 : i32
          %add3A_99 = arith.constant 2 : i32
          %add3A_100 = arith.addi %mul3A_98, %add3A_99 : i32
          %dma_start3A_101 = arith.constant 0 : i32
          %dma_start3A_102 = tpu.memref_slice %arg8[%add3A_100, %dma_start3A_101] : memref<40x125xi32, #tpu.memory_space<vmem>> -> memref<1x125xi32, #tpu.memory_space<vmem>>
          %dma_start3A_103 = tpu.memref_squeeze %dma_start3A_102 : memref<1x125xi32, #tpu.memory_space<vmem>> -> memref<125xi32, #tpu.memory_space<vmem>>
          %dma_start3A_104 = arith.constant 0 : i32
          %dma_start3A_105 = arith.constant 0 : i32
          %dma_start3A_106 = tpu.memref_slice %arg2[%dma_start3A_104, %dma_start3A_105] : memref<10240x128xf32, #tpu.memory_space<hbm>> -> memref<10240x128xf32, #tpu.memory_space<hbm>>
          tpu.enqueue_indirect_dma source(%dma_start3A_106 : memref<10240x128xf32, #tpu.memory_space<hbm>>) target(%arg10 : memref<125x128xf32, #tpu.memory_space<vmem>>) offsets(%dma_start3A_103 : memref<125xi32, #tpu.memory_space<vmem>>) semaphore(%arg13 : memref<!tpu.dma_semaphore, #tpu.memory_space<semaphore_mem>>)
        } else {
        }
        %dma_wait3A_81 = arith.constant 1 : i32
        %dma_wait3A_82 = arith.constant 0 : i32
        %dma_wait3A_83 = tpu.memref_slice %arg8[%dma_wait3A_81, %dma_wait3A_82] : memref<40x125xi32, #tpu.memory_space<vmem>> -> memref<1x125xi32, #tpu.memory_space<vmem>>
        %dma_wait3A_84 = tpu.memref_squeeze %dma_wait3A_83 : memref<1x125xi32, #tpu.memory_space<vmem>> -> memref<125xi32, #tpu.memory_space<vmem>>
        %dma_wait3A_85 = arith.constant 0 : i32
        %dma_wait3A_86 = arith.constant 0 : i32
        %dma_wait3A_87 = tpu.memref_slice %arg2[%dma_wait3A_85, %dma_wait3A_86] : memref<10240x128xf32, #tpu.memory_space<hbm>> -> memref<10240x128xf32, #tpu.memory_space<hbm>>
        tpu.wait_indirect_dma semaphore(%arg14 : memref<!tpu.dma_semaphore, #tpu.memory_space<semaphore_mem>>) src(%dma_wait3A_87 : memref<10240x128xf32, #tpu.memory_space<hbm>>) dst(%arg11 : memref<125x128xf32, #tpu.memory_space<vmem>>)
        %mul3A_88 = arith.constant 2 : i32
        %mul3A_89 = arith.muli %mul3A_88, %scan3A_67 : i32
        %add3A_90 = arith.constant 1 : i32
        %add3A_91 = arith.addi %mul3A_89, %add3A_90 : i32
        "tpu.region"() ({
          %run_scoped3A = tpu.sem_alloc : memref<!tpu.dma_semaphore, #tpu.memory_space<semaphore_mem>>
          %dma_start3A_97 = arith.constant 0 : i32
          %dma_start3A_98 = tpu.memref_slice %arg9[%add3A_91, %dma_start3A_97] : memref<40x125xi32, #tpu.memory_space<vmem>> -> memref<1x125xi32, #tpu.memory_space<vmem>>
          %dma_start3A_99 = tpu.memref_squeeze %dma_start3A_98 : memref<1x125xi32, #tpu.memory_space<vmem>> -> memref<125xi32, #tpu.memory_space<vmem>>
          %dma_start3A_100 = arith.constant 0 : i32
          %dma_start3A_101 = arith.constant 0 : i32
          %dma_start3A_102 = tpu.memref_slice %arg12[%dma_start3A_100, %dma_start3A_101] : memref<10240x128xf32, #tpu.memory_space<vmem_shared>> -> memref<10240x128xf32, #tpu.memory_space<vmem_shared>>
          tpu.enqueue_indirect_dma source(%arg11 : memref<125x128xf32, #tpu.memory_space<vmem>>) target(%dma_start3A_102 : memref<10240x128xf32, #tpu.memory_space<vmem_shared>>) offsets(%dma_start3A_99 : memref<125xi32, #tpu.memory_space<vmem>>) semaphore(%run_scoped3A : memref<!tpu.dma_semaphore, #tpu.memory_space<semaphore_mem>>) {add = true}
          %dma_wait3A_103 = arith.constant 0 : i32
          %dma_wait3A_104 = tpu.memref_slice %arg9[%add3A_91, %dma_wait3A_103] : memref<40x125xi32, #tpu.memory_space<vmem>> -> memref<1x125xi32, #tpu.memory_space<vmem>>
          %dma_wait3A_105 = tpu.memref_squeeze %dma_wait3A_104 : memref<1x125xi32, #tpu.memory_space<vmem>> -> memref<125xi32, #tpu.memory_space<vmem>>
          %dma_wait3A_106 = arith.constant 0 : i32
          %dma_wait3A_107 = arith.constant 0 : i32
          %dma_wait3A_108 = tpu.memref_slice %arg12[%dma_wait3A_106, %dma_wait3A_107] : memref<10240x128xf32, #tpu.memory_space<vmem_shared>> -> memref<10240x128xf32, #tpu.memory_space<vmem_shared>>
          tpu.wait_indirect_dma semaphore(%run_scoped3A : memref<!tpu.dma_semaphore, #tpu.memory_space<semaphore_mem>>) src(%arg11 : memref<125x128xf32, #tpu.memory_space<vmem>>) dst(%dma_wait3A_108 : memref<10240x128xf32, #tpu.memory_space<vmem_shared>>)
          tpu.yield
        }) : () -> ()
        %lt3A_92 = arith.constant 19 : i32
        %lt3A_93 = arith.cmpi slt, %scan3A_67, %lt3A_92 : i32
        %convert_element_type3A_94 = arith.extui %lt3A_93 : i1 to i32
        %cond3A_95 = arith.constant 0 : i32
        %cond3A_96 = arith.cmpi ne, %convert_element_type3A_94, %cond3A_95 : i32
        scf.if %cond3A_96 {
          %mul3A_97 = arith.constant 2 : i32
          %mul3A_98 = arith.muli %mul3A_97, %scan3A_67 : i32
          %add3A_99 = arith.constant 3 : i32
          %add3A_100 = arith.addi %mul3A_98, %add3A_99 : i32
          %dma_start3A_101 = arith.constant 0 : i32
          %dma_start3A_102 = tpu.memref_slice %arg8[%add3A_100, %dma_start3A_101] : memref<40x125xi32, #tpu.memory_space<vmem>> -> memref<1x125xi32, #tpu.memory_space<vmem>>
          %dma_start3A_103 = tpu.memref_squeeze %dma_start3A_102 : memref<1x125xi32, #tpu.memory_space<vmem>> -> memref<125xi32, #tpu.memory_space<vmem>>
          %dma_start3A_104 = arith.constant 0 : i32
          %dma_start3A_105 = arith.constant 0 : i32
          %dma_start3A_106 = tpu.memref_slice %arg2[%dma_start3A_104, %dma_start3A_105] : memref<10240x128xf32, #tpu.memory_space<hbm>> -> memref<10240x128xf32, #tpu.memory_space<hbm>>
          tpu.enqueue_indirect_dma source(%dma_start3A_106 : memref<10240x128xf32, #tpu.memory_space<hbm>>) target(%arg11 : memref<125x128xf32, #tpu.memory_space<vmem>>) offsets(%dma_start3A_103 : memref<125xi32, #tpu.memory_space<vmem>>) semaphore(%arg14 : memref<!tpu.dma_semaphore, #tpu.memory_space<semaphore_mem>>)
        } else {
        }
      }
      %scan3A_37 = arith.constant 20 : i32
      %mul3A_38 = arith.constant 80 : i32
      %mul3A_39 = arith.muli %arg1, %mul3A_38 : i32
      %add3A_40 = arith.constant 40 : i32
      %add3A_41 = arith.addi %mul3A_39, %add3A_40 : i32
      "tpu.region"() ({
        %run_scoped3A = tpu.sem_alloc : memref<!tpu.dma_semaphore, #tpu.memory_space<semaphore_mem>>
        %dma_start3A_67 = arith.constant 0 : i32
        %dma_start3A_68 = tpu.memref_slice %arg4[%add3A_41, %dma_start3A_67] : memref<1280x125xi32, #tpu.memory_space<hbm>> -> memref<40x125xi32, #tpu.memory_space<hbm>>
        %dma_start3A_69 = arith.constant 0 : i32
        %dma_start3A_70 = tpu.memref_slice %arg4[%add3A_41, %dma_start3A_69] : memref<1280x125xi32, #tpu.memory_space<hbm>> -> memref<40x125xi32, #tpu.memory_space<hbm>>
        tpu.enqueue_dma source(%dma_start3A_70 : memref<40x125xi32, #tpu.memory_space<hbm>>) target(%arg8 : memref<40x125xi32, #tpu.memory_space<vmem>>) target_semaphore(%run_scoped3A : memref<!tpu.dma_semaphore, #tpu.memory_space<semaphore_mem>>)
        %dma_wait3A_71 = arith.constant 0 : i32
        %dma_wait3A_72 = tpu.memref_slice %arg4[%add3A_41, %dma_wait3A_71] : memref<1280x125xi32, #tpu.memory_space<hbm>> -> memref<40x125xi32, #tpu.memory_space<hbm>>
        %dma_wait3A_73 = arith.constant 0 : i32
        %dma_wait3A_74 = tpu.memref_slice %arg4[%add3A_41, %dma_wait3A_73] : memref<1280x125xi32, #tpu.memory_space<hbm>> -> memref<40x125xi32, #tpu.memory_space<hbm>>
        tpu.wait_dma2 semaphore(%run_scoped3A : memref<!tpu.dma_semaphore, #tpu.memory_space<semaphore_mem>>) src(%dma_wait3A_74 : memref<40x125xi32, #tpu.memory_space<hbm>>) dst(%arg8 : memref<40x125xi32, #tpu.memory_space<vmem>>)
        tpu.yield
      }) : () -> ()
      "tpu.region"() ({
        %run_scoped3A = tpu.sem_alloc : memref<!tpu.dma_semaphore, #tpu.memory_space<semaphore_mem>>
        %dma_start3A_67 = arith.constant 0 : i32
        %dma_start3A_68 = tpu.memref_slice %arg5[%add3A_41, %dma_start3A_67] : memref<1280x125xi32, #tpu.memory_space<hbm>> -> memref<40x125xi32, #tpu.memory_space<hbm>>
        %dma_start3A_69 = arith.constant 0 : i32
        %dma_start3A_70 = tpu.memref_slice %arg5[%add3A_41, %dma_start3A_69] : memref<1280x125xi32, #tpu.memory_space<hbm>> -> memref<40x125xi32, #tpu.memory_space<hbm>>
        tpu.enqueue_dma source(%dma_start3A_70 : memref<40x125xi32, #tpu.memory_space<hbm>>) target(%arg9 : memref<40x125xi32, #tpu.memory_space<vmem>>) target_semaphore(%run_scoped3A : memref<!tpu.dma_semaphore, #tpu.memory_space<semaphore_mem>>)
        %dma_wait3A_71 = arith.constant 0 : i32
        %dma_wait3A_72 = tpu.memref_slice %arg5[%add3A_41, %dma_wait3A_71] : memref<1280x125xi32, #tpu.memory_space<hbm>> -> memref<40x125xi32, #tpu.memory_space<hbm>>
        %dma_wait3A_73 = arith.constant 0 : i32
        %dma_wait3A_74 = tpu.memref_slice %arg5[%add3A_41, %dma_wait3A_73] : memref<1280x125xi32, #tpu.memory_space<hbm>> -> memref<40x125xi32, #tpu.memory_space<hbm>>
        tpu.wait_dma2 semaphore(%run_scoped3A : memref<!tpu.dma_semaphore, #tpu.memory_space<semaphore_mem>>) src(%dma_wait3A_74 : memref<40x125xi32, #tpu.memory_space<hbm>>) dst(%arg9 : memref<40x125xi32, #tpu.memory_space<vmem>>)
        tpu.yield
      }) : () -> ()
      %dma_start3A_42 = arith.constant 0 : i32
      %dma_start3A_43 = arith.constant 0 : i32
      %dma_start3A_44 = tpu.memref_slice %arg8[%dma_start3A_42, %dma_start3A_43] : memref<40x125xi32, #tpu.memory_space<vmem>> -> memref<1x125xi32, #tpu.memory_space<vmem>>
      %dma_start3A_45 = tpu.memref_squeeze %dma_start3A_44 : memref<1x125xi32, #tpu.memory_space<vmem>> -> memref<125xi32, #tpu.memory_space<vmem>>
      %dma_start3A_46 = arith.constant 0 : i32
      %dma_start3A_47 = arith.constant 0 : i32
      %dma_start3A_48 = tpu.memref_slice %arg2[%dma_start3A_46, %dma_start3A_47] : memref<10240x128xf32, #tpu.memory_space<hbm>> -> memref<10240x128xf32, #tpu.memory_space<hbm>>
      tpu.enqueue_indirect_dma source(%dma_start3A_48 : memref<10240x128xf32, #tpu.memory_space<hbm>>) target(%arg10 : memref<125x128xf32, #tpu.memory_space<vmem>>) offsets(%dma_start3A_45 : memref<125xi32, #tpu.memory_space<vmem>>) semaphore(%arg13 : memref<!tpu.dma_semaphore, #tpu.memory_space<semaphore_mem>>)
      %dma_start3A_49 = arith.constant 1 : i32
      %dma_start3A_50 = arith.constant 0 : i32
      %dma_start3A_51 = tpu.memref_slice %arg8[%dma_start3A_49, %dma_start3A_50] : memref<40x125xi32, #tpu.memory_space<vmem>> -> memref<1x125xi32, #tpu.memory_space<vmem>>
      %dma_start3A_52 = tpu.memref_squeeze %dma_start3A_51 : memref<1x125xi32, #tpu.memory_space<vmem>> -> memref<125xi32, #tpu.memory_space<vmem>>
      %dma_start3A_53 = arith.constant 0 : i32
      %dma_start3A_54 = arith.constant 0 : i32
      %dma_start3A_55 = tpu.memref_slice %arg2[%dma_start3A_53, %dma_start3A_54] : memref<10240x128xf32, #tpu.memory_space<hbm>> -> memref<10240x128xf32, #tpu.memory_space<hbm>>
      tpu.enqueue_indirect_dma source(%dma_start3A_55 : memref<10240x128xf32, #tpu.memory_space<hbm>>) target(%arg11 : memref<125x128xf32, #tpu.memory_space<vmem>>) offsets(%dma_start3A_52 : memref<125xi32, #tpu.memory_space<vmem>>) semaphore(%arg14 : memref<!tpu.dma_semaphore, #tpu.memory_space<semaphore_mem>>)
      %scan3A_56 = arith.constant 0 : i32
      %scan3A_57 = arith.constant 0 : i32
      %scan3A_58 = arith.constant 20 : i32
      %scan3A_59 = arith.addi %scan3A_57, %scan3A_58 : i32
      %scan3A_60 = arith.constant 1 : i32
      scf.for %scan3A_67 = %scan3A_57 to %scan3A_59 step %scan3A_60  : i32 {
        %dma_wait3A_68 = arith.constant 0 : i32
        %dma_wait3A_69 = arith.constant 0 : i32
        %dma_wait3A_70 = tpu.memref_slice %arg8[%dma_wait3A_68, %dma_wait3A_69] : memref<40x125xi32, #tpu.memory_space<vmem>> -> memref<1x125xi32, #tpu.memory_space<vmem>>
        %dma_wait3A_71 = tpu.memref_squeeze %dma_wait3A_70 : memref<1x125xi32, #tpu.memory_space<vmem>> -> memref<125xi32, #tpu.memory_space<vmem>>
        %dma_wait3A_72 = arith.constant 0 : i32
        %dma_wait3A_73 = arith.constant 0 : i32
        %dma_wait3A_74 = tpu.memref_slice %arg2[%dma_wait3A_72, %dma_wait3A_73] : memref<10240x128xf32, #tpu.memory_space<hbm>> -> memref<10240x128xf32, #tpu.memory_space<hbm>>
        tpu.wait_indirect_dma semaphore(%arg13 : memref<!tpu.dma_semaphore, #tpu.memory_space<semaphore_mem>>) src(%dma_wait3A_74 : memref<10240x128xf32, #tpu.memory_space<hbm>>) dst(%arg10 : memref<125x128xf32, #tpu.memory_space<vmem>>)
        %mul3A_75 = arith.constant 2 : i32
        %mul3A_76 = arith.muli %mul3A_75, %scan3A_67 : i32
        "tpu.region"() ({
          %run_scoped3A = tpu.sem_alloc : memref<!tpu.dma_semaphore, #tpu.memory_space<semaphore_mem>>
          %dma_start3A_97 = arith.constant 0 : i32
          %dma_start3A_98 = tpu.memref_slice %arg9[%mul3A_76, %dma_start3A_97] : memref<40x125xi32, #tpu.memory_space<vmem>> -> memref<1x125xi32, #tpu.memory_space<vmem>>
          %dma_start3A_99 = tpu.memref_squeeze %dma_start3A_98 : memref<1x125xi32, #tpu.memory_space<vmem>> -> memref<125xi32, #tpu.memory_space<vmem>>
          %dma_start3A_100 = arith.constant 0 : i32
          %dma_start3A_101 = arith.constant 0 : i32
          %dma_start3A_102 = tpu.memref_slice %arg12[%dma_start3A_100, %dma_start3A_101] : memref<10240x128xf32, #tpu.memory_space<vmem_shared>> -> memref<10240x128xf32, #tpu.memory_space<vmem_shared>>
          tpu.enqueue_indirect_dma source(%arg10 : memref<125x128xf32, #tpu.memory_space<vmem>>) target(%dma_start3A_102 : memref<10240x128xf32, #tpu.memory_space<vmem_shared>>) offsets(%dma_start3A_99 : memref<125xi32, #tpu.memory_space<vmem>>) semaphore(%run_scoped3A : memref<!tpu.dma_semaphore, #tpu.memory_space<semaphore_mem>>) {add = true}
          %dma_wait3A_103 = arith.constant 0 : i32
          %dma_wait3A_104 = tpu.memref_slice %arg9[%mul3A_76, %dma_wait3A_103] : memref<40x125xi32, #tpu.memory_space<vmem>> -> memref<1x125xi32, #tpu.memory_space<vmem>>
          %dma_wait3A_105 = tpu.memref_squeeze %dma_wait3A_104 : memref<1x125xi32, #tpu.memory_space<vmem>> -> memref<125xi32, #tpu.memory_space<vmem>>
          %dma_wait3A_106 = arith.constant 0 : i32
          %dma_wait3A_107 = arith.constant 0 : i32
          %dma_wait3A_108 = tpu.memref_slice %arg12[%dma_wait3A_106, %dma_wait3A_107] : memref<10240x128xf32, #tpu.memory_space<vmem_shared>> -> memref<10240x128xf32, #tpu.memory_space<vmem_shared>>
          tpu.wait_indirect_dma semaphore(%run_scoped3A : memref<!tpu.dma_semaphore, #tpu.memory_space<semaphore_mem>>) src(%arg10 : memref<125x128xf32, #tpu.memory_space<vmem>>) dst(%dma_wait3A_108 : memref<10240x128xf32, #tpu.memory_space<vmem_shared>>)
          tpu.yield
        }) : () -> ()
        %lt3A = arith.constant 19 : i32
        %lt3A_77 = arith.cmpi slt, %scan3A_67, %lt3A : i32
        %convert_element_type3A_78 = arith.extui %lt3A_77 : i1 to i32
        %cond3A_79 = arith.constant 0 : i32
        %cond3A_80 = arith.cmpi ne, %convert_element_type3A_78, %cond3A_79 : i32
        scf.if %cond3A_80 {
          %mul3A_97 = arith.constant 2 : i32
          %mul3A_98 = arith.muli %mul3A_97, %scan3A_67 : i32
          %add3A_99 = arith.constant 2 : i32
          %add3A_100 = arith.addi %mul3A_98, %add3A_99 : i32
          %dma_start3A_101 = arith.constant 0 : i32
          %dma_start3A_102 = tpu.memref_slice %arg8[%add3A_100, %dma_start3A_101] : memref<40x125xi32, #tpu.memory_space<vmem>> -> memref<1x125xi32, #tpu.memory_space<vmem>>
          %dma_start3A_103 = tpu.memref_squeeze %dma_start3A_102 : memref<1x125xi32, #tpu.memory_space<vmem>> -> memref<125xi32, #tpu.memory_space<vmem>>
          %dma_start3A_104 = arith.constant 0 : i32
          %dma_start3A_105 = arith.constant 0 : i32
          %dma_start3A_106 = tpu.memref_slice %arg2[%dma_start3A_104, %dma_start3A_105] : memref<10240x128xf32, #tpu.memory_space<hbm>> -> memref<10240x128xf32, #tpu.memory_space<hbm>>
          tpu.enqueue_indirect_dma source(%dma_start3A_106 : memref<10240x128xf32, #tpu.memory_space<hbm>>) target(%arg10 : memref<125x128xf32, #tpu.memory_space<vmem>>) offsets(%dma_start3A_103 : memref<125xi32, #tpu.memory_space<vmem>>) semaphore(%arg13 : memref<!tpu.dma_semaphore, #tpu.memory_space<semaphore_mem>>)
        } else {
        }
        %dma_wait3A_81 = arith.constant 1 : i32
        %dma_wait3A_82 = arith.constant 0 : i32
        %dma_wait3A_83 = tpu.memref_slice %arg8[%dma_wait3A_81, %dma_wait3A_82] : memref<40x125xi32, #tpu.memory_space<vmem>> -> memref<1x125xi32, #tpu.memory_space<vmem>>
        %dma_wait3A_84 = tpu.memref_squeeze %dma_wait3A_83 : memref<1x125xi32, #tpu.memory_space<vmem>> -> memref<125xi32, #tpu.memory_space<vmem>>
        %dma_wait3A_85 = arith.constant 0 : i32
        %dma_wait3A_86 = arith.constant 0 : i32
        %dma_wait3A_87 = tpu.memref_slice %arg2[%dma_wait3A_85, %dma_wait3A_86] : memref<10240x128xf32, #tpu.memory_space<hbm>> -> memref<10240x128xf32, #tpu.memory_space<hbm>>
        tpu.wait_indirect_dma semaphore(%arg14 : memref<!tpu.dma_semaphore, #tpu.memory_space<semaphore_mem>>) src(%dma_wait3A_87 : memref<10240x128xf32, #tpu.memory_space<hbm>>) dst(%arg11 : memref<125x128xf32, #tpu.memory_space<vmem>>)
        %mul3A_88 = arith.constant 2 : i32
        %mul3A_89 = arith.muli %mul3A_88, %scan3A_67 : i32
        %add3A_90 = arith.constant 1 : i32
        %add3A_91 = arith.addi %mul3A_89, %add3A_90 : i32
        "tpu.region"() ({
          %run_scoped3A = tpu.sem_alloc : memref<!tpu.dma_semaphore, #tpu.memory_space<semaphore_mem>>
          %dma_start3A_97 = arith.constant 0 : i32
          %dma_start3A_98 = tpu.memref_slice %arg9[%add3A_91, %dma_start3A_97] : memref<40x125xi32, #tpu.memory_space<vmem>> -> memref<1x125xi32, #tpu.memory_space<vmem>>
          %dma_start3A_99 = tpu.memref_squeeze %dma_start3A_98 : memref<1x125xi32, #tpu.memory_space<vmem>> -> memref<125xi32, #tpu.memory_space<vmem>>
          %dma_start3A_100 = arith.constant 0 : i32
          %dma_start3A_101 = arith.constant 0 : i32
          %dma_start3A_102 = tpu.memref_slice %arg12[%dma_start3A_100, %dma_start3A_101] : memref<10240x128xf32, #tpu.memory_space<vmem_shared>> -> memref<10240x128xf32, #tpu.memory_space<vmem_shared>>
          tpu.enqueue_indirect_dma source(%arg11 : memref<125x128xf32, #tpu.memory_space<vmem>>) target(%dma_start3A_102 : memref<10240x128xf32, #tpu.memory_space<vmem_shared>>) offsets(%dma_start3A_99 : memref<125xi32, #tpu.memory_space<vmem>>) semaphore(%run_scoped3A : memref<!tpu.dma_semaphore, #tpu.memory_space<semaphore_mem>>) {add = true}
          %dma_wait3A_103 = arith.constant 0 : i32
          %dma_wait3A_104 = tpu.memref_slice %arg9[%add3A_91, %dma_wait3A_103] : memref<40x125xi32, #tpu.memory_space<vmem>> -> memref<1x125xi32, #tpu.memory_space<vmem>>
          %dma_wait3A_105 = tpu.memref_squeeze %dma_wait3A_104 : memref<1x125xi32, #tpu.memory_space<vmem>> -> memref<125xi32, #tpu.memory_space<vmem>>
          %dma_wait3A_106 = arith.constant 0 : i32
          %dma_wait3A_107 = arith.constant 0 : i32
          %dma_wait3A_108 = tpu.memref_slice %arg12[%dma_wait3A_106, %dma_wait3A_107] : memref<10240x128xf32, #tpu.memory_space<vmem_shared>> -> memref<10240x128xf32, #tpu.memory_space<vmem_shared>>
          tpu.wait_indirect_dma semaphore(%run_scoped3A : memref<!tpu.dma_semaphore, #tpu.memory_space<semaphore_mem>>) src(%arg11 : memref<125x128xf32, #tpu.memory_space<vmem>>) dst(%dma_wait3A_108 : memref<10240x128xf32, #tpu.memory_space<vmem_shared>>)
          tpu.yield
        }) : () -> ()
        %lt3A_92 = arith.constant 19 : i32
        %lt3A_93 = arith.cmpi slt, %scan3A_67, %lt3A_92 : i32
        %convert_element_type3A_94 = arith.extui %lt3A_93 : i1 to i32
        %cond3A_95 = arith.constant 0 : i32
        %cond3A_96 = arith.cmpi ne, %convert_element_type3A_94, %cond3A_95 : i32
        scf.if %cond3A_96 {
          %mul3A_97 = arith.constant 2 : i32
          %mul3A_98 = arith.muli %mul3A_97, %scan3A_67 : i32
          %add3A_99 = arith.constant 3 : i32
          %add3A_100 = arith.addi %mul3A_98, %add3A_99 : i32
          %dma_start3A_101 = arith.constant 0 : i32
          %dma_start3A_102 = tpu.memref_slice %arg8[%add3A_100, %dma_start3A_101] : memref<40x125xi32, #tpu.memory_space<vmem>> -> memref<1x125xi32, #tpu.memory_space<vmem>>
          %dma_start3A_103 = tpu.memref_squeeze %dma_start3A_102 : memref<1x125xi32, #tpu.memory_space<vmem>> -> memref<125xi32, #tpu.memory_space<vmem>>
          %dma_start3A_104 = arith.constant 0 : i32
          %dma_start3A_105 = arith.constant 0 : i32
          %dma_start3A_106 = tpu.memref_slice %arg2[%dma_start3A_104, %dma_start3A_105] : memref<10240x128xf32, #tpu.memory_space<hbm>> -> memref<10240x128xf32, #tpu.memory_space<hbm>>
          tpu.enqueue_indirect_dma source(%dma_start3A_106 : memref<10240x128xf32, #tpu.memory_space<hbm>>) target(%arg11 : memref<125x128xf32, #tpu.memory_space<vmem>>) offsets(%dma_start3A_103 : memref<125xi32, #tpu.memory_space<vmem>>) semaphore(%arg14 : memref<!tpu.dma_semaphore, #tpu.memory_space<semaphore_mem>>)
        } else {
        }
      }
      %scan3A_61 = arith.constant 20 : i32
      %barrier3A_62 = arith.constant 0 : index
      tpu.barrier barrier_id(%barrier3A_62)
      %mul3A_63 = arith.constant 640 : i32
      %mul3A_64 = arith.muli %arg1, %mul3A_63 : i32
      %mul3A_65 = arith.constant 640 : i32
      %mul3A_66 = arith.muli %arg1, %mul3A_65 : i32
      "tpu.region"() ({
        %run_scoped3A = tpu.sem_alloc : memref<!tpu.dma_semaphore, #tpu.memory_space<semaphore_mem>>
        %dma_start3A_67 = arith.constant 0 : i32
        %dma_start3A_68 = tpu.memref_slice %arg6[%mul3A_66, %dma_start3A_67] : memref<10240x128xf32, #tpu.memory_space<hbm>> -> memref<640x128xf32, #tpu.memory_space<hbm>>
        %dma_start3A_69 = arith.constant 0 : i32
        %dma_start3A_70 = tpu.memref_slice %arg12[%mul3A_64, %dma_start3A_69] : memref<10240x128xf32, #tpu.memory_space<vmem_shared>> -> memref<640x128xf32, #tpu.memory_space<vmem_shared>>
        tpu.enqueue_dma source(%dma_start3A_70 : memref<640x128xf32, #tpu.memory_space<vmem_shared>>) target(%dma_start3A_68 : memref<640x128xf32, #tpu.memory_space<hbm>>) target_semaphore(%run_scoped3A : memref<!tpu.dma_semaphore, #tpu.memory_space<semaphore_mem>>)
        %dma_wait3A_71 = arith.constant 0 : i32
        %dma_wait3A_72 = tpu.memref_slice %arg6[%mul3A_66, %dma_wait3A_71] : memref<10240x128xf32, #tpu.memory_space<hbm>> -> memref<640x128xf32, #tpu.memory_space<hbm>>
        %dma_wait3A_73 = arith.constant 0 : i32
        %dma_wait3A_74 = tpu.memref_slice %arg12[%mul3A_64, %dma_wait3A_73] : memref<10240x128xf32, #tpu.memory_space<vmem_shared>> -> memref<640x128xf32, #tpu.memory_space<vmem_shared>>
        tpu.wait_dma2 semaphore(%run_scoped3A : memref<!tpu.dma_semaphore, #tpu.memory_space<semaphore_mem>>) src(%dma_wait3A_74 : memref<640x128xf32, #tpu.memory_space<vmem_shared>>) dst(%dma_wait3A_72 : memref<640x128xf32, #tpu.memory_space<hbm>>)
        tpu.yield
      }) : () -> ()
    } else {
    }
    %eq3A_2 = arith.constant 1 : i32
    %eq3A_3 = arith.cmpi eq, %arg0, %eq3A_2 : i32
    %convert_element_type3A_4 = arith.extui %eq3A_3 : i1 to i32
    %cond3A_5 = arith.constant 0 : i32
    %cond3A_6 = arith.cmpi ne, %convert_element_type3A_4, %cond3A_5 : i32
    scf.if %cond3A_6 {
      %mul3A = arith.constant 640 : i32
      %mul3A_7 = arith.muli %arg1, %mul3A : i32
      %mul3A_8 = arith.constant 640 : i32
      %mul3A_9 = arith.muli %arg1, %mul3A_8 : i32
      %dma_start3A = arith.constant 0 : i32
      %dma_start3A_10 = tpu.memref_slice %arg12[%mul3A_9, %dma_start3A] : memref<10240x128xf32, #tpu.memory_space<vmem_shared>> -> memref<640x128xf32, #tpu.memory_space<vmem_shared>>
      %dma_start3A_11 = arith.constant 0 : i32
      %dma_start3A_12 = tpu.memref_slice %arg3[%mul3A_7, %dma_start3A_11] : memref<10240x128xf32, #tpu.memory_space<hbm>> -> memref<640x128xf32, #tpu.memory_space<hbm>>
      tpu.enqueue_dma source(%dma_start3A_12 : memref<640x128xf32, #tpu.memory_space<hbm>>) target(%dma_start3A_10 : memref<640x128xf32, #tpu.memory_space<vmem_shared>>) target_semaphore(%arg15 : memref<!tpu.dma_semaphore, #tpu.memory_space<semaphore_mem>>)
      %mul3A_13 = arith.constant 80 : i32
      %mul3A_14 = arith.muli %arg1, %mul3A_13 : i32
      %add3A = arith.constant 0 : i32
      %add3A_15 = arith.addi %mul3A_14, %add3A : i32
      "tpu.region"() ({
        %run_scoped3A = tpu.sem_alloc : memref<!tpu.dma_semaphore, #tpu.memory_space<semaphore_mem>>
        %dma_start3A_67 = arith.constant 0 : i32
        %dma_start3A_68 = tpu.memref_slice %arg4[%add3A_15, %dma_start3A_67] : memref<1280x125xi32, #tpu.memory_space<hbm>> -> memref<40x125xi32, #tpu.memory_space<hbm>>
        %dma_start3A_69 = arith.constant 0 : i32
        %dma_start3A_70 = tpu.memref_slice %arg4[%add3A_15, %dma_start3A_69] : memref<1280x125xi32, #tpu.memory_space<hbm>> -> memref<40x125xi32, #tpu.memory_space<hbm>>
        tpu.enqueue_dma source(%dma_start3A_70 : memref<40x125xi32, #tpu.memory_space<hbm>>) target(%arg8 : memref<40x125xi32, #tpu.memory_space<vmem>>) target_semaphore(%run_scoped3A : memref<!tpu.dma_semaphore, #tpu.memory_space<semaphore_mem>>)
        %dma_wait3A_71 = arith.constant 0 : i32
        %dma_wait3A_72 = tpu.memref_slice %arg4[%add3A_15, %dma_wait3A_71] : memref<1280x125xi32, #tpu.memory_space<hbm>> -> memref<40x125xi32, #tpu.memory_space<hbm>>
        %dma_wait3A_73 = arith.constant 0 : i32
        %dma_wait3A_74 = tpu.memref_slice %arg4[%add3A_15, %dma_wait3A_73] : memref<1280x125xi32, #tpu.memory_space<hbm>> -> memref<40x125xi32, #tpu.memory_space<hbm>>
        tpu.wait_dma2 semaphore(%run_scoped3A : memref<!tpu.dma_semaphore, #tpu.memory_space<semaphore_mem>>) src(%dma_wait3A_74 : memref<40x125xi32, #tpu.memory_space<hbm>>) dst(%arg8 : memref<40x125xi32, #tpu.memory_space<vmem>>)
        tpu.yield
      }) : () -> ()
      "tpu.region"() ({
        %run_scoped3A = tpu.sem_alloc : memref<!tpu.dma_semaphore, #tpu.memory_space<semaphore_mem>>
        %dma_start3A_67 = arith.constant 0 : i32
        %dma_start3A_68 = tpu.memref_slice %arg5[%add3A_15, %dma_start3A_67] : memref<1280x125xi32, #tpu.memory_space<hbm>> -> memref<40x125xi32, #tpu.memory_space<hbm>>
        %dma_start3A_69 = arith.constant 0 : i32
        %dma_start3A_70 = tpu.memref_slice %arg5[%add3A_15, %dma_start3A_69] : memref<1280x125xi32, #tpu.memory_space<hbm>> -> memref<40x125xi32, #tpu.memory_space<hbm>>
        tpu.enqueue_dma source(%dma_start3A_70 : memref<40x125xi32, #tpu.memory_space<hbm>>) target(%arg9 : memref<40x125xi32, #tpu.memory_space<vmem>>) target_semaphore(%run_scoped3A : memref<!tpu.dma_semaphore, #tpu.memory_space<semaphore_mem>>)
        %dma_wait3A_71 = arith.constant 0 : i32
        %dma_wait3A_72 = tpu.memref_slice %arg5[%add3A_15, %dma_wait3A_71] : memref<1280x125xi32, #tpu.memory_space<hbm>> -> memref<40x125xi32, #tpu.memory_space<hbm>>
        %dma_wait3A_73 = arith.constant 0 : i32
        %dma_wait3A_74 = tpu.memref_slice %arg5[%add3A_15, %dma_wait3A_73] : memref<1280x125xi32, #tpu.memory_space<hbm>> -> memref<40x125xi32, #tpu.memory_space<hbm>>
        tpu.wait_dma2 semaphore(%run_scoped3A : memref<!tpu.dma_semaphore, #tpu.memory_space<semaphore_mem>>) src(%dma_wait3A_74 : memref<40x125xi32, #tpu.memory_space<hbm>>) dst(%arg9 : memref<40x125xi32, #tpu.memory_space<vmem>>)
        tpu.yield
      }) : () -> ()
      %dma_wait3A = arith.constant 0 : i32
      %dma_wait3A_16 = tpu.memref_slice %arg12[%mul3A_9, %dma_wait3A] : memref<10240x128xf32, #tpu.memory_space<vmem_shared>> -> memref<640x128xf32, #tpu.memory_space<vmem_shared>>
      %dma_wait3A_17 = arith.constant 0 : i32
      %dma_wait3A_18 = tpu.memref_slice %arg3[%mul3A_7, %dma_wait3A_17] : memref<10240x128xf32, #tpu.memory_space<hbm>> -> memref<640x128xf32, #tpu.memory_space<hbm>>
      tpu.wait_dma2 semaphore(%arg15 : memref<!tpu.dma_semaphore, #tpu.memory_space<semaphore_mem>>) src(%dma_wait3A_18 : memref<640x128xf32, #tpu.memory_space<hbm>>) dst(%dma_wait3A_16 : memref<640x128xf32, #tpu.memory_space<vmem_shared>>)
      %barrier3A = arith.constant 0 : index
      tpu.barrier barrier_id(%barrier3A)
      %dma_start3A_19 = arith.constant 0 : i32
      %dma_start3A_20 = arith.constant 0 : i32
      %dma_start3A_21 = tpu.memref_slice %arg8[%dma_start3A_19, %dma_start3A_20] : memref<40x125xi32, #tpu.memory_space<vmem>> -> memref<1x125xi32, #tpu.memory_space<vmem>>
      %dma_start3A_22 = tpu.memref_squeeze %dma_start3A_21 : memref<1x125xi32, #tpu.memory_space<vmem>> -> memref<125xi32, #tpu.memory_space<vmem>>
      %dma_start3A_23 = arith.constant 0 : i32
      %dma_start3A_24 = arith.constant 0 : i32
      %dma_start3A_25 = tpu.memref_slice %arg3[%dma_start3A_23, %dma_start3A_24] : memref<10240x128xf32, #tpu.memory_space<hbm>> -> memref<10240x128xf32, #tpu.memory_space<hbm>>
      tpu.enqueue_indirect_dma source(%dma_start3A_25 : memref<10240x128xf32, #tpu.memory_space<hbm>>) target(%arg10 : memref<125x128xf32, #tpu.memory_space<vmem>>) offsets(%dma_start3A_22 : memref<125xi32, #tpu.memory_space<vmem>>) semaphore(%arg13 : memref<!tpu.dma_semaphore, #tpu.memory_space<semaphore_mem>>)
      %dma_start3A_26 = arith.constant 1 : i32
      %dma_start3A_27 = arith.constant 0 : i32
      %dma_start3A_28 = tpu.memref_slice %arg8[%dma_start3A_26, %dma_start3A_27] : memref<40x125xi32, #tpu.memory_space<vmem>> -> memref<1x125xi32, #tpu.memory_space<vmem>>
      %dma_start3A_29 = tpu.memref_squeeze %dma_start3A_28 : memref<1x125xi32, #tpu.memory_space<vmem>> -> memref<125xi32, #tpu.memory_space<vmem>>
      %dma_start3A_30 = arith.constant 0 : i32
      %dma_start3A_31 = arith.constant 0 : i32
      %dma_start3A_32 = tpu.memref_slice %arg3[%dma_start3A_30, %dma_start3A_31] : memref<10240x128xf32, #tpu.memory_space<hbm>> -> memref<10240x128xf32, #tpu.memory_space<hbm>>
      tpu.enqueue_indirect_dma source(%dma_start3A_32 : memref<10240x128xf32, #tpu.memory_space<hbm>>) target(%arg11 : memref<125x128xf32, #tpu.memory_space<vmem>>) offsets(%dma_start3A_29 : memref<125xi32, #tpu.memory_space<vmem>>) semaphore(%arg14 : memref<!tpu.dma_semaphore, #tpu.memory_space<semaphore_mem>>)
      %scan3A = arith.constant 0 : i32
      %scan3A_33 = arith.constant 0 : i32
      %scan3A_34 = arith.constant 20 : i32
      %scan3A_35 = arith.addi %scan3A_33, %scan3A_34 : i32
      %scan3A_36 = arith.constant 1 : i32
      scf.for %scan3A_67 = %scan3A_33 to %scan3A_35 step %scan3A_36  : i32 {
        %dma_wait3A_68 = arith.constant 0 : i32
        %dma_wait3A_69 = arith.constant 0 : i32
        %dma_wait3A_70 = tpu.memref_slice %arg8[%dma_wait3A_68, %dma_wait3A_69] : memref<40x125xi32, #tpu.memory_space<vmem>> -> memref<1x125xi32, #tpu.memory_space<vmem>>
        %dma_wait3A_71 = tpu.memref_squeeze %dma_wait3A_70 : memref<1x125xi32, #tpu.memory_space<vmem>> -> memref<125xi32, #tpu.memory_space<vmem>>
        %dma_wait3A_72 = arith.constant 0 : i32
        %dma_wait3A_73 = arith.constant 0 : i32
        %dma_wait3A_74 = tpu.memref_slice %arg3[%dma_wait3A_72, %dma_wait3A_73] : memref<10240x128xf32, #tpu.memory_space<hbm>> -> memref<10240x128xf32, #tpu.memory_space<hbm>>
        tpu.wait_indirect_dma semaphore(%arg13 : memref<!tpu.dma_semaphore, #tpu.memory_space<semaphore_mem>>) src(%dma_wait3A_74 : memref<10240x128xf32, #tpu.memory_space<hbm>>) dst(%arg10 : memref<125x128xf32, #tpu.memory_space<vmem>>)
        %mul3A_75 = arith.constant 2 : i32
        %mul3A_76 = arith.muli %mul3A_75, %scan3A_67 : i32
        "tpu.region"() ({
          %run_scoped3A = tpu.sem_alloc : memref<!tpu.dma_semaphore, #tpu.memory_space<semaphore_mem>>
          %dma_start3A_97 = arith.constant 0 : i32
          %dma_start3A_98 = tpu.memref_slice %arg9[%mul3A_76, %dma_start3A_97] : memref<40x125xi32, #tpu.memory_space<vmem>> -> memref<1x125xi32, #tpu.memory_space<vmem>>
          %dma_start3A_99 = tpu.memref_squeeze %dma_start3A_98 : memref<1x125xi32, #tpu.memory_space<vmem>> -> memref<125xi32, #tpu.memory_space<vmem>>
          %dma_start3A_100 = arith.constant 0 : i32
          %dma_start3A_101 = arith.constant 0 : i32
          %dma_start3A_102 = tpu.memref_slice %arg12[%dma_start3A_100, %dma_start3A_101] : memref<10240x128xf32, #tpu.memory_space<vmem_shared>> -> memref<10240x128xf32, #tpu.memory_space<vmem_shared>>
          tpu.enqueue_indirect_dma source(%arg10 : memref<125x128xf32, #tpu.memory_space<vmem>>) target(%dma_start3A_102 : memref<10240x128xf32, #tpu.memory_space<vmem_shared>>) offsets(%dma_start3A_99 : memref<125xi32, #tpu.memory_space<vmem>>) semaphore(%run_scoped3A : memref<!tpu.dma_semaphore, #tpu.memory_space<semaphore_mem>>) {add = true}
          %dma_wait3A_103 = arith.constant 0 : i32
          %dma_wait3A_104 = tpu.memref_slice %arg9[%mul3A_76, %dma_wait3A_103] : memref<40x125xi32, #tpu.memory_space<vmem>> -> memref<1x125xi32, #tpu.memory_space<vmem>>
          %dma_wait3A_105 = tpu.memref_squeeze %dma_wait3A_104 : memref<1x125xi32, #tpu.memory_space<vmem>> -> memref<125xi32, #tpu.memory_space<vmem>>
          %dma_wait3A_106 = arith.constant 0 : i32
          %dma_wait3A_107 = arith.constant 0 : i32
          %dma_wait3A_108 = tpu.memref_slice %arg12[%dma_wait3A_106, %dma_wait3A_107] : memref<10240x128xf32, #tpu.memory_space<vmem_shared>> -> memref<10240x128xf32, #tpu.memory_space<vmem_shared>>
          tpu.wait_indirect_dma semaphore(%run_scoped3A : memref<!tpu.dma_semaphore, #tpu.memory_space<semaphore_mem>>) src(%arg10 : memref<125x128xf32, #tpu.memory_space<vmem>>) dst(%dma_wait3A_108 : memref<10240x128xf32, #tpu.memory_space<vmem_shared>>)
          tpu.yield
        }) : () -> ()
        %lt3A = arith.constant 19 : i32
        %lt3A_77 = arith.cmpi slt, %scan3A_67, %lt3A : i32
        %convert_element_type3A_78 = arith.extui %lt3A_77 : i1 to i32
        %cond3A_79 = arith.constant 0 : i32
        %cond3A_80 = arith.cmpi ne, %convert_element_type3A_78, %cond3A_79 : i32
        scf.if %cond3A_80 {
          %mul3A_97 = arith.constant 2 : i32
          %mul3A_98 = arith.muli %mul3A_97, %scan3A_67 : i32
          %add3A_99 = arith.constant 2 : i32
          %add3A_100 = arith.addi %mul3A_98, %add3A_99 : i32
          %dma_start3A_101 = arith.constant 0 : i32
          %dma_start3A_102 = tpu.memref_slice %arg8[%add3A_100, %dma_start3A_101] : memref<40x125xi32, #tpu.memory_space<vmem>> -> memref<1x125xi32, #tpu.memory_space<vmem>>
          %dma_start3A_103 = tpu.memref_squeeze %dma_start3A_102 : memref<1x125xi32, #tpu.memory_space<vmem>> -> memref<125xi32, #tpu.memory_space<vmem>>
          %dma_start3A_104 = arith.constant 0 : i32
          %dma_start3A_105 = arith.constant 0 : i32
          %dma_start3A_106 = tpu.memref_slice %arg3[%dma_start3A_104, %dma_start3A_105] : memref<10240x128xf32, #tpu.memory_space<hbm>> -> memref<10240x128xf32, #tpu.memory_space<hbm>>
          tpu.enqueue_indirect_dma source(%dma_start3A_106 : memref<10240x128xf32, #tpu.memory_space<hbm>>) target(%arg10 : memref<125x128xf32, #tpu.memory_space<vmem>>) offsets(%dma_start3A_103 : memref<125xi32, #tpu.memory_space<vmem>>) semaphore(%arg13 : memref<!tpu.dma_semaphore, #tpu.memory_space<semaphore_mem>>)
        } else {
        }
        %dma_wait3A_81 = arith.constant 1 : i32
        %dma_wait3A_82 = arith.constant 0 : i32
        %dma_wait3A_83 = tpu.memref_slice %arg8[%dma_wait3A_81, %dma_wait3A_82] : memref<40x125xi32, #tpu.memory_space<vmem>> -> memref<1x125xi32, #tpu.memory_space<vmem>>
        %dma_wait3A_84 = tpu.memref_squeeze %dma_wait3A_83 : memref<1x125xi32, #tpu.memory_space<vmem>> -> memref<125xi32, #tpu.memory_space<vmem>>
        %dma_wait3A_85 = arith.constant 0 : i32
        %dma_wait3A_86 = arith.constant 0 : i32
        %dma_wait3A_87 = tpu.memref_slice %arg3[%dma_wait3A_85, %dma_wait3A_86] : memref<10240x128xf32, #tpu.memory_space<hbm>> -> memref<10240x128xf32, #tpu.memory_space<hbm>>
        tpu.wait_indirect_dma semaphore(%arg14 : memref<!tpu.dma_semaphore, #tpu.memory_space<semaphore_mem>>) src(%dma_wait3A_87 : memref<10240x128xf32, #tpu.memory_space<hbm>>) dst(%arg11 : memref<125x128xf32, #tpu.memory_space<vmem>>)
        %mul3A_88 = arith.constant 2 : i32
        %mul3A_89 = arith.muli %mul3A_88, %scan3A_67 : i32
        %add3A_90 = arith.constant 1 : i32
        %add3A_91 = arith.addi %mul3A_89, %add3A_90 : i32
        "tpu.region"() ({
          %run_scoped3A = tpu.sem_alloc : memref<!tpu.dma_semaphore, #tpu.memory_space<semaphore_mem>>
          %dma_start3A_97 = arith.constant 0 : i32
          %dma_start3A_98 = tpu.memref_slice %arg9[%add3A_91, %dma_start3A_97] : memref<40x125xi32, #tpu.memory_space<vmem>> -> memref<1x125xi32, #tpu.memory_space<vmem>>
          %dma_start3A_99 = tpu.memref_squeeze %dma_start3A_98 : memref<1x125xi32, #tpu.memory_space<vmem>> -> memref<125xi32, #tpu.memory_space<vmem>>
          %dma_start3A_100 = arith.constant 0 : i32
          %dma_start3A_101 = arith.constant 0 : i32
          %dma_start3A_102 = tpu.memref_slice %arg12[%dma_start3A_100, %dma_start3A_101] : memref<10240x128xf32, #tpu.memory_space<vmem_shared>> -> memref<10240x128xf32, #tpu.memory_space<vmem_shared>>
          tpu.enqueue_indirect_dma source(%arg11 : memref<125x128xf32, #tpu.memory_space<vmem>>) target(%dma_start3A_102 : memref<10240x128xf32, #tpu.memory_space<vmem_shared>>) offsets(%dma_start3A_99 : memref<125xi32, #tpu.memory_space<vmem>>) semaphore(%run_scoped3A : memref<!tpu.dma_semaphore, #tpu.memory_space<semaphore_mem>>) {add = true}
          %dma_wait3A_103 = arith.constant 0 : i32
          %dma_wait3A_104 = tpu.memref_slice %arg9[%add3A_91, %dma_wait3A_103] : memref<40x125xi32, #tpu.memory_space<vmem>> -> memref<1x125xi32, #tpu.memory_space<vmem>>
          %dma_wait3A_105 = tpu.memref_squeeze %dma_wait3A_104 : memref<1x125xi32, #tpu.memory_space<vmem>> -> memref<125xi32, #tpu.memory_space<vmem>>
          %dma_wait3A_106 = arith.constant 0 : i32
          %dma_wait3A_107 = arith.constant 0 : i32
          %dma_wait3A_108 = tpu.memref_slice %arg12[%dma_wait3A_106, %dma_wait3A_107] : memref<10240x128xf32, #tpu.memory_space<vmem_shared>> -> memref<10240x128xf32, #tpu.memory_space<vmem_shared>>
          tpu.wait_indirect_dma semaphore(%run_scoped3A : memref<!tpu.dma_semaphore, #tpu.memory_space<semaphore_mem>>) src(%arg11 : memref<125x128xf32, #tpu.memory_space<vmem>>) dst(%dma_wait3A_108 : memref<10240x128xf32, #tpu.memory_space<vmem_shared>>)
          tpu.yield
        }) : () -> ()
        %lt3A_92 = arith.constant 19 : i32
        %lt3A_93 = arith.cmpi slt, %scan3A_67, %lt3A_92 : i32
        %convert_element_type3A_94 = arith.extui %lt3A_93 : i1 to i32
        %cond3A_95 = arith.constant 0 : i32
        %cond3A_96 = arith.cmpi ne, %convert_element_type3A_94, %cond3A_95 : i32
        scf.if %cond3A_96 {
          %mul3A_97 = arith.constant 2 : i32
          %mul3A_98 = arith.muli %mul3A_97, %scan3A_67 : i32
          %add3A_99 = arith.constant 3 : i32
          %add3A_100 = arith.addi %mul3A_98, %add3A_99 : i32
          %dma_start3A_101 = arith.constant 0 : i32
          %dma_start3A_102 = tpu.memref_slice %arg8[%add3A_100, %dma_start3A_101] : memref<40x125xi32, #tpu.memory_space<vmem>> -> memref<1x125xi32, #tpu.memory_space<vmem>>
          %dma_start3A_103 = tpu.memref_squeeze %dma_start3A_102 : memref<1x125xi32, #tpu.memory_space<vmem>> -> memref<125xi32, #tpu.memory_space<vmem>>
          %dma_start3A_104 = arith.constant 0 : i32
          %dma_start3A_105 = arith.constant 0 : i32
          %dma_start3A_106 = tpu.memref_slice %arg3[%dma_start3A_104, %dma_start3A_105] : memref<10240x128xf32, #tpu.memory_space<hbm>> -> memref<10240x128xf32, #tpu.memory_space<hbm>>
          tpu.enqueue_indirect_dma source(%dma_start3A_106 : memref<10240x128xf32, #tpu.memory_space<hbm>>) target(%arg11 : memref<125x128xf32, #tpu.memory_space<vmem>>) offsets(%dma_start3A_103 : memref<125xi32, #tpu.memory_space<vmem>>) semaphore(%arg14 : memref<!tpu.dma_semaphore, #tpu.memory_space<semaphore_mem>>)
        } else {
        }
      }
      %scan3A_37 = arith.constant 20 : i32
      %mul3A_38 = arith.constant 80 : i32
      %mul3A_39 = arith.muli %arg1, %mul3A_38 : i32
      %add3A_40 = arith.constant 40 : i32
      %add3A_41 = arith.addi %mul3A_39, %add3A_40 : i32
      "tpu.region"() ({
        %run_scoped3A = tpu.sem_alloc : memref<!tpu.dma_semaphore, #tpu.memory_space<semaphore_mem>>
        %dma_start3A_67 = arith.constant 0 : i32
        %dma_start3A_68 = tpu.memref_slice %arg4[%add3A_41, %dma_start3A_67] : memref<1280x125xi32, #tpu.memory_space<hbm>> -> memref<40x125xi32, #tpu.memory_space<hbm>>
        %dma_start3A_69 = arith.constant 0 : i32
        %dma_start3A_70 = tpu.memref_slice %arg4[%add3A_41, %dma_start3A_69] : memref<1280x125xi32, #tpu.memory_space<hbm>> -> memref<40x125xi32, #tpu.memory_space<hbm>>
        tpu.enqueue_dma source(%dma_start3A_70 : memref<40x125xi32, #tpu.memory_space<hbm>>) target(%arg8 : memref<40x125xi32, #tpu.memory_space<vmem>>) target_semaphore(%run_scoped3A : memref<!tpu.dma_semaphore, #tpu.memory_space<semaphore_mem>>)
        %dma_wait3A_71 = arith.constant 0 : i32
        %dma_wait3A_72 = tpu.memref_slice %arg4[%add3A_41, %dma_wait3A_71] : memref<1280x125xi32, #tpu.memory_space<hbm>> -> memref<40x125xi32, #tpu.memory_space<hbm>>
        %dma_wait3A_73 = arith.constant 0 : i32
        %dma_wait3A_74 = tpu.memref_slice %arg4[%add3A_41, %dma_wait3A_73] : memref<1280x125xi32, #tpu.memory_space<hbm>> -> memref<40x125xi32, #tpu.memory_space<hbm>>
        tpu.wait_dma2 semaphore(%run_scoped3A : memref<!tpu.dma_semaphore, #tpu.memory_space<semaphore_mem>>) src(%dma_wait3A_74 : memref<40x125xi32, #tpu.memory_space<hbm>>) dst(%arg8 : memref<40x125xi32, #tpu.memory_space<vmem>>)
        tpu.yield
      }) : () -> ()
      "tpu.region"() ({
        %run_scoped3A = tpu.sem_alloc : memref<!tpu.dma_semaphore, #tpu.memory_space<semaphore_mem>>
        %dma_start3A_67 = arith.constant 0 : i32
        %dma_start3A_68 = tpu.memref_slice %arg5[%add3A_41, %dma_start3A_67] : memref<1280x125xi32, #tpu.memory_space<hbm>> -> memref<40x125xi32, #tpu.memory_space<hbm>>
        %dma_start3A_69 = arith.constant 0 : i32
        %dma_start3A_70 = tpu.memref_slice %arg5[%add3A_41, %dma_start3A_69] : memref<1280x125xi32, #tpu.memory_space<hbm>> -> memref<40x125xi32, #tpu.memory_space<hbm>>
        tpu.enqueue_dma source(%dma_start3A_70 : memref<40x125xi32, #tpu.memory_space<hbm>>) target(%arg9 : memref<40x125xi32, #tpu.memory_space<vmem>>) target_semaphore(%run_scoped3A : memref<!tpu.dma_semaphore, #tpu.memory_space<semaphore_mem>>)
        %dma_wait3A_71 = arith.constant 0 : i32
        %dma_wait3A_72 = tpu.memref_slice %arg5[%add3A_41, %dma_wait3A_71] : memref<1280x125xi32, #tpu.memory_space<hbm>> -> memref<40x125xi32, #tpu.memory_space<hbm>>
        %dma_wait3A_73 = arith.constant 0 : i32
        %dma_wait3A_74 = tpu.memref_slice %arg5[%add3A_41, %dma_wait3A_73] : memref<1280x125xi32, #tpu.memory_space<hbm>> -> memref<40x125xi32, #tpu.memory_space<hbm>>
        tpu.wait_dma2 semaphore(%run_scoped3A : memref<!tpu.dma_semaphore, #tpu.memory_space<semaphore_mem>>) src(%dma_wait3A_74 : memref<40x125xi32, #tpu.memory_space<hbm>>) dst(%arg9 : memref<40x125xi32, #tpu.memory_space<vmem>>)
        tpu.yield
      }) : () -> ()
      %dma_start3A_42 = arith.constant 0 : i32
      %dma_start3A_43 = arith.constant 0 : i32
      %dma_start3A_44 = tpu.memref_slice %arg8[%dma_start3A_42, %dma_start3A_43] : memref<40x125xi32, #tpu.memory_space<vmem>> -> memref<1x125xi32, #tpu.memory_space<vmem>>
      %dma_start3A_45 = tpu.memref_squeeze %dma_start3A_44 : memref<1x125xi32, #tpu.memory_space<vmem>> -> memref<125xi32, #tpu.memory_space<vmem>>
      %dma_start3A_46 = arith.constant 0 : i32
      %dma_start3A_47 = arith.constant 0 : i32
      %dma_start3A_48 = tpu.memref_slice %arg3[%dma_start3A_46, %dma_start3A_47] : memref<10240x128xf32, #tpu.memory_space<hbm>> -> memref<10240x128xf32, #tpu.memory_space<hbm>>
      tpu.enqueue_indirect_dma source(%dma_start3A_48 : memref<10240x128xf32, #tpu.memory_space<hbm>>) target(%arg10 : memref<125x128xf32, #tpu.memory_space<vmem>>) offsets(%dma_start3A_45 : memref<125xi32, #tpu.memory_space<vmem>>) semaphore(%arg13 : memref<!tpu.dma_semaphore, #tpu.memory_space<semaphore_mem>>)
      %dma_start3A_49 = arith.constant 1 : i32
      %dma_start3A_50 = arith.constant 0 : i32
      %dma_start3A_51 = tpu.memref_slice %arg8[%dma_start3A_49, %dma_start3A_50] : memref<40x125xi32, #tpu.memory_space<vmem>> -> memref<1x125xi32, #tpu.memory_space<vmem>>
      %dma_start3A_52 = tpu.memref_squeeze %dma_start3A_51 : memref<1x125xi32, #tpu.memory_space<vmem>> -> memref<125xi32, #tpu.memory_space<vmem>>
      %dma_start3A_53 = arith.constant 0 : i32
      %dma_start3A_54 = arith.constant 0 : i32
      %dma_start3A_55 = tpu.memref_slice %arg3[%dma_start3A_53, %dma_start3A_54] : memref<10240x128xf32, #tpu.memory_space<hbm>> -> memref<10240x128xf32, #tpu.memory_space<hbm>>
      tpu.enqueue_indirect_dma source(%dma_start3A_55 : memref<10240x128xf32, #tpu.memory_space<hbm>>) target(%arg11 : memref<125x128xf32, #tpu.memory_space<vmem>>) offsets(%dma_start3A_52 : memref<125xi32, #tpu.memory_space<vmem>>) semaphore(%arg14 : memref<!tpu.dma_semaphore, #tpu.memory_space<semaphore_mem>>)
      %scan3A_56 = arith.constant 0 : i32
      %scan3A_57 = arith.constant 0 : i32
      %scan3A_58 = arith.constant 20 : i32
      %scan3A_59 = arith.addi %scan3A_57, %scan3A_58 : i32
      %scan3A_60 = arith.constant 1 : i32
      scf.for %scan3A_67 = %scan3A_57 to %scan3A_59 step %scan3A_60  : i32 {
        %dma_wait3A_68 = arith.constant 0 : i32
        %dma_wait3A_69 = arith.constant 0 : i32
        %dma_wait3A_70 = tpu.memref_slice %arg8[%dma_wait3A_68, %dma_wait3A_69] : memref<40x125xi32, #tpu.memory_space<vmem>> -> memref<1x125xi32, #tpu.memory_space<vmem>>
        %dma_wait3A_71 = tpu.memref_squeeze %dma_wait3A_70 : memref<1x125xi32, #tpu.memory_space<vmem>> -> memref<125xi32, #tpu.memory_space<vmem>>
        %dma_wait3A_72 = arith.constant 0 : i32
        %dma_wait3A_73 = arith.constant 0 : i32
        %dma_wait3A_74 = tpu.memref_slice %arg3[%dma_wait3A_72, %dma_wait3A_73] : memref<10240x128xf32, #tpu.memory_space<hbm>> -> memref<10240x128xf32, #tpu.memory_space<hbm>>
        tpu.wait_indirect_dma semaphore(%arg13 : memref<!tpu.dma_semaphore, #tpu.memory_space<semaphore_mem>>) src(%dma_wait3A_74 : memref<10240x128xf32, #tpu.memory_space<hbm>>) dst(%arg10 : memref<125x128xf32, #tpu.memory_space<vmem>>)
        %mul3A_75 = arith.constant 2 : i32
        %mul3A_76 = arith.muli %mul3A_75, %scan3A_67 : i32
        "tpu.region"() ({
          %run_scoped3A = tpu.sem_alloc : memref<!tpu.dma_semaphore, #tpu.memory_space<semaphore_mem>>
          %dma_start3A_97 = arith.constant 0 : i32
          %dma_start3A_98 = tpu.memref_slice %arg9[%mul3A_76, %dma_start3A_97] : memref<40x125xi32, #tpu.memory_space<vmem>> -> memref<1x125xi32, #tpu.memory_space<vmem>>
          %dma_start3A_99 = tpu.memref_squeeze %dma_start3A_98 : memref<1x125xi32, #tpu.memory_space<vmem>> -> memref<125xi32, #tpu.memory_space<vmem>>
          %dma_start3A_100 = arith.constant 0 : i32
          %dma_start3A_101 = arith.constant 0 : i32
          %dma_start3A_102 = tpu.memref_slice %arg12[%dma_start3A_100, %dma_start3A_101] : memref<10240x128xf32, #tpu.memory_space<vmem_shared>> -> memref<10240x128xf32, #tpu.memory_space<vmem_shared>>
          tpu.enqueue_indirect_dma source(%arg10 : memref<125x128xf32, #tpu.memory_space<vmem>>) target(%dma_start3A_102 : memref<10240x128xf32, #tpu.memory_space<vmem_shared>>) offsets(%dma_start3A_99 : memref<125xi32, #tpu.memory_space<vmem>>) semaphore(%run_scoped3A : memref<!tpu.dma_semaphore, #tpu.memory_space<semaphore_mem>>) {add = true}
          %dma_wait3A_103 = arith.constant 0 : i32
          %dma_wait3A_104 = tpu.memref_slice %arg9[%mul3A_76, %dma_wait3A_103] : memref<40x125xi32, #tpu.memory_space<vmem>> -> memref<1x125xi32, #tpu.memory_space<vmem>>
          %dma_wait3A_105 = tpu.memref_squeeze %dma_wait3A_104 : memref<1x125xi32, #tpu.memory_space<vmem>> -> memref<125xi32, #tpu.memory_space<vmem>>
          %dma_wait3A_106 = arith.constant 0 : i32
          %dma_wait3A_107 = arith.constant 0 : i32
          %dma_wait3A_108 = tpu.memref_slice %arg12[%dma_wait3A_106, %dma_wait3A_107] : memref<10240x128xf32, #tpu.memory_space<vmem_shared>> -> memref<10240x128xf32, #tpu.memory_space<vmem_shared>>
          tpu.wait_indirect_dma semaphore(%run_scoped3A : memref<!tpu.dma_semaphore, #tpu.memory_space<semaphore_mem>>) src(%arg10 : memref<125x128xf32, #tpu.memory_space<vmem>>) dst(%dma_wait3A_108 : memref<10240x128xf32, #tpu.memory_space<vmem_shared>>)
          tpu.yield
        }) : () -> ()
        %lt3A = arith.constant 19 : i32
        %lt3A_77 = arith.cmpi slt, %scan3A_67, %lt3A : i32
        %convert_element_type3A_78 = arith.extui %lt3A_77 : i1 to i32
        %cond3A_79 = arith.constant 0 : i32
        %cond3A_80 = arith.cmpi ne, %convert_element_type3A_78, %cond3A_79 : i32
        scf.if %cond3A_80 {
          %mul3A_97 = arith.constant 2 : i32
          %mul3A_98 = arith.muli %mul3A_97, %scan3A_67 : i32
          %add3A_99 = arith.constant 2 : i32
          %add3A_100 = arith.addi %mul3A_98, %add3A_99 : i32
          %dma_start3A_101 = arith.constant 0 : i32
          %dma_start3A_102 = tpu.memref_slice %arg8[%add3A_100, %dma_start3A_101] : memref<40x125xi32, #tpu.memory_space<vmem>> -> memref<1x125xi32, #tpu.memory_space<vmem>>
          %dma_start3A_103 = tpu.memref_squeeze %dma_start3A_102 : memref<1x125xi32, #tpu.memory_space<vmem>> -> memref<125xi32, #tpu.memory_space<vmem>>
          %dma_start3A_104 = arith.constant 0 : i32
          %dma_start3A_105 = arith.constant 0 : i32
          %dma_start3A_106 = tpu.memref_slice %arg3[%dma_start3A_104, %dma_start3A_105] : memref<10240x128xf32, #tpu.memory_space<hbm>> -> memref<10240x128xf32, #tpu.memory_space<hbm>>
          tpu.enqueue_indirect_dma source(%dma_start3A_106 : memref<10240x128xf32, #tpu.memory_space<hbm>>) target(%arg10 : memref<125x128xf32, #tpu.memory_space<vmem>>) offsets(%dma_start3A_103 : memref<125xi32, #tpu.memory_space<vmem>>) semaphore(%arg13 : memref<!tpu.dma_semaphore, #tpu.memory_space<semaphore_mem>>)
        } else {
        }
        %dma_wait3A_81 = arith.constant 1 : i32
        %dma_wait3A_82 = arith.constant 0 : i32
        %dma_wait3A_83 = tpu.memref_slice %arg8[%dma_wait3A_81, %dma_wait3A_82] : memref<40x125xi32, #tpu.memory_space<vmem>> -> memref<1x125xi32, #tpu.memory_space<vmem>>
        %dma_wait3A_84 = tpu.memref_squeeze %dma_wait3A_83 : memref<1x125xi32, #tpu.memory_space<vmem>> -> memref<125xi32, #tpu.memory_space<vmem>>
        %dma_wait3A_85 = arith.constant 0 : i32
        %dma_wait3A_86 = arith.constant 0 : i32
        %dma_wait3A_87 = tpu.memref_slice %arg3[%dma_wait3A_85, %dma_wait3A_86] : memref<10240x128xf32, #tpu.memory_space<hbm>> -> memref<10240x128xf32, #tpu.memory_space<hbm>>
        tpu.wait_indirect_dma semaphore(%arg14 : memref<!tpu.dma_semaphore, #tpu.memory_space<semaphore_mem>>) src(%dma_wait3A_87 : memref<10240x128xf32, #tpu.memory_space<hbm>>) dst(%arg11 : memref<125x128xf32, #tpu.memory_space<vmem>>)
        %mul3A_88 = arith.constant 2 : i32
        %mul3A_89 = arith.muli %mul3A_88, %scan3A_67 : i32
        %add3A_90 = arith.constant 1 : i32
        %add3A_91 = arith.addi %mul3A_89, %add3A_90 : i32
        "tpu.region"() ({
          %run_scoped3A = tpu.sem_alloc : memref<!tpu.dma_semaphore, #tpu.memory_space<semaphore_mem>>
          %dma_start3A_97 = arith.constant 0 : i32
          %dma_start3A_98 = tpu.memref_slice %arg9[%add3A_91, %dma_start3A_97] : memref<40x125xi32, #tpu.memory_space<vmem>> -> memref<1x125xi32, #tpu.memory_space<vmem>>
          %dma_start3A_99 = tpu.memref_squeeze %dma_start3A_98 : memref<1x125xi32, #tpu.memory_space<vmem>> -> memref<125xi32, #tpu.memory_space<vmem>>
          %dma_start3A_100 = arith.constant 0 : i32
          %dma_start3A_101 = arith.constant 0 : i32
          %dma_start3A_102 = tpu.memref_slice %arg12[%dma_start3A_100, %dma_start3A_101] : memref<10240x128xf32, #tpu.memory_space<vmem_shared>> -> memref<10240x128xf32, #tpu.memory_space<vmem_shared>>
          tpu.enqueue_indirect_dma source(%arg11 : memref<125x128xf32, #tpu.memory_space<vmem>>) target(%dma_start3A_102 : memref<10240x128xf32, #tpu.memory_space<vmem_shared>>) offsets(%dma_start3A_99 : memref<125xi32, #tpu.memory_space<vmem>>) semaphore(%run_scoped3A : memref<!tpu.dma_semaphore, #tpu.memory_space<semaphore_mem>>) {add = true}
          %dma_wait3A_103 = arith.constant 0 : i32
          %dma_wait3A_104 = tpu.memref_slice %arg9[%add3A_91, %dma_wait3A_103] : memref<40x125xi32, #tpu.memory_space<vmem>> -> memref<1x125xi32, #tpu.memory_space<vmem>>
          %dma_wait3A_105 = tpu.memref_squeeze %dma_wait3A_104 : memref<1x125xi32, #tpu.memory_space<vmem>> -> memref<125xi32, #tpu.memory_space<vmem>>
          %dma_wait3A_106 = arith.constant 0 : i32
          %dma_wait3A_107 = arith.constant 0 : i32
          %dma_wait3A_108 = tpu.memref_slice %arg12[%dma_wait3A_106, %dma_wait3A_107] : memref<10240x128xf32, #tpu.memory_space<vmem_shared>> -> memref<10240x128xf32, #tpu.memory_space<vmem_shared>>
          tpu.wait_indirect_dma semaphore(%run_scoped3A : memref<!tpu.dma_semaphore, #tpu.memory_space<semaphore_mem>>) src(%arg11 : memref<125x128xf32, #tpu.memory_space<vmem>>) dst(%dma_wait3A_108 : memref<10240x128xf32, #tpu.memory_space<vmem_shared>>)
          tpu.yield
        }) : () -> ()
        %lt3A_92 = arith.constant 19 : i32
        %lt3A_93 = arith.cmpi slt, %scan3A_67, %lt3A_92 : i32
        %convert_element_type3A_94 = arith.extui %lt3A_93 : i1 to i32
        %cond3A_95 = arith.constant 0 : i32
        %cond3A_96 = arith.cmpi ne, %convert_element_type3A_94, %cond3A_95 : i32
        scf.if %cond3A_96 {
          %mul3A_97 = arith.constant 2 : i32
          %mul3A_98 = arith.muli %mul3A_97, %scan3A_67 : i32
          %add3A_99 = arith.constant 3 : i32
          %add3A_100 = arith.addi %mul3A_98, %add3A_99 : i32
          %dma_start3A_101 = arith.constant 0 : i32
          %dma_start3A_102 = tpu.memref_slice %arg8[%add3A_100, %dma_start3A_101] : memref<40x125xi32, #tpu.memory_space<vmem>> -> memref<1x125xi32, #tpu.memory_space<vmem>>
          %dma_start3A_103 = tpu.memref_squeeze %dma_start3A_102 : memref<1x125xi32, #tpu.memory_space<vmem>> -> memref<125xi32, #tpu.memory_space<vmem>>
          %dma_start3A_104 = arith.constant 0 : i32
          %dma_start3A_105 = arith.constant 0 : i32
          %dma_start3A_106 = tpu.memref_slice %arg3[%dma_start3A_104, %dma_start3A_105] : memref<10240x128xf32, #tpu.memory_space<hbm>> -> memref<10240x128xf32, #tpu.memory_space<hbm>>
          tpu.enqueue_indirect_dma source(%dma_start3A_106 : memref<10240x128xf32, #tpu.memory_space<hbm>>) target(%arg11 : memref<125x128xf32, #tpu.memory_space<vmem>>) offsets(%dma_start3A_103 : memref<125xi32, #tpu.memory_space<vmem>>) semaphore(%arg14 : memref<!tpu.dma_semaphore, #tpu.memory_space<semaphore_mem>>)
        } else {
        }
      }
      %scan3A_61 = arith.constant 20 : i32
      %barrier3A_62 = arith.constant 0 : index
      tpu.barrier barrier_id(%barrier3A_62)
      %mul3A_63 = arith.constant 640 : i32
      %mul3A_64 = arith.muli %arg1, %mul3A_63 : i32
      %mul3A_65 = arith.constant 640 : i32
      %mul3A_66 = arith.muli %arg1, %mul3A_65 : i32
      "tpu.region"() ({
        %run_scoped3A = tpu.sem_alloc : memref<!tpu.dma_semaphore, #tpu.memory_space<semaphore_mem>>
        %dma_start3A_67 = arith.constant 0 : i32
        %dma_start3A_68 = tpu.memref_slice %arg7[%mul3A_66, %dma_start3A_67] : memref<10240x128xf32, #tpu.memory_space<hbm>> -> memref<640x128xf32, #tpu.memory_space<hbm>>
        %dma_start3A_69 = arith.constant 0 : i32
        %dma_start3A_70 = tpu.memref_slice %arg12[%mul3A_64, %dma_start3A_69] : memref<10240x128xf32, #tpu.memory_space<vmem_shared>> -> memref<640x128xf32, #tpu.memory_space<vmem_shared>>
        tpu.enqueue_dma source(%dma_start3A_70 : memref<640x128xf32, #tpu.memory_space<vmem_shared>>) target(%dma_start3A_68 : memref<640x128xf32, #tpu.memory_space<hbm>>) target_semaphore(%run_scoped3A : memref<!tpu.dma_semaphore, #tpu.memory_space<semaphore_mem>>)
        %dma_wait3A_71 = arith.constant 0 : i32
        %dma_wait3A_72 = tpu.memref_slice %arg7[%mul3A_66, %dma_wait3A_71] : memref<10240x128xf32, #tpu.memory_space<hbm>> -> memref<640x128xf32, #tpu.memory_space<hbm>>
        %dma_wait3A_73 = arith.constant 0 : i32
        %dma_wait3A_74 = tpu.memref_slice %arg12[%mul3A_64, %dma_wait3A_73] : memref<10240x128xf32, #tpu.memory_space<vmem_shared>> -> memref<640x128xf32, #tpu.memory_space<vmem_shared>>
        tpu.wait_dma2 semaphore(%run_scoped3A : memref<!tpu.dma_semaphore, #tpu.memory_space<semaphore_mem>>) src(%dma_wait3A_74 : memref<640x128xf32, #tpu.memory_space<vmem_shared>>) dst(%dma_wait3A_72 : memref<640x128xf32, #tpu.memory_space<hbm>>)
        tpu.yield
      }) : () -> ()
    } else {
    }
    return
  }
}

module attributes {stable_mosaic.version = 14 : i64} {
  func.func @_tc1_body(%arg0: i32, %arg1: memref<2000x256xf32, #tpu.memory_space<vmem>>, %arg2: memref<256x256xf32, #tpu.memory_space<vmem>>, %arg3: memref<2000x1xf32, #tpu.memory_space<vmem>>, %arg4: memref<2000x1xf32, #tpu.memory_space<vmem>>, %arg5: memref<2000x128xf32, #tpu.memory_space<vmem>>, %arg6: memref<2000x128xf32, #tpu.memory_space<vmem>>, %arg7: memref<2000x1xf32, #tpu.memory_space<vmem>>) attributes {dimension_semantics = [#tpu.dimension_semantics<arbitrary>], iteration_bounds = array<i64: 5>, scalar_prefetch = 0 : i64, scratch_operands = 0 : i64, tpu.core_type = #tpu.core_type<tc>, window_params = [{transform_indices = @transform_0, window_bounds = array<i64: 2000, 256>}, {pipeline_mode = #tpu.pipeline_mode<synchronous>, transform_indices = @transform_1, window_bounds = array<i64: 256, 256>}, {transform_indices = @transform_2, window_bounds = array<i64: 2000, 1>}, {transform_indices = @transform_3, window_bounds = array<i64: 2000, 1>}, {transform_indices = @transform_4, window_bounds = array<i64: 2000, 128>}, {transform_indices = @transform_5, window_bounds = array<i64: 2000, 128>}, {transform_indices = @transform_6, window_bounds = array<i64: 2000, 1>}]} {
    %get3A = arith.constant 0 : index
    %get3A_0 = arith.constant 0 : index
    %get3A_1 = vector.load %arg3[%get3A, %get3A_0] : memref<2000x1xf32, #tpu.memory_space<vmem>>, vector<2000x1xf32>
    %get3A_2 = arith.constant 0 : index
    %get3A_3 = arith.constant 0 : index
    %get3A_4 = vector.load %arg4[%get3A_2, %get3A_3] : memref<2000x1xf32, #tpu.memory_space<vmem>>, vector<2000x1xf32>
    %add3A = arith.addf %get3A_1, %get3A_4 : vector<2000x1xf32>
    %add3A_5 = arith.constant 1.000000e+00 : f32
    %add3A_6 = vector.broadcast %add3A_5 : f32 to vector<2000x1xf32>
    %add3A_7 = arith.addf %add3A, %add3A_6 : vector<2000x1xf32>
    %rsqrt3A = math.rsqrt %add3A_7 : vector<2000x1xf32>
    %get3A_8 = arith.constant 0 : index
    %get3A_9 = arith.constant 0 : index
    %get3A_10 = vector.load %arg1[%get3A_8, %get3A_9] : memref<2000x256xf32, #tpu.memory_space<vmem>>, vector<2000x256xf32>
    %get3A_11 = arith.constant 0 : index
    %get3A_12 = arith.constant 0 : index
    %get3A_13 = vector.load %arg2[%get3A_11, %get3A_12] : memref<256x256xf32, #tpu.memory_space<vmem>>, vector<256x256xf32>
    %dot_general3A = arith.constant dense<0.000000e+00> : vector<2000x256xf32>
    %dot_general3A_14 = tpu.matmul %get3A_10, %get3A_13, %dot_general3A {dimension_numbers = #tpu.dot_dimension_numbers<[1], [0], [0], [1], [0, 0, 1, 1], [], []>, transpose_lhs_hint = false} : vector<2000x256xf32>, vector<256x256xf32>, vector<2000x256xf32> -> vector<2000x256xf32>
    %mul3A = vector.broadcast %rsqrt3A : vector<2000x1xf32> to vector<2000x256xf32>
    %mul3A_15 = arith.mulf %dot_general3A_14, %mul3A : vector<2000x256xf32>
    %slice3A = vector.extract_strided_slice %mul3A_15 {offsets = [0, 0], sizes = [2000, 128], strides = [1, 1]} : vector<2000x256xf32> to vector<2000x128xf32>
    %swap3A = arith.constant 0 : index
    %swap3A_16 = arith.constant 0 : index
    %swap3A_17 = vector.load %arg5[%swap3A, %swap3A_16] : memref<2000x128xf32, #tpu.memory_space<vmem>>, vector<2000x128xf32>
    tpu.vector_store %arg5[%swap3A, %swap3A_16], %slice3A {strides = array<i32>} : memref<2000x128xf32, #tpu.memory_space<vmem>>, vector<2000x128xf32>,
    %slice3A_18 = vector.extract_strided_slice %mul3A_15 {offsets = [0, 128], sizes = [2000, 128], strides = [1, 1]} : vector<2000x256xf32> to vector<2000x128xf32>
    %swap3A_19 = arith.constant 0 : index
    %swap3A_20 = arith.constant 0 : index
    %swap3A_21 = vector.load %arg6[%swap3A_19, %swap3A_20] : memref<2000x128xf32, #tpu.memory_space<vmem>>, vector<2000x128xf32>
    tpu.vector_store %arg6[%swap3A_19, %swap3A_20], %slice3A_18 {strides = array<i32>} : memref<2000x128xf32, #tpu.memory_space<vmem>>, vector<2000x128xf32>,
    %swap3A_22 = arith.constant 0 : index
    %swap3A_23 = arith.constant 0 : index
    %swap3A_24 = vector.load %arg7[%swap3A_22, %swap3A_23] : memref<2000x1xf32, #tpu.memory_space<vmem>>, vector<2000x1xf32>
    tpu.vector_store %arg7[%swap3A_22, %swap3A_23], %rsqrt3A {strides = array<i32>} : memref<2000x1xf32, #tpu.memory_space<vmem>>, vector<2000x1xf32>,
    return
  }
  func.func @transform_0(%arg0: i32) -> (i32, i32) {
    %c0_i32 = arith.constant 0 : i32
    %c0_i32_0 = arith.constant 0 : i32
    return %arg0, %c0_i32 : i32, i32
  }
  func.func @transform_1(%arg0: i32) -> (i32, i32) {
    %c0_i32 = arith.constant 0 : i32
    %c0_i32_0 = arith.constant 0 : i32
    %c0_i32_1 = arith.constant 0 : i32
    return %c0_i32, %c0_i32_0 : i32, i32
  }
  func.func @transform_2(%arg0: i32) -> (i32, i32) {
    %c0_i32 = arith.constant 0 : i32
    %c0_i32_0 = arith.constant 0 : i32
    return %arg0, %c0_i32 : i32, i32
  }
  func.func @transform_3(%arg0: i32) -> (i32, i32) {
    %c0_i32 = arith.constant 0 : i32
    %c0_i32_0 = arith.constant 0 : i32
    return %arg0, %c0_i32 : i32, i32
  }
  func.func @transform_4(%arg0: i32) -> (i32, i32) {
    %c0_i32 = arith.constant 0 : i32
    %c0_i32_0 = arith.constant 0 : i32
    return %arg0, %c0_i32 : i32, i32
  }
  func.func @transform_5(%arg0: i32) -> (i32, i32) {
    %c0_i32 = arith.constant 0 : i32
    %c0_i32_0 = arith.constant 0 : i32
    return %arg0, %c0_i32 : i32, i32
  }
  func.func @transform_6(%arg0: i32) -> (i32, i32) {
    %c0_i32 = arith.constant 0 : i32
    %c0_i32_0 = arith.constant 0 : i32
    return %arg0, %c0_i32 : i32, i32
  }
}

module attributes {stable_mosaic.version = 14 : i64} {
  func.func @_tc2_body(%arg0: i32, %arg1: memref<2000x128xf32, #tpu.memory_space<vmem>>, %arg2: memref<2000x128xf32, #tpu.memory_space<vmem>>, %arg3: memref<2000x1xf32, #tpu.memory_space<vmem>>, %arg4: memref<1x256xf32, #tpu.memory_space<vmem>>, %arg5: memref<256x256xf32, #tpu.memory_space<vmem>>, %arg6: memref<2000x128xf32, #tpu.memory_space<vmem>>, %arg7: memref<2000x128xf32, #tpu.memory_space<vmem>>) attributes {dimension_semantics = [#tpu.dimension_semantics<arbitrary>], iteration_bounds = array<i64: 5>, scalar_prefetch = 0 : i64, scratch_operands = 0 : i64, tpu.core_type = #tpu.core_type<tc>, window_params = [{transform_indices = @transform_0, window_bounds = array<i64: 2000, 128>}, {transform_indices = @transform_1, window_bounds = array<i64: 2000, 128>}, {transform_indices = @transform_2, window_bounds = array<i64: 2000, 1>}, {pipeline_mode = #tpu.pipeline_mode<synchronous>, transform_indices = @transform_3, window_bounds = array<i64: 1, 256>}, {pipeline_mode = #tpu.pipeline_mode<synchronous>, transform_indices = @transform_4, window_bounds = array<i64: 256, 256>}, {transform_indices = @transform_5, window_bounds = array<i64: 2000, 128>}, {transform_indices = @transform_6, window_bounds = array<i64: 2000, 128>}]} {
    %get3A = arith.constant 0 : index
    %get3A_0 = arith.constant 0 : index
    %get3A_1 = vector.load %arg3[%get3A, %get3A_0] : memref<2000x1xf32, #tpu.memory_space<vmem>>, vector<2000x1xf32>
    %get3A_2 = arith.constant 0 : index
    %get3A_3 = arith.constant 0 : index
    %get3A_4 = vector.load %arg1[%get3A_2, %get3A_3] : memref<2000x128xf32, #tpu.memory_space<vmem>>, vector<2000x128xf32>
    %mul3A = vector.broadcast %get3A_1 : vector<2000x1xf32> to vector<2000x128xf32>
    %mul3A_5 = arith.mulf %get3A_4, %mul3A : vector<2000x128xf32>
    %get3A_6 = arith.constant 0 : index
    %get3A_7 = arith.constant 0 : index
    %get3A_8 = vector.load %arg4[%get3A_6, %get3A_7] : memref<1x256xf32, #tpu.memory_space<vmem>>, vector<1x128xf32>
    %add3A = vector.broadcast %get3A_8 : vector<1x128xf32> to vector<2000x128xf32>
    %add3A_9 = arith.addf %mul3A_5, %add3A : vector<2000x128xf32>
    %max3A = arith.constant 0.000000e+00 : f32
    %max3A_10 = vector.broadcast %max3A : f32 to vector<2000x128xf32>
    %max3A_11 = arith.maximumf %add3A_9, %max3A_10 : vector<2000x128xf32>
    %get3A_12 = arith.constant 0 : index
    %get3A_13 = arith.constant 0 : index
    %get3A_14 = vector.load %arg2[%get3A_12, %get3A_13] : memref<2000x128xf32, #tpu.memory_space<vmem>>, vector<2000x128xf32>
    %mul3A_15 = vector.broadcast %get3A_1 : vector<2000x1xf32> to vector<2000x128xf32>
    %mul3A_16 = arith.mulf %get3A_14, %mul3A_15 : vector<2000x128xf32>
    %get3A_17 = arith.constant 0 : index
    %get3A_18 = arith.constant 128 : index
    %get3A_19 = vector.load %arg4[%get3A_17, %get3A_18] : memref<1x256xf32, #tpu.memory_space<vmem>>, vector<1x128xf32>
    %add3A_20 = vector.broadcast %get3A_19 : vector<1x128xf32> to vector<2000x128xf32>
    %add3A_21 = arith.addf %mul3A_16, %add3A_20 : vector<2000x128xf32>
    %max3A_22 = arith.constant 0.000000e+00 : f32
    %max3A_23 = vector.broadcast %max3A_22 : f32 to vector<2000x128xf32>
    %max3A_24 = arith.maximumf %add3A_21, %max3A_23 : vector<2000x128xf32>
    %concatenate3A = tpu.concatenate %max3A_11, %max3A_24 in 1 : vector<2000x128xf32>, vector<2000x128xf32> -> vector<2000x256xf32>
    %get3A_25 = arith.constant 0 : index
    %get3A_26 = arith.constant 0 : index
    %get3A_27 = vector.load %arg5[%get3A_25, %get3A_26] : memref<256x256xf32, #tpu.memory_space<vmem>>, vector<256x256xf32>
    %dot_general3A = arith.constant dense<0.000000e+00> : vector<2000x256xf32>
    %dot_general3A_28 = tpu.matmul %concatenate3A, %get3A_27, %dot_general3A {dimension_numbers = #tpu.dot_dimension_numbers<[1], [0], [0], [1], [0, 0, 1, 1], [], []>, transpose_lhs_hint = false} : vector<2000x256xf32>, vector<256x256xf32>, vector<2000x256xf32> -> vector<2000x256xf32>
    %mul3A_29 = vector.broadcast %get3A_1 : vector<2000x1xf32> to vector<2000x256xf32>
    %mul3A_30 = arith.mulf %dot_general3A_28, %mul3A_29 : vector<2000x256xf32>
    %slice3A = vector.extract_strided_slice %mul3A_30 {offsets = [0, 0], sizes = [2000, 128], strides = [1, 1]} : vector<2000x256xf32> to vector<2000x128xf32>
    %swap3A = arith.constant 0 : index
    %swap3A_31 = arith.constant 0 : index
    %swap3A_32 = vector.load %arg6[%swap3A, %swap3A_31] : memref<2000x128xf32, #tpu.memory_space<vmem>>, vector<2000x128xf32>
    tpu.vector_store %arg6[%swap3A, %swap3A_31], %slice3A {strides = array<i32>} : memref<2000x128xf32, #tpu.memory_space<vmem>>, vector<2000x128xf32>,
    %slice3A_33 = vector.extract_strided_slice %mul3A_30 {offsets = [0, 128], sizes = [2000, 128], strides = [1, 1]} : vector<2000x256xf32> to vector<2000x128xf32>
    %swap3A_34 = arith.constant 0 : index
    %swap3A_35 = arith.constant 0 : index
    %swap3A_36 = vector.load %arg7[%swap3A_34, %swap3A_35] : memref<2000x128xf32, #tpu.memory_space<vmem>>, vector<2000x128xf32>
    tpu.vector_store %arg7[%swap3A_34, %swap3A_35], %slice3A_33 {strides = array<i32>} : memref<2000x128xf32, #tpu.memory_space<vmem>>, vector<2000x128xf32>,
    return
  }
  func.func @transform_0(%arg0: i32) -> (i32, i32) {
    %c0_i32 = arith.constant 0 : i32
    %c0_i32_0 = arith.constant 0 : i32
    return %arg0, %c0_i32 : i32, i32
  }
  func.func @transform_1(%arg0: i32) -> (i32, i32) {
    %c0_i32 = arith.constant 0 : i32
    %c0_i32_0 = arith.constant 0 : i32
    return %arg0, %c0_i32 : i32, i32
  }
  func.func @transform_2(%arg0: i32) -> (i32, i32) {
    %c0_i32 = arith.constant 0 : i32
    %c0_i32_0 = arith.constant 0 : i32
    return %arg0, %c0_i32 : i32, i32
  }
  func.func @transform_3(%arg0: i32) -> (i32, i32) {
    %c0_i32 = arith.constant 0 : i32
    %c0_i32_0 = arith.constant 0 : i32
    %c0_i32_1 = arith.constant 0 : i32
    return %c0_i32, %c0_i32_0 : i32, i32
  }
  func.func @transform_4(%arg0: i32) -> (i32, i32) {
    %c0_i32 = arith.constant 0 : i32
    %c0_i32_0 = arith.constant 0 : i32
    %c0_i32_1 = arith.constant 0 : i32
    return %c0_i32, %c0_i32_0 : i32, i32
  }
  func.func @transform_5(%arg0: i32) -> (i32, i32) {
    %c0_i32 = arith.constant 0 : i32
    %c0_i32_0 = arith.constant 0 : i32
    return %arg0, %c0_i32 : i32, i32
  }
  func.func @transform_6(%arg0: i32) -> (i32, i32) {
    %c0_i32 = arith.constant 0 : i32
    %c0_i32_0 = arith.constant 0 : i32
    return %arg0, %c0_i32 : i32, i32
  }
}

module attributes {stable_mosaic.version = 14 : i64} {
  func.func @_tc3_body(%arg0: i32, %arg1: memref<2000x128xf32, #tpu.memory_space<vmem>>, %arg2: memref<2000x128xf32, #tpu.memory_space<vmem>>, %arg3: memref<2000x1xf32, #tpu.memory_space<vmem>>, %arg4: memref<1x256xf32, #tpu.memory_space<vmem>>, %arg5: memref<256x256xf32, #tpu.memory_space<vmem>>, %arg6: memref<1x256xf32, #tpu.memory_space<vmem>>, %arg7: memref<256x1xf32, #tpu.memory_space<vmem>>, %arg8: memref<1x1xf32, #tpu.memory_space<vmem>>, %arg9: memref<1x1xf32, #tpu.memory_space<vmem>>, %arg10: memref<1x256xf32, #tpu.memory_space<vmem>>) attributes {dimension_semantics = [#tpu.dimension_semantics<arbitrary>], iteration_bounds = array<i64: 5>, scalar_prefetch = 0 : i64, scratch_operands = 1 : i64, tpu.core_type = #tpu.core_type<tc>, window_params = [{transform_indices = @transform_0, window_bounds = array<i64: 2000, 128>}, {transform_indices = @transform_1, window_bounds = array<i64: 2000, 128>}, {transform_indices = @transform_2, window_bounds = array<i64: 2000, 1>}, {pipeline_mode = #tpu.pipeline_mode<synchronous>, transform_indices = @transform_3, window_bounds = array<i64: 1, 256>}, {pipeline_mode = #tpu.pipeline_mode<synchronous>, transform_indices = @transform_4, window_bounds = array<i64: 256, 256>}, {pipeline_mode = #tpu.pipeline_mode<synchronous>, transform_indices = @transform_5, window_bounds = array<i64: 1, 256>}, {pipeline_mode = #tpu.pipeline_mode<synchronous>, transform_indices = @transform_6, window_bounds = array<i64: 256, 1>}, {pipeline_mode = #tpu.pipeline_mode<synchronous>, transform_indices = @transform_7, window_bounds = array<i64: 1, 1>}, {pipeline_mode = #tpu.pipeline_mode<synchronous>, transform_indices = @transform_8, window_bounds = array<i64: 1, 1>}]} {
    %eq3A = arith.constant 0 : i32
    %eq3A_0 = arith.cmpi eq, %arg0, %eq3A : i32
    %convert_element_type3A = arith.extui %eq3A_0 : i1 to i32
    %cond3A = arith.constant 0 : i32
    %cond3A_1 = arith.cmpi ne, %convert_element_type3A, %cond3A : i32
    scf.if %cond3A_1 {
      %broadcast_in_dim3A_49 = arith.constant 0.000000e+00 : f32
      %broadcast_in_dim3A_50 = vector.broadcast %broadcast_in_dim3A_49 : f32 to vector<1x256xf32>
      %swap3A_51 = arith.constant 0 : index
      %swap3A_52 = arith.constant 0 : index
      %swap3A_53 = vector.load %arg10[%swap3A_51, %swap3A_52] : memref<1x256xf32, #tpu.memory_space<vmem>>, vector<1x256xf32>
      tpu.vector_store %arg10[%swap3A_51, %swap3A_52], %broadcast_in_dim3A_50 {strides = array<i32>} : memref<1x256xf32, #tpu.memory_space<vmem>>, vector<1x256xf32>,
    } else {
    }
    %get3A = arith.constant 0 : index
    %get3A_2 = arith.constant 0 : index
    %get3A_3 = vector.load %arg3[%get3A, %get3A_2] : memref<2000x1xf32, #tpu.memory_space<vmem>>, vector<2000x1xf32>
    %get3A_4 = arith.constant 0 : index
    %get3A_5 = arith.constant 0 : index
    %get3A_6 = vector.load %arg1[%get3A_4, %get3A_5] : memref<2000x128xf32, #tpu.memory_space<vmem>>, vector<2000x128xf32>
    %mul3A = vector.broadcast %get3A_3 : vector<2000x1xf32> to vector<2000x128xf32>
    %mul3A_7 = arith.mulf %get3A_6, %mul3A : vector<2000x128xf32>
    %get3A_8 = arith.constant 0 : index
    %get3A_9 = arith.constant 0 : index
    %get3A_10 = vector.load %arg4[%get3A_8, %get3A_9] : memref<1x256xf32, #tpu.memory_space<vmem>>, vector<1x128xf32>
    %add3A = vector.broadcast %get3A_10 : vector<1x128xf32> to vector<2000x128xf32>
    %add3A_11 = arith.addf %mul3A_7, %add3A : vector<2000x128xf32>
    %max3A = arith.constant 0.000000e+00 : f32
    %max3A_12 = vector.broadcast %max3A : f32 to vector<2000x128xf32>
    %max3A_13 = arith.maximumf %add3A_11, %max3A_12 : vector<2000x128xf32>
    %get3A_14 = arith.constant 0 : index
    %get3A_15 = arith.constant 0 : index
    %get3A_16 = vector.load %arg2[%get3A_14, %get3A_15] : memref<2000x128xf32, #tpu.memory_space<vmem>>, vector<2000x128xf32>
    %mul3A_17 = vector.broadcast %get3A_3 : vector<2000x1xf32> to vector<2000x128xf32>
    %mul3A_18 = arith.mulf %get3A_16, %mul3A_17 : vector<2000x128xf32>
    %get3A_19 = arith.constant 0 : index
    %get3A_20 = arith.constant 128 : index
    %get3A_21 = vector.load %arg4[%get3A_19, %get3A_20] : memref<1x256xf32, #tpu.memory_space<vmem>>, vector<1x128xf32>
    %add3A_22 = vector.broadcast %get3A_21 : vector<1x128xf32> to vector<2000x128xf32>
    %add3A_23 = arith.addf %mul3A_18, %add3A_22 : vector<2000x128xf32>
    %max3A_24 = arith.constant 0.000000e+00 : f32
    %max3A_25 = vector.broadcast %max3A_24 : f32 to vector<2000x128xf32>
    %max3A_26 = arith.maximumf %add3A_23, %max3A_25 : vector<2000x128xf32>
    %get3A_27 = arith.constant 0 : index
    %get3A_28 = arith.constant 0 : index
    %get3A_29 = vector.load %arg10[%get3A_27, %get3A_28] : memref<1x256xf32, #tpu.memory_space<vmem>>, vector<1x128xf32>
    %reduce_sum3A = arith.constant dense<0.000000e+00> : vector<128xf32>
    %reduce_sum3A_30 = vector.multi_reduction <add>, %max3A_13, %reduce_sum3A [0] : vector<2000x128xf32> to vector<128xf32>
    %broadcast_in_dim3A = vector.shape_cast %reduce_sum3A_30 : vector<128xf32> to vector<1x128xf32>
    %add3A_31 = arith.addf %get3A_29, %broadcast_in_dim3A : vector<1x128xf32>
    %swap3A = arith.constant 0 : index
    %swap3A_32 = arith.constant 0 : index
    %swap3A_33 = vector.load %arg10[%swap3A, %swap3A_32] : memref<1x256xf32, #tpu.memory_space<vmem>>, vector<1x128xf32>
    tpu.vector_store %arg10[%swap3A, %swap3A_32], %add3A_31 {strides = array<i32>} : memref<1x256xf32, #tpu.memory_space<vmem>>, vector<1x128xf32>,
    %get3A_34 = arith.constant 0 : index
    %get3A_35 = arith.constant 128 : index
    %get3A_36 = vector.load %arg10[%get3A_34, %get3A_35] : memref<1x256xf32, #tpu.memory_space<vmem>>, vector<1x128xf32>
    %reduce_sum3A_37 = arith.constant dense<0.000000e+00> : vector<128xf32>
    %reduce_sum3A_38 = vector.multi_reduction <add>, %max3A_26, %reduce_sum3A_37 [0] : vector<2000x128xf32> to vector<128xf32>
    %broadcast_in_dim3A_39 = vector.shape_cast %reduce_sum3A_38 : vector<128xf32> to vector<1x128xf32>
    %add3A_40 = arith.addf %get3A_36, %broadcast_in_dim3A_39 : vector<1x128xf32>
    %swap3A_41 = arith.constant 0 : index
    %swap3A_42 = arith.constant 128 : index
    %swap3A_43 = vector.load %arg10[%swap3A_41, %swap3A_42] : memref<1x256xf32, #tpu.memory_space<vmem>>, vector<1x128xf32>
    tpu.vector_store %arg10[%swap3A_41, %swap3A_42], %add3A_40 {strides = array<i32>} : memref<1x256xf32, #tpu.memory_space<vmem>>, vector<1x128xf32>,
    %eq3A_44 = arith.constant 4 : i32
    %eq3A_45 = arith.cmpi eq, %arg0, %eq3A_44 : i32
    %convert_element_type3A_46 = arith.extui %eq3A_45 : i1 to i32
    %cond3A_47 = arith.constant 0 : i32
    %cond3A_48 = arith.cmpi ne, %convert_element_type3A_46, %cond3A_47 : i32
    scf.if %cond3A_48 {
      %get3A_49 = arith.constant 0 : index
      %get3A_50 = arith.constant 0 : index
      %get3A_51 = vector.load %arg10[%get3A_49, %get3A_50] : memref<1x256xf32, #tpu.memory_space<vmem>>, vector<1x256xf32>
      %mul3A_52 = arith.constant 9.99999974E-5 : f32
      %mul3A_53 = vector.broadcast %mul3A_52 : f32 to vector<1x256xf32>
      %mul3A_54 = arith.mulf %get3A_51, %mul3A_53 : vector<1x256xf32>
      %get3A_55 = arith.constant 0 : index
      %get3A_56 = arith.constant 0 : index
      %get3A_57 = vector.load %arg5[%get3A_55, %get3A_56] : memref<256x256xf32, #tpu.memory_space<vmem>>, vector<256x256xf32>
      %dot_general3A = arith.constant dense<0.000000e+00> : vector<1x256xf32>
      %dot_general3A_58 = tpu.matmul %mul3A_54, %get3A_57, %dot_general3A {dimension_numbers = #tpu.dot_dimension_numbers<[1], [0], [0], [1], [0, 0, 1, 1], [], []>, transpose_lhs_hint = false} : vector<1x256xf32>, vector<256x256xf32>, vector<1x256xf32> -> vector<1x256xf32>
      %get3A_59 = arith.constant 0 : index
      %get3A_60 = arith.constant 0 : index
      %get3A_61 = vector.load %arg6[%get3A_59, %get3A_60] : memref<1x256xf32, #tpu.memory_space<vmem>>, vector<1x256xf32>
      %add3A_62 = arith.addf %dot_general3A_58, %get3A_61 : vector<1x256xf32>
      %max3A_63 = arith.constant 0.000000e+00 : f32
      %max3A_64 = vector.broadcast %max3A_63 : f32 to vector<1x256xf32>
      %max3A_65 = arith.maximumf %add3A_62, %max3A_64 : vector<1x256xf32>
      %reshape3A = vector.shape_cast %max3A_65 : vector<1x256xf32> to vector<256x1xf32>
      %get3A_66 = arith.constant 0 : index
      %get3A_67 = arith.constant 0 : index
      %get3A_68 = vector.load %arg7[%get3A_66, %get3A_67] : memref<256x1xf32, #tpu.memory_space<vmem>>, vector<256x1xf32>
      %mul3A_69 = arith.mulf %reshape3A, %get3A_68 : vector<256x1xf32>
      %reduce_sum3A_70 = arith.constant dense<0.000000e+00> : vector<1xf32>
      %reduce_sum3A_71 = vector.multi_reduction <add>, %mul3A_69, %reduce_sum3A_70 [0] : vector<256x1xf32> to vector<1xf32>
      %broadcast_in_dim3A_72 = vector.shape_cast %reduce_sum3A_71 : vector<1xf32> to vector<1x1xf32>
      %get3A_73 = arith.constant 0 : index
      %get3A_74 = arith.constant 0 : index
      %get3A_75 = vector.load %arg8[%get3A_73, %get3A_74] : memref<1x1xf32, #tpu.memory_space<vmem>>, vector<1x1xf32>
      %add3A_76 = arith.addf %broadcast_in_dim3A_72, %get3A_75 : vector<1x1xf32>
      %max3A_77 = arith.constant 0.000000e+00 : f32
      %max3A_78 = vector.broadcast %max3A_77 : f32 to vector<1x1xf32>
      %max3A_79 = arith.maximumf %add3A_76, %max3A_78 : vector<1x1xf32>
      %swap3A_80 = arith.constant 0 : index
      %swap3A_81 = arith.constant 0 : index
      %swap3A_82 = vector.load %arg9[%swap3A_80, %swap3A_81] : memref<1x1xf32, #tpu.memory_space<vmem>>, vector<1x1xf32>
      tpu.vector_store %arg9[%swap3A_80, %swap3A_81], %max3A_79 {strides = array<i32>} : memref<1x1xf32, #tpu.memory_space<vmem>>, vector<1x1xf32>,
    } else {
    }
    return
  }
  func.func @transform_0(%arg0: i32) -> (i32, i32) {
    %c0_i32 = arith.constant 0 : i32
    %c0_i32_0 = arith.constant 0 : i32
    return %arg0, %c0_i32 : i32, i32
  }
  func.func @transform_1(%arg0: i32) -> (i32, i32) {
    %c0_i32 = arith.constant 0 : i32
    %c0_i32_0 = arith.constant 0 : i32
    return %arg0, %c0_i32 : i32, i32
  }
  func.func @transform_2(%arg0: i32) -> (i32, i32) {
    %c0_i32 = arith.constant 0 : i32
    %c0_i32_0 = arith.constant 0 : i32
    return %arg0, %c0_i32 : i32, i32
  }
  func.func @transform_3(%arg0: i32) -> (i32, i32) {
    %c0_i32 = arith.constant 0 : i32
    %c0_i32_0 = arith.constant 0 : i32
    %c0_i32_1 = arith.constant 0 : i32
    return %c0_i32, %c0_i32_0 : i32, i32
  }
  func.func @transform_4(%arg0: i32) -> (i32, i32) {
    %c0_i32 = arith.constant 0 : i32
    %c0_i32_0 = arith.constant 0 : i32
    %c0_i32_1 = arith.constant 0 : i32
    return %c0_i32, %c0_i32_0 : i32, i32
  }
  func.func @transform_5(%arg0: i32) -> (i32, i32) {
    %c0_i32 = arith.constant 0 : i32
    %c0_i32_0 = arith.constant 0 : i32
    %c0_i32_1 = arith.constant 0 : i32
    return %c0_i32, %c0_i32_0 : i32, i32
  }
  func.func @transform_6(%arg0: i32) -> (i32, i32) {
    %c0_i32 = arith.constant 0 : i32
    %c0_i32_0 = arith.constant 0 : i32
    %c0_i32_1 = arith.constant 0 : i32
    return %c0_i32, %c0_i32_0 : i32, i32
  }
  func.func @transform_7(%arg0: i32) -> (i32, i32) {
    %c0_i32 = arith.constant 0 : i32
    %c0_i32_0 = arith.constant 0 : i32
    %c0_i32_1 = arith.constant 0 : i32
    return %c0_i32, %c0_i32_0 : i32, i32
  }
  func.func @transform_8(%arg0: i32) -> (i32, i32) {
    %c0_i32 = arith.constant 0 : i32
    %c0_i32_0 = arith.constant 0 : i32
    %c0_i32_1 = arith.constant 0 : i32
    return %c0_i32, %c0_i32_0 : i32, i32
  }
}

</mosaic_0001>

<sc_bundles>
// kernel: kernel.11.cloned.1.call-start
scs
__scs_entry_jumppad:
0x0: {  	(pc) =	sbr.rel $0x88, $3  }
0x1: {  	(tag) =	ssettag $0x0;
	lr =	simm.s32 $0x1  }
0x2: {  	[smem:$0x3F97] =	sst lr;
	_ =	strace $0xD0000000  }
0x3: {  	_ = 	snop  }
0x4: {  	_ = 	snop  }
0x5: {  	_ = 	snop  }
0x6: {  	_ = 	snop  }
0x7: {  	_ = 	snop  }
__scs_overlays_trampoline_lowered:
0x8: {  	[smem:$0x3FA6] =	sst s0  }
0x9: {  	[smem:$0x3FA7] =	sst s1  }
0xa: {  	[smem:$0x3FA8] =	sst s2  }
0xb: {  	[smem:$0x3FA9] =	sst s3  }
0xc: {  	[smem:$0x3FAA] =	sst s4  }
0xd: {  	[smem:$0x3FAB] =	sst s5  }
0xe: {  	[smem:$0x3FAC] =	sst s6  }
0xf: {  	[smem:$0x3FAD] =	sst s7  }
0x10: {  	[smem:$0x3FAE] =	sst s8  }
0x11: {  	[smem:$0x3FAF] =	sst s9;
	s0 =	simm.s32 @!p0 $0x0  }
0x12: {  	s1 =	sld [smem:$0x3F95];
	s0 =	simm.s32 @p0 $0x1  }
0x13: {  	[smem:$0x3FB0] =	sst s0;
	s0 =	simm.s32 @!p1 $0x0  }
0x14: {  	s2 =	sld [smem:$0x3F94];
	s0 =	simm.s32 @p1 $0x1  }
0x15: {  	[smem:$0x3FB1] =	sst s0;
	s0 =	simm.s32 @!p2 $0x0  }
0x16: {  	s3 =	sld [smem:$0x3FDB];
	s0 =	simm.s32 @p2 $0x1  }
0x17: {  	s4 =	simm.s32 $0x1BF5;
	[smem:$0x3FB3] =	sst s0  }
0x18: {  	s0 =	sld [smem:$0x3F96];
	_ =	swait.ge [sflag:s4], $0x0  }
0x19: {  	s7 =	sld [smem:$0x3F97]  }
0x1a: {  	s8 =	sadd.s32 $0xFFFFE003, lr  }
0x1b: {  	s9 =	sadd.s32 $0xFFFFFEF7, lr;
	s5 =	simm.s32 $0xFFFFFFFF;
	p2 =	slt.u32 s8, $0xFFFFF086  }
0x1c: {  	p1 =	slt.u32 s9, $0xF7A;
	s5 =	simm.s32 @!p2 $0x0  }
0x1d: {  	s5 =	simm.s32 @p1 $0x1;
	p0 =	seq.s32 s7, s2  }
0x1e: {  	s7 =	smul.u32 @!p0 $0xF7A, s2;
	p2 =	seq.s32 @!p0 s5, $0x0  }
0x1f: {  	s9 =	smul.u32 $0xF7A, s1;
	s8 =	simm.s32 @!p0 $0x1BF5;
	p2 =	por !p2, p0  }
0x20: {  	[sflag:s8] =	ssyncset.s32 @!p0 $0xFFFFF086;
	s6 =	sadd.s32 @!p0 s3, s7;
	s7 =	simm.s32 @!p0 $0x108  }
0x21: {  	s3 =	sadd.s32 s3, s9;
	s6 =	sadd.s32 @!p0 $0x88, s6;
	s7 =	simm.s32 @p2 $0x1082  }
0x22: {  	[simem:s7], [sflag:s8] =	dma.local @!p0 [hbm:s6], $0xF7A  }
0x23: {  	s9 =	sor.u32 $0xD0000000, s2;
	s6 =	simm.s32 $0x108;
	_ =	swait.ge @!p0 [sflag:s8], $0x0  }
0x24: {  	s3 =	sadd.s32 $0x88, s3;
	s6 =	simm.s32 @!p1 $0x1082;
	[sflag:s4] =	ssyncset.s32 $0xFFFFF086  }
0x25: {  	[simem:s6], [sflag:s4] =	dma.local [hbm:s3], $0xF7A  }
0x26: {  	[smem:$0x3F97] =	sst s1;
	(tag) =	ssettag s2;
	_ =	strace s9  }
0x27: {  	s1 =	sld [smem:$0x3FA7]  }
0x28: {  	s2 =	sld [smem:$0x3FA8]  }
0x29: {  	s4 =	sld [smem:$0x3FAA]  }
0x2a: {  	p0 =	seq.s32 s5, $0x0;
	s5 =	sld [smem:$0x3FAB]  }
0x2b: {  	s6 =	sld [smem:$0x3FAC]  }
0x2c: {  	s7 =	sld [smem:$0x3FAD]  }
0x2d: {  	s3 =	simm.s32 $0x108;
	s8 =	sld [smem:$0x3FAE]  }
0x2e: {  	s3 =	simm.s32 @!p0 $0x1082;
	s9 =	sld [smem:$0x3FAF]  }
0x2f: {  	lr =	sadd.s32 s0, s3;
	s0 =	sld [smem:$0x3FA6]  }
0x30: {  	s3 =	sld [smem:$0x3FA9]  }
0x31: {  	[smem:$0x3FB2] =	sst s10  }
0x32: {  	s10 =	sld [smem:$0x3FB0];
	_ =	sdelay $0x3  }
0x33: {  	p0 =	seq.s32 s10, $0x1;
	s10 =	sld [smem:$0x3FB2];
	_ =	sdelay $0x3  }
0x34: {  	[smem:$0x3FB2] =	sst s10  }
0x35: {  	s10 =	sld [smem:$0x3FB1];
	_ =	sdelay $0x3  }
0x36: {  	p1 =	seq.s32 s10, $0x1;
	s10 =	sld [smem:$0x3FB2];
	_ =	sdelay $0x3  }
0x37: {  	[smem:$0x3FB2] =	sst s10  }
0x38: {  	s10 =	sld [smem:$0x3FB3]  }
0x39: {  	_ = 	snop;
	(pc) =	sbr.ind lr, $3  }
0x3a: {  	_ = 	snop  }
0x3b: {  	_ = 	snop  }
0x3c: {  	p2 =	seq.s32 s10, $0x1;
	s10 =	sld [smem:$0x3FB2]  }
0x3d: {  	_ =	shalt  }
0x3e: {  	_ =	shalt  }
0x3f: {  	_ =	shalt  }
0x40: {  	_ =	shalt  }
0x41: {  	_ =	shalt  }
0x42: {  	_ =	shalt  }
0x43: {  	_ =	shalt  }
0x44: {  	_ =	shalt  }
0x45: {  	_ =	shalt  }
0x46: {  	_ =	shalt  }
0x47: {  	_ =	shalt  }
0x48: {  	_ =	shalt  }
0x49: {  	_ =	shalt  }
0x4a: {  	_ =	shalt  }
0x4b: {  	_ =	shalt  }
0x4c: {  	_ =	shalt  }
0x4d: {  	_ =	shalt  }
0x4e: {  	_ =	shalt  }
0x4f: {  	_ =	shalt  }
0x50: {  	_ =	shalt  }
0x51: {  	_ =	shalt  }
0x52: {  	_ =	shalt  }
0x53: {  	_ =	shalt  }
0x54: {  	_ =	shalt  }
0x55: {  	_ =	shalt  }
0x56: {  	_ =	shalt  }
0x57: {  	_ =	shalt  }
0x58: {  	_ =	shalt  }
0x59: {  	_ =	shalt  }
0x5a: {  	_ =	shalt  }
0x5b: {  	_ =	shalt  }
0x5c: {  	_ =	shalt  }
0x5d: {  	_ =	shalt  }
0x5e: {  	_ =	shalt  }
0x5f: {  	_ =	shalt  }
0x60: {  	_ =	shalt  }
0x61: {  	_ =	shalt  }
0x62: {  	_ =	shalt  }
0x63: {  	_ =	shalt  }
0x64: {  	_ =	shalt  }
0x65: {  	_ =	shalt  }
0x66: {  	_ =	shalt  }
0x67: {  	_ =	shalt  }
0x68: {  	_ =	shalt  }
0x69: {  	_ =	shalt  }
0x6a: {  	_ =	shalt  }
0x6b: {  	_ =	shalt  }
0x6c: {  	_ =	shalt  }
0x6d: {  	_ =	shalt  }
0x6e: {  	_ =	shalt  }
0x6f: {  	_ =	shalt  }
0x70: {  	_ =	shalt  }
0x71: {  	_ =	shalt  }
0x72: {  	_ =	shalt  }
0x73: {  	_ =	shalt  }
0x74: {  	_ =	shalt  }
0x75: {  	_ =	shalt  }
0x76: {  	_ =	shalt  }
0x77: {  	_ =	shalt  }
0x78: {  	_ =	shalt  }
0x79: {  	_ =	shalt  }
0x7a: {  	_ =	shalt  }
0x7b: {  	_ =	shalt  }
0x7c: {  	_ =	shalt  }
0x7d: {  	_ =	shalt  }
0x7e: {  	_ =	shalt  }
0x7f: {  	_ =	shalt  }
0x80: {  	_ =	shalt  }
0x81: {  	_ =	shalt  }
0x82: {  	_ =	shalt  }
0x83: {  	_ =	shalt  }
0x84: {  	_ =	shalt  }
0x85: {  	_ =	shalt  }
0x86: {  	_ =	shalt  }
0x87: {  	_ =	shalt  }
.Lfunc_end0:
.L_simem_size_0:
called_computation.1_lowered:
.L_overlay_start_0:
0x88: {  	s2 =	sld [smem:$0x3FD9]  }
0x89: {  	s3 =	sld [smem:$0x3FFE];
	_ =	sdelay $0x1  }
0x8a: {  	s1 =	srdreg.scid  }
0x8b: {  	s0 =	sand.u32 $0x1, s1  }
0x8c: {  	s16 =	sshll.u32 s0, $0xA;
	s2 =	sadd.s32 s3, s2  }
0x8d: {  	s2 =	sadd.s32 s2, s16  }
0x8e: {  	[smem:$0x3FBE] =	sst s2  }
0x8f: {  	_ = 	snop  }
0x90: {  	(tm) =	ssettm $0x1  }
0x91: {  	s17 =	sld [smem:$0x3FFB];
	_ =	sdelay $0x3  }
0x92: {  	_ =	strace s17  }
0x93: {  	s2 =	sld [smem:$0x3FFC];
	_ =	sdelay $0x3  }
0x94: {  	_ =	strace s2  }
0x95: {  	s2 =	sld [smem:$0x3FFD];
	_ =	sdelay $0x3  }
0x96: {  	_ =	strace s2  }
0x97: {  	_ =	strace $0x8FFFFFFF  }
0x98: {  	s18 =	sld [smem:$0x3FDB];
	_ =	sdelay $0x1  }
0x99: {  	s19 =	simm.s32 $_scs_section_size  }
0x9a: {  	s4 =	simm.s32 $_size__tile_overlayer_lowered;
	s5 =	simm.s32 $_tile_overlayer_lowered  }
0x9b: {  	s22 =	simm.s32 $0x1BFF;
	s21 =	sshll.u32 s5, $0x1;
	s2 =	sadd.s32 s19, s18  }
0x9c: {  	s6 =	simm.s32 $0x0;
	s20 =	sshll.u32 s4, $0x1;
	s4 =	sadd.s32 s21, s2  }
0x9d: {  	[timem:s6], [sflag:s22] =	dma.local [hbm:s4], s20  }
0x9e: {  	_ =	swait.ge [sflag:s22], s20  }
0x9f: {  	s3 =	ssub.s32 $0x0, s20;
	[sflag:s22] =	ssyncset.done $0x0  }
0xa0: {  	[sflag:s22] =	ssyncadd.s32 s3;
	_ =	sdelay $0x1  }
0xa1: {  	s23 =	simm.s32 $0x1B8B  }
0xa2: {  	_ =	swait.ge [sflag:s23], $0x1  }
0xa3: {  	[sflag:s23] =	ssyncset.done $0x0  }
0xa4: {  	s25 =	simm.s32 $0x1B8E;
	s24 =	sld [smem:$0x3FFE];
	[sflag:s23] =	ssyncadd.s32 $0xFFFFFFFF  }
0xa5: {  	s26 =	simm.s32 $execute0_lowered;
	[smem:$0x3FD2] =	sst s25  }
0xa6: {  	s4 =	sshll.u32 s26, $0x1;
	_ =	strace $0x80000049;
	[dreg:$0x1] =	wrdreg $0xFFFFFFFF  }
0xa7: {  	s28 =	simm.s32 $_size_execute0_lowered;
	s2 =	sadd.s32 s2, s4;
	[dreg:$0x0] =	wrdreg $0x0  }
0xa8: {  	s4 =	sshll.u32 s28, $0x1;
	[dreg:$0x2] =	wrdreg s2  }
0xa9: {  	[dreg:$0x3] =	wrdreg s4  }
0xaa: {  	[dreg:$0x4] =	wrdreg $0xC0  }
0xab: {  	_ =	task [dreg:s6], $0x5FFFF  }
0xac: {  	[dreg:$0x1] =	wrdreg $0xFFFFFFFF  }
0xad: {  	[dreg:$0x0] =	wrdreg $0x60  }
0xae: {  	[dreg:$0x2] =	wrdreg s24  }
0xaf: {  	[dreg:$0x3] =	wrdreg $0xA8000  }
0xb0: {  	[dreg:$0x4] =	wrdreg $0x9  }
0xb1: {  	_ =	task.clear_ibuf [dreg:s6], $0x5FFFF;
	_ =	strace $0x90000049  }
0xb2: {  	s29 =	simm.s32 $0x9;
	_ =	strace $0x8000004B  }
0xb3: {  	_ =	swait.ge [sflag:s29], $0x1  }
0xb4: {  	[sflag:s29] =	ssyncadd.s32 $0xFFFFFFFF  }
0xb5: {  	_ =	strace $0x9000004B  }
0xb6: {  	_ =	sfence  }
0xb7: {  	s30 =	sld [smem:$0x0];
	_ =	sdelay $0x2  }
0xb8: {  	s31 =	sshll.u32 s1, $0xD;
	s1 =	sshrl.u32 s1, $0x2  }
0xb9: {  	s3 =	sand.u32 $0x4000, s31;
	s1 =	sadd.s32 s1, s30  }
0xba: {  	s0 =	sor.u32 s3, s0;
	s1 =	sshll.u32 s1, $0x11  }
0xbb: {  	s0 =	sor.u32 s1, s0  }
0xbc: {  	s0 =	sadd.s32 $0x8F2B, s0  }
0xbd: {  	[sflag:s0] =	ssyncadd.remote.s32 $0x1  }
0xbe: {  	_ =	sfence.sel $0xFFFF  }
0xbf: {  	[dreg:$0x0] =	wrdreg $0xFFFFFFFF;
	(pc) =	sbr.abs _section_cstart, $3  }
0xc0: {  	[dreg:$0x1] =	wrdreg $0xFFFFFFFF  }
0xc1: {  	_ =	task.clear_ibuf [dreg:s6], $0x2FFFF;
	_ =	strace $0x9FFFFFFF  }
0xc2: {  	(tm) =	ssettm $0x7FFFFFFF  }
0xc3: {  	_ =	shalt  }
tec
execute0_lowered:
.L_overlay_start_1:
0x0: {  	(tag) =	ssettag $0x1  }
0x1: {  	s0 =	rddreg [dreg:$0x0]  }
0x2: {  	s1 =	rddreg [dreg:$0x1]  }
0x3: {  	s2 =	simm.s32 $0x0;
	s4 =	srdreg.scid;
	s24 =	stileid.u32  }
0x4: {  	s19 =	simm.s32 $0x4;
	s20 =	simm.s32 $0x1400;
	s21 =	simm.s32 $0x3  }
0x5: {  	s22 =	simm.s32 $0x7D;
	s23 =	simm.s32 $0x2800;
	s28 =	simm.s32 $0x2  }
0x6: {  	s29 =	simm.s32 $0x2700;
	s30 =	simm.s32 $0x2780;
	[smem:$0x7FF] =	sst s2  }
0x7: {  	s3 =	sadd.s32 $0x35A00, s0;
	s5 =	sadd.s32 $0xDA00, s0;
	s12 =	sadd.s32 $0x8A00, s0  }
0x8: {  	s9 =	sand.u32 $0x1, s4;
	s13 =	sadd.s32 $0x2E00, s0;
	s11 =	smul.u32 $0x50000, s24  }
0x9: {  	s6 =	sadd.s32 $0x5DA00, s0;
	s7 =	sadd.s32 $0x85A00, s0;
	s31 =	smul.u32 $0x500, s24  }
0xa: {  	_ =	strace $0x8000004A;
	s8 =	ssub.s32 $0x2, s9;
	p0 =	seq.s32 s9, $0x1  }
0xb: {  	s10 =	sshrl.u32 s8, $0x1;
	s26 =	sshrl.u32 s11, $0x2;
	s11 =	sadd.s32 s13, s31  }
0xc: {  	s25 =	ssub.s32 s8, s10;
	s8 =	smul.u32 $0x2800, s24;
	s18 =	sadd.s32 s26, s1  }
.Ltmp0:
0xd: {  	s10 =	sadd.s32 s12, s31;
	s26 =	simm.s32 $0x1;
	(pc) =	sbr.rel .LBB2_1-.Ltmp0, $4  }
0xe: {  	s16 =	smax.u32 s25, $0x1;
	s18 =	sshrl.u32 s18, $0x3;
	s14 =	sshrl.u32 s8, $0x3  }
0xf: {  	s25 =	simm.s32 $0x6800;
	s9 =	sadd.s32 s3, s8;
	s14 =	sadd.s32 $0x280, s14  }
0x10: {  	s12 =	sadd.s32 s12, s14;
	s13 =	sadd.s32 s13, s14;
	s14 =	sshll.u32 s24, $0x6  }
0x11: {  	s15 =	sadd.s32 s5, s8;
	s24 =	simm.s32 $0x80;
	s17 =	sor.u32 $0x1C03, s14  }
.LBB2_11:
0x12: {  	[tilespmem:s25], [sflag:$0x2] =	stream.indirect.gather [hbm4b:s5+s22], $0x80, s0, s22, $0xb8;
	[tilespmem:$0x1E800] =	vst v63  }
0x13: {  	_ =	swait.ge [sflag:s26], $0x3E80  }
0x14: {  	[sflag:s26] =	ssyncset.done $0x0  }
0x15: {  	[sflag:s26] =	ssyncadd.s32 $0xFFFFC180  }
0x16: {  	[spmem:s1] =	stream.indirect.scatter.add.f32 [tilespmem:s23], [sflag:$0x4], $0x80, s29, s22, $0xb8;
	[tilespmem:$0x1E800] =	vst v63  }
0x17: {  	_ =	swait.ge [sflag:s19], $0x3E80  }
0x18: {  	[sflag:s19] =	ssyncset.done $0x0  }
0x19: {  	[sflag:s19] =	ssyncadd.s32 $0xFFFFC180  }
0x1a: {  	_ =	swait.ge [sflag:s28], $0x3E80  }
0x1b: {  	[sflag:s28] =	ssyncset.done $0x0  }
0x1c: {  	s0 =	smov.u32 s7;
	[sflag:s28] =	ssyncadd.s32 $0xFFFFC180  }
0x1d: {  	[spmem:s1] =	stream.indirect.scatter.add.f32 [tilespmem:s25], [sflag:$0x4], $0x80, s30, s22, $0xb8;
	[tilespmem:$0x1E800] =	vst v63  }
.LBB2_12:
0x1e: {  	_ =	swait.ge [sflag:s19], $0x3E80  }
0x1f: {  	s2 =	sadd.s32 $0x1, s2;
	[sflag:s19] =	ssyncset.done $0x0  }
0x20: {  	s0 =	sadd.s32 s0, s8;
	p1 =	sne.s32 s2, s16;
	[sflag:s19] =	ssyncadd.s32 $0xFFFFC180  }
.Ltmp1:
0x21: {  	s4 =	sor.u32 $0x1C04, s14;
	[bflag:$0x0] =	sbarrier.arrive $0xFFFF;
	(pc) =	sbr.rel @!p1 .LBB2_13-.Ltmp1, $4  }
0x22: {  	[hbm:s0], [sflag:s4] =	dma.local [spmem:s18], $0x2800  }
0x23: {  	_ =	swait.ge [sflag:s19], $0x2800  }
0x24: {  	[sflag:s19] =	ssyncset.done $0x0  }
0x25: {  	[sflag:s19] =	ssyncadd.s32 $0xFFFFD800  }
.LBB2_1:
.Ltmp2:
0x26: {  	(pc) =	sbr.rel @!p0 .LBB2_2-.Ltmp2, $1  }
0x27: {  	_ =	sdelay $0x3  }
0x28: {  	[spmem:s18], [sflag:s17] =	dma.local [hbm:s15], $0x2800  }
0x29: {  	s0 =	simm.s32 $0x0  }
0x2a: {  	[tilespmem:s0], [sflag:$0x4] =	stream.linear.gather [hbm4b:s10+s0], $0x1400, $0x38;
	[tilespmem:$0x1E800] =	vst v63  }
0x2b: {  	_ =	swait.ge [sflag:s19], $0x1400  }
0x2c: {  	[sflag:s19] =	ssyncset.done $0x0  }
0x2d: {  	[sflag:s19] =	ssyncadd.s32 $0xFFFFEC00  }
0x2e: {  	[tilespmem:s20], [sflag:$0x4] =	stream.linear.gather [hbm4b:s11+s0], $0x1400, $0x38;
	[tilespmem:$0x1E800] =	vst v63  }
0x2f: {  	_ =	swait.ge [sflag:s19], $0x1400  }
0x30: {  	[sflag:s19] =	ssyncset.done $0x0  }
0x31: {  	[sflag:s19] =	ssyncadd.s32 $0xFFFFEC00  }
0x32: {  	_ =	swait.ge [sflag:s21], $0x2800  }
0x33: {  	[sflag:s21] =	ssyncset.done $0x0  }
0x34: {  	[sflag:s21] =	ssyncadd.s32 $0xFFFFD800  }
0x35: {  	[bflag:$0x0] =	sbarrier.arrive $0xFFFF  }
0x36: {  	[tilespmem:s23], [sflag:$0x1] =	stream.indirect.gather [hbm4b:s5+s22], $0x80, s0, s22, $0xb8;
	[tilespmem:$0x1E800] =	vst v63  }
0x37: {  	_ = 	snop  }
0x38: {  	[tilespmem:s25], [sflag:$0x2] =	stream.indirect.gather [hbm4b:s5+s22], $0x80, s24, s22, $0xb8;
	[tilespmem:$0x1E800] =	vst v63  }
0x39: {  	_ =	swait.ge [sflag:s26], $0x3E80  }
0x3a: {  	[sflag:s26] =	ssyncset.done $0x0  }
0x3b: {  	s4 =	simm.s32 $0x1400;
	[sflag:s26] =	ssyncadd.s32 $0xFFFFC180  }
0x3c: {  	[spmem:s1] =	stream.indirect.scatter.add.f32 [tilespmem:s23], [sflag:$0x4], $0x80, s4, s22, $0xb8;
	[tilespmem:$0x1E800] =	vst v63  }
0x3d: {  	_ =	swait.ge [sflag:s19], $0x3E80  }
0x3e: {  	[sflag:s19] =	ssyncset.done $0x0  }
0x3f: {  	s4 =	simm.s32 $0x100;
	[sflag:s19] =	ssyncadd.s32 $0xFFFFC180  }
0x40: {  	[tilespmem:s23], [sflag:$0x1] =	stream.indirect.gather [hbm4b:s5+s22], $0x80, s4, s22, $0xb8;
	[tilespmem:$0x1E800] =	vst v63  }
0x41: {  	_ =	swait.ge [sflag:s28], $0x3E80  }
0x42: {  	[sflag:s28] =	ssyncset.done $0x0  }
0x43: {  	s4 =	simm.s32 $0x1480;
	[sflag:s28] =	ssyncadd.s32 $0xFFFFC180  }
0x44: {  	[spmem:s1] =	stream.indirect.scatter.add.f32 [tilespmem:s25], [sflag:$0x4], $0x80, s4, s22, $0xb8;
	[tilespmem:$0x1E800] =	vst v63  }
0x45: {  	_ =	swait.ge [sflag:s19], $0x3E80  }
0x46: {  	[sflag:s19] =	ssyncset.done $0x0  }
0x47: {  	s31 =	simm.s32 $0x400;
	s0 =	simm.s32 $0x180;
	[sflag:s19] =	ssyncadd.s32 $0xFFFFC180  }
.LBB2_8:
0x48: {  	[tilespmem:s25], [sflag:$0x2] =	stream.indirect.gather [hbm4b:s5+s22], $0x80, s0, s22, $0xb8;
	[tilespmem:$0x1E800] =	vst v63  }
0x49: {  	s0 =	smov.u32 s31  }
0x4a: {  	p1 =	sne.s32 s31, $0x4800;
	s31 =	sadd.s32 $0x400, s31;
	_ =	swait.ge [sflag:s26], $0x3E80  }
0x4b: {  	s0 =	sshra.s32 s0, $0x2;
	[sflag:s26] =	ssyncset.done $0x0  }
0x4c: {  	s4 =	sadd.s32 $0x1400, s0;
	[sflag:s26] =	ssyncadd.s32 $0xFFFFC180  }
0x4d: {  	[spmem:s1] =	stream.indirect.scatter.add.f32 [tilespmem:s23], [sflag:$0x4], $0x80, s4, s22, $0xb8;
	[tilespmem:$0x1E800] =	vst v63  }
0x4e: {  	_ =	swait.ge [sflag:s19], $0x3E80  }
0x4f: {  	[sflag:s19] =	ssyncset.done $0x0  }
0x50: {  	s4 =	sadd.s32 $0x100, s0;
	[sflag:s19] =	ssyncadd.s32 $0xFFFFC180  }
0x51: {  	[tilespmem:s23], [sflag:$0x1] =	stream.indirect.gather [hbm4b:s5+s22], $0x80, s4, s22, $0xb8;
	[tilespmem:$0x1E800] =	vst v63  }
0x52: {  	_ =	swait.ge [sflag:s28], $0x3E80  }
0x53: {  	[sflag:s28] =	ssyncset.done $0x0  }
.Ltmp3:
0x54: {  	s4 =	sadd.s32 $0x1480, s0;
	[sflag:s28] =	ssyncadd.s32 $0xFFFFC180;
	(pc) =	sbr.rel @p1 .LBB2_8-.Ltmp3, $4  }
0x55: {  	[spmem:s1] =	stream.indirect.scatter.add.f32 [tilespmem:s25], [sflag:$0x4], $0x80, s4, s22, $0xb8;
	[tilespmem:$0x1E800] =	vst v63  }
0x56: {  	_ =	swait.ge [sflag:s19], $0x3E80  }
0x57: {  	[sflag:s19] =	ssyncset.done $0x0  }
0x58: {  	s0 =	sadd.s32 $0x180, s0;
	[sflag:s19] =	ssyncadd.s32 $0xFFFFC180  }
0x59: {  	[tilespmem:s25], [sflag:$0x2] =	stream.indirect.gather [hbm4b:s5+s22], $0x80, s0, s22, $0xb8;
	[tilespmem:$0x1E800] =	vst v63  }
0x5a: {  	_ =	swait.ge [sflag:s26], $0x3E80  }
0x5b: {  	[sflag:s26] =	ssyncset.done $0x0  }
0x5c: {  	[sflag:s26] =	ssyncadd.s32 $0xFFFFC180  }
0x5d: {  	[spmem:s1] =	stream.indirect.scatter.add.f32 [tilespmem:s23], [sflag:$0x4], $0x80, s29, s22, $0xb8;
	[tilespmem:$0x1E800] =	vst v63  }
0x5e: {  	_ =	swait.ge [sflag:s19], $0x3E80  }
0x5f: {  	[sflag:s19] =	ssyncset.done $0x0  }
0x60: {  	[sflag:s19] =	ssyncadd.s32 $0xFFFFC180  }
0x61: {  	_ =	swait.ge [sflag:s28], $0x3E80  }
0x62: {  	[sflag:s28] =	ssyncset.done $0x0  }
0x63: {  	[sflag:s28] =	ssyncadd.s32 $0xFFFFC180  }
0x64: {  	[spmem:s1] =	stream.indirect.scatter.add.f32 [tilespmem:s25], [sflag:$0x4], $0x80, s30, s22, $0xb8;
	[tilespmem:$0x1E800] =	vst v63  }
0x65: {  	_ =	swait.ge [sflag:s19], $0x3E80  }
0x66: {  	[sflag:s19] =	ssyncset.done $0x0  }
0x67: {  	s4 =	simm.s32 $0x0;
	[sflag:s19] =	ssyncadd.s32 $0xFFFFC180  }
0x68: {  	[tilespmem:s4], [sflag:$0x4] =	stream.linear.gather [hbm4b:s12+s4], $0x1400, $0x38;
	[tilespmem:$0x1E800] =	vst v63  }
0x69: {  	_ =	swait.ge [sflag:s19], $0x1400  }
0x6a: {  	[sflag:s19] =	ssyncset.done $0x0  }
0x6b: {  	[sflag:s19] =	ssyncadd.s32 $0xFFFFEC00  }
0x6c: {  	[tilespmem:s20], [sflag:$0x4] =	stream.linear.gather [hbm4b:s13+s4], $0x1400, $0x38;
	[tilespmem:$0x1E800] =	vst v63  }
0x6d: {  	_ =	swait.ge [sflag:s19], $0x1400  }
0x6e: {  	[sflag:s19] =	ssyncset.done $0x0  }
0x6f: {  	[sflag:s19] =	ssyncadd.s32 $0xFFFFEC00  }
0x70: {  	[tilespmem:s23], [sflag:$0x1] =	stream.indirect.gather [hbm4b:s5+s22], $0x80, s4, s22, $0xb8;
	[tilespmem:$0x1E800] =	vst v63  }
0x71: {  	_ = 	snop  }
0x72: {  	[tilespmem:s25], [sflag:$0x2] =	stream.indirect.gather [hbm4b:s5+s22], $0x80, s24, s22, $0xb8;
	[tilespmem:$0x1E800] =	vst v63  }
0x73: {  	_ =	swait.ge [sflag:s26], $0x3E80  }
0x74: {  	[sflag:s26] =	ssyncset.done $0x0  }
0x75: {  	s4 =	simm.s32 $0x1400;
	[sflag:s26] =	ssyncadd.s32 $0xFFFFC180  }
0x76: {  	[spmem:s1] =	stream.indirect.scatter.add.f32 [tilespmem:s23], [sflag:$0x4], $0x80, s4, s22, $0xb8;
	[tilespmem:$0x1E800] =	vst v63  }
0x77: {  	_ =	swait.ge [sflag:s19], $0x3E80  }
0x78: {  	[sflag:s19] =	ssyncset.done $0x0  }
0x79: {  	s4 =	simm.s32 $0x100;
	[sflag:s19] =	ssyncadd.s32 $0xFFFFC180  }
0x7a: {  	[tilespmem:s23], [sflag:$0x1] =	stream.indirect.gather [hbm4b:s5+s22], $0x80, s4, s22, $0xb8;
	[tilespmem:$0x1E800] =	vst v63  }
0x7b: {  	_ =	swait.ge [sflag:s28], $0x3E80  }
0x7c: {  	[sflag:s28] =	ssyncset.done $0x0  }
0x7d: {  	s4 =	simm.s32 $0x1480;
	[sflag:s28] =	ssyncadd.s32 $0xFFFFC180  }
0x7e: {  	[spmem:s1] =	stream.indirect.scatter.add.f32 [tilespmem:s25], [sflag:$0x4], $0x80, s4, s22, $0xb8;
	[tilespmem:$0x1E800] =	vst v63  }
0x7f: {  	_ =	swait.ge [sflag:s19], $0x3E80  }
0x80: {  	[sflag:s19] =	ssyncset.done $0x0  }
0x81: {  	s31 =	simm.s32 $0x400;
	s0 =	simm.s32 $0x180;
	[sflag:s19] =	ssyncadd.s32 $0xFFFFC180  }
.LBB2_10:
0x82: {  	[tilespmem:s25], [sflag:$0x2] =	stream.indirect.gather [hbm4b:s5+s22], $0x80, s0, s22, $0xb8;
	[tilespmem:$0x1E800] =	vst v63  }
0x83: {  	s0 =	smov.u32 s31  }
0x84: {  	p1 =	sne.s32 s31, $0x4800;
	s31 =	sadd.s32 $0x400, s31;
	_ =	swait.ge [sflag:s26], $0x3E80  }
0x85: {  	s0 =	sshra.s32 s0, $0x2;
	[sflag:s26] =	ssyncset.done $0x0  }
0x86: {  	s4 =	sadd.s32 $0x1400, s0;
	[sflag:s26] =	ssyncadd.s32 $0xFFFFC180  }
0x87: {  	[spmem:s1] =	stream.indirect.scatter.add.f32 [tilespmem:s23], [sflag:$0x4], $0x80, s4, s22, $0xb8;
	[tilespmem:$0x1E800] =	vst v63  }
0x88: {  	_ =	swait.ge [sflag:s19], $0x3E80  }
0x89: {  	[sflag:s19] =	ssyncset.done $0x0  }
0x8a: {  	s4 =	sadd.s32 $0x100, s0;
	[sflag:s19] =	ssyncadd.s32 $0xFFFFC180  }
0x8b: {  	[tilespmem:s23], [sflag:$0x1] =	stream.indirect.gather [hbm4b:s5+s22], $0x80, s4, s22, $0xb8;
	[tilespmem:$0x1E800] =	vst v63  }
0x8c: {  	_ =	swait.ge [sflag:s28], $0x3E80  }
0x8d: {  	[sflag:s28] =	ssyncset.done $0x0  }
.Ltmp4:
0x8e: {  	s4 =	sadd.s32 $0x1480, s0;
	[sflag:s28] =	ssyncadd.s32 $0xFFFFC180;
	(pc) =	sbr.rel @p1 .LBB2_10-.Ltmp4, $4  }
0x8f: {  	[spmem:s1] =	stream.indirect.scatter.add.f32 [tilespmem:s25], [sflag:$0x4], $0x80, s4, s22, $0xb8;
	[tilespmem:$0x1E800] =	vst v63  }
0x90: {  	_ =	swait.ge [sflag:s19], $0x3E80  }
0x91: {  	[sflag:s19] =	ssyncset.done $0x0  }
0x92: {  	s0 =	sadd.s32 $0x180, s0;
	[sflag:s19] =	ssyncadd.s32 $0xFFFFC180  }
.Ltmp5:
0x93: {  	_ = 	snop;
	(pc) =	sbr.rel .LBB2_11-.Ltmp5, $1  }
0x94: {  	_ =	sdelay $0x3  }
.LBB2_2:
0x95: {  	[spmem:s18], [sflag:s17] =	dma.local [hbm:s9], $0x2800  }
0x96: {  	s0 =	simm.s32 $0x0  }
0x97: {  	[tilespmem:s0], [sflag:$0x4] =	stream.linear.gather [hbm4b:s10+s0], $0x1400, $0x38;
	[tilespmem:$0x1E800] =	vst v63  }
0x98: {  	_ =	swait.ge [sflag:s19], $0x1400  }
0x99: {  	[sflag:s19] =	ssyncset.done $0x0  }
0x9a: {  	[sflag:s19] =	ssyncadd.s32 $0xFFFFEC00  }
0x9b: {  	[tilespmem:s20], [sflag:$0x4] =	stream.linear.gather [hbm4b:s11+s0], $0x1400, $0x38;
	[tilespmem:$0x1E800] =	vst v63  }
0x9c: {  	_ =	swait.ge [sflag:s19], $0x1400  }
0x9d: {  	[sflag:s19] =	ssyncset.done $0x0  }
0x9e: {  	[sflag:s19] =	ssyncadd.s32 $0xFFFFEC00  }
0x9f: {  	_ =	swait.ge [sflag:s21], $0x2800  }
0xa0: {  	[sflag:s21] =	ssyncset.done $0x0  }
0xa1: {  	[sflag:s21] =	ssyncadd.s32 $0xFFFFD800  }
0xa2: {  	[bflag:$0x0] =	sbarrier.arrive $0xFFFF  }
0xa3: {  	[tilespmem:s23], [sflag:$0x1] =	stream.indirect.gather [hbm4b:s3+s22], $0x80, s0, s22, $0xb8;
	[tilespmem:$0x1E800] =	vst v63  }
0xa4: {  	_ = 	snop  }
0xa5: {  	[tilespmem:s25], [sflag:$0x2] =	stream.indirect.gather [hbm4b:s3+s22], $0x80, s24, s22, $0xb8;
	[tilespmem:$0x1E800] =	vst v63  }
0xa6: {  	_ =	swait.ge [sflag:s26], $0x3E80  }
0xa7: {  	[sflag:s26] =	ssyncset.done $0x0  }
0xa8: {  	s4 =	simm.s32 $0x1400;
	[sflag:s26] =	ssyncadd.s32 $0xFFFFC180  }
0xa9: {  	[spmem:s1] =	stream.indirect.scatter.add.f32 [tilespmem:s23], [sflag:$0x4], $0x80, s4, s22, $0xb8;
	[tilespmem:$0x1E800] =	vst v63  }
0xaa: {  	_ =	swait.ge [sflag:s19], $0x3E80  }
0xab: {  	[sflag:s19] =	ssyncset.done $0x0  }
0xac: {  	s4 =	simm.s32 $0x100;
	[sflag:s19] =	ssyncadd.s32 $0xFFFFC180  }
0xad: {  	[tilespmem:s23], [sflag:$0x1] =	stream.indirect.gather [hbm4b:s3+s22], $0x80, s4, s22, $0xb8;
	[tilespmem:$0x1E800] =	vst v63  }
0xae: {  	_ =	swait.ge [sflag:s28], $0x3E80  }
0xaf: {  	[sflag:s28] =	ssyncset.done $0x0  }
0xb0: {  	s4 =	simm.s32 $0x1480;
	[sflag:s28] =	ssyncadd.s32 $0xFFFFC180  }
0xb1: {  	[spmem:s1] =	stream.indirect.scatter.add.f32 [tilespmem:s25], [sflag:$0x4], $0x80, s4, s22, $0xb8;
	[tilespmem:$0x1E800] =	vst v63  }
0xb2: {  	_ =	swait.ge [sflag:s19], $0x3E80  }
0xb3: {  	[sflag:s19] =	ssyncset.done $0x0  }
0xb4: {  	s31 =	simm.s32 $0x400;
	s0 =	simm.s32 $0x180;
	[sflag:s19] =	ssyncadd.s32 $0xFFFFC180  }
.LBB2_3:
0xb5: {  	[tilespmem:s25], [sflag:$0x2] =	stream.indirect.gather [hbm4b:s3+s22], $0x80, s0, s22, $0xb8;
	[tilespmem:$0x1E800] =	vst v63  }
0xb6: {  	s0 =	smov.u32 s31  }
0xb7: {  	p1 =	sne.s32 s31, $0x4800;
	s31 =	sadd.s32 $0x400, s31;
	_ =	swait.ge [sflag:s26], $0x3E80  }
0xb8: {  	s0 =	sshra.s32 s0, $0x2;
	[sflag:s26] =	ssyncset.done $0x0  }
0xb9: {  	s4 =	sadd.s32 $0x1400, s0;
	[sflag:s26] =	ssyncadd.s32 $0xFFFFC180  }
0xba: {  	[spmem:s1] =	stream.indirect.scatter.add.f32 [tilespmem:s23], [sflag:$0x4], $0x80, s4, s22, $0xb8;
	[tilespmem:$0x1E800] =	vst v63  }
0xbb: {  	_ =	swait.ge [sflag:s19], $0x3E80  }
0xbc: {  	[sflag:s19] =	ssyncset.done $0x0  }
0xbd: {  	s4 =	sadd.s32 $0x100, s0;
	[sflag:s19] =	ssyncadd.s32 $0xFFFFC180  }
0xbe: {  	[tilespmem:s23], [sflag:$0x1] =	stream.indirect.gather [hbm4b:s3+s22], $0x80, s4, s22, $0xb8;
	[tilespmem:$0x1E800] =	vst v63  }
0xbf: {  	_ =	swait.ge [sflag:s28], $0x3E80  }
0xc0: {  	[sflag:s28] =	ssyncset.done $0x0  }
.Ltmp6:
0xc1: {  	s4 =	sadd.s32 $0x1480, s0;
	[sflag:s28] =	ssyncadd.s32 $0xFFFFC180;
	(pc) =	sbr.rel @p1 .LBB2_3-.Ltmp6, $4  }
0xc2: {  	[spmem:s1] =	stream.indirect.scatter.add.f32 [tilespmem:s25], [sflag:$0x4], $0x80, s4, s22, $0xb8;
	[tilespmem:$0x1E800] =	vst v63  }
0xc3: {  	_ =	swait.ge [sflag:s19], $0x3E80  }
0xc4: {  	[sflag:s19] =	ssyncset.done $0x0  }
0xc5: {  	s0 =	sadd.s32 $0x180, s0;
	[sflag:s19] =	ssyncadd.s32 $0xFFFFC180  }
0xc6: {  	[tilespmem:s25], [sflag:$0x2] =	stream.indirect.gather [hbm4b:s3+s22], $0x80, s0, s22, $0xb8;
	[tilespmem:$0x1E800] =	vst v63  }
0xc7: {  	_ =	swait.ge [sflag:s26], $0x3E80  }
0xc8: {  	[sflag:s26] =	ssyncset.done $0x0  }
0xc9: {  	[sflag:s26] =	ssyncadd.s32 $0xFFFFC180  }
0xca: {  	[spmem:s1] =	stream.indirect.scatter.add.f32 [tilespmem:s23], [sflag:$0x4], $0x80, s29, s22, $0xb8;
	[tilespmem:$0x1E800] =	vst v63  }
0xcb: {  	_ =	swait.ge [sflag:s19], $0x3E80  }
0xcc: {  	[sflag:s19] =	ssyncset.done $0x0  }
0xcd: {  	[sflag:s19] =	ssyncadd.s32 $0xFFFFC180  }
0xce: {  	_ =	swait.ge [sflag:s28], $0x3E80  }
0xcf: {  	[sflag:s28] =	ssyncset.done $0x0  }
0xd0: {  	[sflag:s28] =	ssyncadd.s32 $0xFFFFC180  }
0xd1: {  	[spmem:s1] =	stream.indirect.scatter.add.f32 [tilespmem:s25], [sflag:$0x4], $0x80, s30, s22, $0xb8;
	[tilespmem:$0x1E800] =	vst v63  }
0xd2: {  	_ =	swait.ge [sflag:s19], $0x3E80  }
0xd3: {  	[sflag:s19] =	ssyncset.done $0x0  }
0xd4: {  	s4 =	simm.s32 $0x0;
	[sflag:s19] =	ssyncadd.s32 $0xFFFFC180  }
0xd5: {  	[tilespmem:s4], [sflag:$0x4] =	stream.linear.gather [hbm4b:s12+s4], $0x1400, $0x38;
	[tilespmem:$0x1E800] =	vst v63  }
0xd6: {  	_ =	swait.ge [sflag:s19], $0x1400  }
0xd7: {  	[sflag:s19] =	ssyncset.done $0x0  }
0xd8: {  	[sflag:s19] =	ssyncadd.s32 $0xFFFFEC00  }
0xd9: {  	[tilespmem:s20], [sflag:$0x4] =	stream.linear.gather [hbm4b:s13+s4], $0x1400, $0x38;
	[tilespmem:$0x1E800] =	vst v63  }
0xda: {  	_ =	swait.ge [sflag:s19], $0x1400  }
0xdb: {  	[sflag:s19] =	ssyncset.done $0x0  }
0xdc: {  	[sflag:s19] =	ssyncadd.s32 $0xFFFFEC00  }
0xdd: {  	[tilespmem:s23], [sflag:$0x1] =	stream.indirect.gather [hbm4b:s3+s22], $0x80, s4, s22, $0xb8;
	[tilespmem:$0x1E800] =	vst v63  }
0xde: {  	_ = 	snop  }
0xdf: {  	[tilespmem:s25], [sflag:$0x2] =	stream.indirect.gather [hbm4b:s3+s22], $0x80, s24, s22, $0xb8;
	[tilespmem:$0x1E800] =	vst v63  }
0xe0: {  	_ =	swait.ge [sflag:s26], $0x3E80  }
0xe1: {  	[sflag:s26] =	ssyncset.done $0x0  }
0xe2: {  	s4 =	simm.s32 $0x1400;
	[sflag:s26] =	ssyncadd.s32 $0xFFFFC180  }
0xe3: {  	[spmem:s1] =	stream.indirect.scatter.add.f32 [tilespmem:s23], [sflag:$0x4], $0x80, s4, s22, $0xb8;
	[tilespmem:$0x1E800] =	vst v63  }
0xe4: {  	_ =	swait.ge [sflag:s19], $0x3E80  }
0xe5: {  	[sflag:s19] =	ssyncset.done $0x0  }
0xe6: {  	s4 =	simm.s32 $0x100;
	[sflag:s19] =	ssyncadd.s32 $0xFFFFC180  }
0xe7: {  	[tilespmem:s23], [sflag:$0x1] =	stream.indirect.gather [hbm4b:s3+s22], $0x80, s4, s22, $0xb8;
	[tilespmem:$0x1E800] =	vst v63  }
0xe8: {  	_ =	swait.ge [sflag:s28], $0x3E80  }
0xe9: {  	[sflag:s28] =	ssyncset.done $0x0  }
0xea: {  	s4 =	simm.s32 $0x1480;
	[sflag:s28] =	ssyncadd.s32 $0xFFFFC180  }
0xeb: {  	[spmem:s1] =	stream.indirect.scatter.add.f32 [tilespmem:s25], [sflag:$0x4], $0x80, s4, s22, $0xb8;
	[tilespmem:$0x1E800] =	vst v63  }
0xec: {  	_ =	swait.ge [sflag:s19], $0x3E80  }
0xed: {  	[sflag:s19] =	ssyncset.done $0x0  }
0xee: {  	s31 =	simm.s32 $0x400;
	s0 =	simm.s32 $0x180;
	[sflag:s19] =	ssyncadd.s32 $0xFFFFC180  }
.LBB2_5:
0xef: {  	[tilespmem:s25], [sflag:$0x2] =	stream.indirect.gather [hbm4b:s3+s22], $0x80, s0, s22, $0xb8;
	[tilespmem:$0x1E800] =	vst v63  }
0xf0: {  	s0 =	smov.u32 s31  }
0xf1: {  	p1 =	sne.s32 s31, $0x4800;
	s31 =	sadd.s32 $0x400, s31;
	_ =	swait.ge [sflag:s26], $0x3E80  }
0xf2: {  	s0 =	sshra.s32 s0, $0x2;
	[sflag:s26] =	ssyncset.done $0x0  }
0xf3: {  	s4 =	sadd.s32 $0x1400, s0;
	[sflag:s26] =	ssyncadd.s32 $0xFFFFC180  }
0xf4: {  	[spmem:s1] =	stream.indirect.scatter.add.f32 [tilespmem:s23], [sflag:$0x4], $0x80, s4, s22, $0xb8;
	[tilespmem:$0x1E800] =	vst v63  }
0xf5: {  	_ =	swait.ge [sflag:s19], $0x3E80  }
0xf6: {  	[sflag:s19] =	ssyncset.done $0x0  }
0xf7: {  	s4 =	sadd.s32 $0x100, s0;
	[sflag:s19] =	ssyncadd.s32 $0xFFFFC180  }
0xf8: {  	[tilespmem:s23], [sflag:$0x1] =	stream.indirect.gather [hbm4b:s3+s22], $0x80, s4, s22, $0xb8;
	[tilespmem:$0x1E800] =	vst v63  }
0xf9: {  	_ =	swait.ge [sflag:s28], $0x3E80  }
0xfa: {  	[sflag:s28] =	ssyncset.done $0x0  }
.Ltmp7:
0xfb: {  	s4 =	sadd.s32 $0x1480, s0;
	[sflag:s28] =	ssyncadd.s32 $0xFFFFC180;
	(pc) =	sbr.rel @p1 .LBB2_5-.Ltmp7, $4  }
0xfc: {  	[spmem:s1] =	stream.indirect.scatter.add.f32 [tilespmem:s25], [sflag:$0x4], $0x80, s4, s22, $0xb8;
	[tilespmem:$0x1E800] =	vst v63  }
0xfd: {  	_ =	swait.ge [sflag:s19], $0x3E80  }
0xfe: {  	[sflag:s19] =	ssyncset.done $0x0  }
0xff: {  	s0 =	sadd.s32 $0x180, s0;
	[sflag:s19] =	ssyncadd.s32 $0xFFFFC180  }
0x100: {  	[tilespmem:s25], [sflag:$0x2] =	stream.indirect.gather [hbm4b:s3+s22], $0x80, s0, s22, $0xb8;
	[tilespmem:$0x1E800] =	vst v63  }
0x101: {  	_ =	swait.ge [sflag:s26], $0x3E80  }
0x102: {  	[sflag:s26] =	ssyncset.done $0x0  }
0x103: {  	[sflag:s26] =	ssyncadd.s32 $0xFFFFC180  }
0x104: {  	[spmem:s1] =	stream.indirect.scatter.add.f32 [tilespmem:s23], [sflag:$0x4], $0x80, s29, s22, $0xb8;
	[tilespmem:$0x1E800] =	vst v63  }
0x105: {  	_ =	swait.ge [sflag:s19], $0x3E80  }
0x106: {  	[sflag:s19] =	ssyncset.done $0x0  }
.Ltmp8:
0x107: {  	[sflag:s19] =	ssyncadd.s32 $0xFFFFC180;
	(pc) =	sbr.rel .LBB2_12-.Ltmp8, $4  }
0x108: {  	_ =	swait.ge [sflag:s28], $0x3E80  }
0x109: {  	[sflag:s28] =	ssyncset.done $0x0  }
0x10a: {  	s0 =	smov.u32 s6;
	[sflag:s28] =	ssyncadd.s32 $0xFFFFC180  }
0x10b: {  	[spmem:s1] =	stream.indirect.scatter.add.f32 [tilespmem:s25], [sflag:$0x4], $0x80, s30, s22, $0xb8;
	[tilespmem:$0x1E800] =	vst v63  }
.LBB2_13:
0x10c: {  	_ =	sfence.sel $0x180000  }
0x10d: {  	[bflag:$0x0] =	sbarrier.arrive $0xFFFF  }
0x10e: {  	_ =	strace $0x9000004A  }
0x10f: {  	s0 =	stileid.u32;
	[bflag:$0x2] =	sbarrier.arrive $0xFFFF  }
0x110: {  	p0 =	sne.s32 s0, $0x0;
	s0 =	rddreg [dreg:$0x2]  }
0x111: {  	s0 =	sadd.s32 @!p0 $0x100000, s0  }
0x112: {  	[sflag:s0] =	ssyncadd.tile.s32 @!p0 $0x1;
	_ =	shalt  }
.Lfunc_end2:
_tile_overlayer_lowered:
.L_overlay_start_2:
0x113: {  	(tag) =	ssettag $0x2  }
0x114: {  	s0 =	rddreg [dreg:$0x0];
	s2 =	stileid.u32  }
0x115: {  	s1 =	rddreg [dreg:$0x1];
	p0 =	sne.s32 s2, $0x0  }
0x116: {  	s3 =	rddreg [dreg:$0x2];
	[bflag:$0x3] =	sbarrier.arrive $0xFFFF;
	s2 =	simm.s32 @!p0 $0x1C04  }
0x117: {  	[timem:s3], [sflag:s2] =	dma.local @!p0 [hbm:s0], s1  }
0x118: {  	s0 =	simm.s32 @!p0 $0x4  }
0x119: {  	_ =	swait.ge @!p0 [sflag:s0], s1  }
0x11a: {  	s1 =	ssub.s32 @!p0 $0x0, s1;
	[sflag:s0] =	ssyncset.done @!p0 $0x0  }
0x11b: {  	[sflag:s0] =	ssyncadd.s32 @!p0 s1  }
0x11c: {  	[bflag:$0x3] =	sbarrier.arrive $0xFFFF  }
0x11d: {  	_ =	shalt  }

// kernel: kernel.14.cloned.1.call-start
scs
__scs_entry_jumppad:
0x0: {  	(pc) =	sbr.rel $0x88, $3  }
0x1: {  	(tag) =	ssettag $0x0;
	lr =	simm.s32 $0x1  }
0x2: {  	[smem:$0x3F97] =	sst lr;
	_ =	strace $0xD0000000  }
0x3: {  	_ = 	snop  }
0x4: {  	_ = 	snop  }
0x5: {  	_ = 	snop  }
0x6: {  	_ = 	snop  }
0x7: {  	_ = 	snop  }
__scs_overlays_trampoline_lowered:
0x8: {  	[smem:$0x3FA6] =	sst s0  }
0x9: {  	[smem:$0x3FA7] =	sst s1  }
0xa: {  	[smem:$0x3FA8] =	sst s2  }
0xb: {  	[smem:$0x3FA9] =	sst s3  }
0xc: {  	[smem:$0x3FAA] =	sst s4  }
0xd: {  	[smem:$0x3FAB] =	sst s5  }
0xe: {  	[smem:$0x3FAC] =	sst s6  }
0xf: {  	[smem:$0x3FAD] =	sst s7  }
0x10: {  	[smem:$0x3FAE] =	sst s8  }
0x11: {  	[smem:$0x3FAF] =	sst s9;
	s0 =	simm.s32 @!p0 $0x0  }
0x12: {  	s1 =	sld [smem:$0x3F95];
	s0 =	simm.s32 @p0 $0x1  }
0x13: {  	[smem:$0x3FB0] =	sst s0;
	s0 =	simm.s32 @!p1 $0x0  }
0x14: {  	s2 =	sld [smem:$0x3F94];
	s0 =	simm.s32 @p1 $0x1  }
0x15: {  	[smem:$0x3FB1] =	sst s0;
	s0 =	simm.s32 @!p2 $0x0  }
0x16: {  	s3 =	sld [smem:$0x3FDB];
	s0 =	simm.s32 @p2 $0x1  }
0x17: {  	s4 =	simm.s32 $0x1BF5;
	[smem:$0x3FB3] =	sst s0  }
0x18: {  	s0 =	sld [smem:$0x3F96];
	_ =	swait.ge [sflag:s4], $0x0  }
0x19: {  	s7 =	sld [smem:$0x3F97]  }
0x1a: {  	s8 =	sadd.s32 $0xFFFFE003, lr  }
0x1b: {  	s9 =	sadd.s32 $0xFFFFFEF7, lr;
	s5 =	simm.s32 $0xFFFFFFFF;
	p2 =	slt.u32 s8, $0xFFFFF086  }
0x1c: {  	p1 =	slt.u32 s9, $0xF7A;
	s5 =	simm.s32 @!p2 $0x0  }
0x1d: {  	s5 =	simm.s32 @p1 $0x1;
	p0 =	seq.s32 s7, s2  }
0x1e: {  	s7 =	smul.u32 @!p0 $0xF7A, s2;
	p2 =	seq.s32 @!p0 s5, $0x0  }
0x1f: {  	s9 =	smul.u32 $0xF7A, s1;
	s8 =	simm.s32 @!p0 $0x1BF5;
	p2 =	por !p2, p0  }
0x20: {  	[sflag:s8] =	ssyncset.s32 @!p0 $0xFFFFF086;
	s6 =	sadd.s32 @!p0 s3, s7;
	s7 =	simm.s32 @!p0 $0x108  }
0x21: {  	s3 =	sadd.s32 s3, s9;
	s6 =	sadd.s32 @!p0 $0x88, s6;
	s7 =	simm.s32 @p2 $0x1082  }
0x22: {  	[simem:s7], [sflag:s8] =	dma.local @!p0 [hbm:s6], $0xF7A  }
0x23: {  	s9 =	sor.u32 $0xD0000000, s2;
	s6 =	simm.s32 $0x108;
	_ =	swait.ge @!p0 [sflag:s8], $0x0  }
0x24: {  	s3 =	sadd.s32 $0x88, s3;
	s6 =	simm.s32 @!p1 $0x1082;
	[sflag:s4] =	ssyncset.s32 $0xFFFFF086  }
0x25: {  	[simem:s6], [sflag:s4] =	dma.local [hbm:s3], $0xF7A  }
0x26: {  	[smem:$0x3F97] =	sst s1;
	(tag) =	ssettag s2;
	_ =	strace s9  }
0x27: {  	s1 =	sld [smem:$0x3FA7]  }
0x28: {  	s2 =	sld [smem:$0x3FA8]  }
0x29: {  	s4 =	sld [smem:$0x3FAA]  }
0x2a: {  	p0 =	seq.s32 s5, $0x0;
	s5 =	sld [smem:$0x3FAB]  }
0x2b: {  	s6 =	sld [smem:$0x3FAC]  }
0x2c: {  	s7 =	sld [smem:$0x3FAD]  }
0x2d: {  	s3 =	simm.s32 $0x108;
	s8 =	sld [smem:$0x3FAE]  }
0x2e: {  	s3 =	simm.s32 @!p0 $0x1082;
	s9 =	sld [smem:$0x3FAF]  }
0x2f: {  	lr =	sadd.s32 s0, s3;
	s0 =	sld [smem:$0x3FA6]  }
0x30: {  	s3 =	sld [smem:$0x3FA9]  }
0x31: {  	[smem:$0x3FB2] =	sst s10  }
0x32: {  	s10 =	sld [smem:$0x3FB0];
	_ =	sdelay $0x3  }
0x33: {  	p0 =	seq.s32 s10, $0x1;
	s10 =	sld [smem:$0x3FB2];
	_ =	sdelay $0x3  }
0x34: {  	[smem:$0x3FB2] =	sst s10  }
0x35: {  	s10 =	sld [smem:$0x3FB1];
	_ =	sdelay $0x3  }
0x36: {  	p1 =	seq.s32 s10, $0x1;
	s10 =	sld [smem:$0x3FB2];
	_ =	sdelay $0x3  }
0x37: {  	[smem:$0x3FB2] =	sst s10  }
0x38: {  	s10 =	sld [smem:$0x3FB3]  }
0x39: {  	_ = 	snop;
	(pc) =	sbr.ind lr, $3  }
0x3a: {  	_ = 	snop  }
0x3b: {  	_ = 	snop  }
0x3c: {  	p2 =	seq.s32 s10, $0x1;
	s10 =	sld [smem:$0x3FB2]  }
0x3d: {  	_ =	shalt  }
0x3e: {  	_ =	shalt  }
0x3f: {  	_ =	shalt  }
0x40: {  	_ =	shalt  }
0x41: {  	_ =	shalt  }
0x42: {  	_ =	shalt  }
0x43: {  	_ =	shalt  }
0x44: {  	_ =	shalt  }
0x45: {  	_ =	shalt  }
0x46: {  	_ =	shalt  }
0x47: {  	_ =	shalt  }
0x48: {  	_ =	shalt  }
0x49: {  	_ =	shalt  }
0x4a: {  	_ =	shalt  }
0x4b: {  	_ =	shalt  }
0x4c: {  	_ =	shalt  }
0x4d: {  	_ =	shalt  }
0x4e: {  	_ =	shalt  }
0x4f: {  	_ =	shalt  }
0x50: {  	_ =	shalt  }
0x51: {  	_ =	shalt  }
0x52: {  	_ =	shalt  }
0x53: {  	_ =	shalt  }
0x54: {  	_ =	shalt  }
0x55: {  	_ =	shalt  }
0x56: {  	_ =	shalt  }
0x57: {  	_ =	shalt  }
0x58: {  	_ =	shalt  }
0x59: {  	_ =	shalt  }
0x5a: {  	_ =	shalt  }
0x5b: {  	_ =	shalt  }
0x5c: {  	_ =	shalt  }
0x5d: {  	_ =	shalt  }
0x5e: {  	_ =	shalt  }
0x5f: {  	_ =	shalt  }
0x60: {  	_ =	shalt  }
0x61: {  	_ =	shalt  }
0x62: {  	_ =	shalt  }
0x63: {  	_ =	shalt  }
0x64: {  	_ =	shalt  }
0x65: {  	_ =	shalt  }
0x66: {  	_ =	shalt  }
0x67: {  	_ =	shalt  }
0x68: {  	_ =	shalt  }
0x69: {  	_ =	shalt  }
0x6a: {  	_ =	shalt  }
0x6b: {  	_ =	shalt  }
0x6c: {  	_ =	shalt  }
0x6d: {  	_ =	shalt  }
0x6e: {  	_ =	shalt  }
0x6f: {  	_ =	shalt  }
0x70: {  	_ =	shalt  }
0x71: {  	_ =	shalt  }
0x72: {  	_ =	shalt  }
0x73: {  	_ =	shalt  }
0x74: {  	_ =	shalt  }
0x75: {  	_ =	shalt  }
0x76: {  	_ =	shalt  }
0x77: {  	_ =	shalt  }
0x78: {  	_ =	shalt  }
0x79: {  	_ =	shalt  }
0x7a: {  	_ =	shalt  }
0x7b: {  	_ =	shalt  }
0x7c: {  	_ =	shalt  }
0x7d: {  	_ =	shalt  }
0x7e: {  	_ =	shalt  }
0x7f: {  	_ =	shalt  }
0x80: {  	_ =	shalt  }
0x81: {  	_ =	shalt  }
0x82: {  	_ =	shalt  }
0x83: {  	_ =	shalt  }
0x84: {  	_ =	shalt  }
0x85: {  	_ =	shalt  }
0x86: {  	_ =	shalt  }
0x87: {  	_ =	shalt  }
.Lfunc_end0:
.L_simem_size_0:
called_computation.2_lowered:
.L_overlay_start_0:
0x88: {  	s2 =	sld [smem:$0x3FD9]  }
0x89: {  	s3 =	sld [smem:$0x3FFE];
	_ =	sdelay $0x1  }
0x8a: {  	s1 =	srdreg.scid  }
0x8b: {  	s0 =	sand.u32 $0x1, s1  }
0x8c: {  	s16 =	sshll.u32 s0, $0xA;
	s2 =	sadd.s32 s3, s2  }
0x8d: {  	s2 =	sadd.s32 s2, s16  }
0x8e: {  	[smem:$0x3FBE] =	sst s2  }
0x8f: {  	_ = 	snop  }
0x90: {  	(tm) =	ssettm $0x1  }
0x91: {  	s17 =	sld [smem:$0x3FFB];
	_ =	sdelay $0x3  }
0x92: {  	_ =	strace s17  }
0x93: {  	s2 =	sld [smem:$0x3FFC];
	_ =	sdelay $0x3  }
0x94: {  	_ =	strace s2  }
0x95: {  	s2 =	sld [smem:$0x3FFD];
	_ =	sdelay $0x3  }
0x96: {  	_ =	strace s2  }
0x97: {  	_ =	strace $0x8FFFFFFF  }
0x98: {  	s18 =	sld [smem:$0x3FDB];
	_ =	sdelay $0x1  }
0x99: {  	s19 =	simm.s32 $_scs_section_size  }
0x9a: {  	s4 =	simm.s32 $_size__tile_overlayer_lowered;
	s5 =	simm.s32 $_tile_overlayer_lowered  }
0x9b: {  	s22 =	simm.s32 $0x1BFF;
	s21 =	sshll.u32 s5, $0x1;
	s2 =	sadd.s32 s19, s18  }
0x9c: {  	s6 =	simm.s32 $0x0;
	s20 =	sshll.u32 s4, $0x1;
	s4 =	sadd.s32 s21, s2  }
0x9d: {  	[timem:s6], [sflag:s22] =	dma.local [hbm:s4], s20  }
0x9e: {  	_ =	swait.ge [sflag:s22], s20  }
0x9f: {  	s3 =	ssub.s32 $0x0, s20;
	[sflag:s22] =	ssyncset.done $0x0  }
0xa0: {  	[sflag:s22] =	ssyncadd.s32 s3;
	_ =	sdelay $0x1  }
0xa1: {  	s23 =	simm.s32 $0x1B8B  }
0xa2: {  	_ =	swait.ge [sflag:s23], $0x1  }
0xa3: {  	[sflag:s23] =	ssyncset.done $0x0  }
0xa4: {  	s25 =	simm.s32 $0x1B8E;
	s24 =	sld [smem:$0x3FFE];
	[sflag:s23] =	ssyncadd.s32 $0xFFFFFFFF  }
0xa5: {  	s26 =	simm.s32 $execute0_lowered;
	[smem:$0x3FD2] =	sst s25  }
0xa6: {  	s4 =	sshll.u32 s26, $0x1;
	_ =	strace $0x8000004C;
	[dreg:$0x1] =	wrdreg $0xFFFFFFFF  }
0xa7: {  	s28 =	simm.s32 $_size_execute0_lowered;
	s2 =	sadd.s32 s2, s4;
	[dreg:$0x0] =	wrdreg $0x0  }
0xa8: {  	s4 =	sshll.u32 s28, $0x1;
	[dreg:$0x2] =	wrdreg s2  }
0xa9: {  	[dreg:$0x3] =	wrdreg s4  }
0xaa: {  	[dreg:$0x4] =	wrdreg $0xC0  }
0xab: {  	_ =	task [dreg:s6], $0x5FFFF  }
0xac: {  	[dreg:$0x1] =	wrdreg $0xFFFFFFFF  }
0xad: {  	[dreg:$0x0] =	wrdreg $0x60  }
0xae: {  	[dreg:$0x2] =	wrdreg s24  }
0xaf: {  	[dreg:$0x3] =	wrdreg $0xA8000  }
0xb0: {  	[dreg:$0x4] =	wrdreg $0x9  }
0xb1: {  	_ =	task.clear_ibuf [dreg:s6], $0x5FFFF;
	_ =	strace $0x9000004C  }
0xb2: {  	s29 =	simm.s32 $0x9;
	_ =	strace $0x8000004E  }
0xb3: {  	_ =	swait.ge [sflag:s29], $0x1  }
0xb4: {  	[sflag:s29] =	ssyncadd.s32 $0xFFFFFFFF  }
0xb5: {  	_ =	strace $0x9000004E  }
0xb6: {  	_ =	sfence  }
0xb7: {  	s30 =	sld [smem:$0x0];
	_ =	sdelay $0x2  }
0xb8: {  	s31 =	sshll.u32 s1, $0xD;
	s1 =	sshrl.u32 s1, $0x2  }
0xb9: {  	s3 =	sand.u32 $0x4000, s31;
	s1 =	sadd.s32 s1, s30  }
0xba: {  	s0 =	sor.u32 s3, s0;
	s1 =	sshll.u32 s1, $0x11  }
0xbb: {  	s0 =	sor.u32 s1, s0  }
0xbc: {  	s0 =	sadd.s32 $0x8F2B, s0  }
0xbd: {  	[sflag:s0] =	ssyncadd.remote.s32 $0x1  }
0xbe: {  	_ =	sfence.sel $0xFFFF  }
0xbf: {  	[dreg:$0x0] =	wrdreg $0xFFFFFFFF;
	(pc) =	sbr.abs _section_cstart, $3  }
0xc0: {  	[dreg:$0x1] =	wrdreg $0xFFFFFFFF  }
0xc1: {  	_ =	task.clear_ibuf [dreg:s6], $0x2FFFF;
	_ =	strace $0x9FFFFFFF  }
0xc2: {  	(tm) =	ssettm $0x7FFFFFFF  }
0xc3: {  	_ =	shalt  }
tec
execute0_lowered:
.L_overlay_start_1:
0x0: {  	(tag) =	ssettag $0x1  }
0x1: {  	s0 =	rddreg [dreg:$0x0]  }
0x2: {  	s1 =	rddreg [dreg:$0x1]  }
0x3: {  	s2 =	simm.s32 $0x0;
	s4 =	srdreg.scid;
	s24 =	stileid.u32  }
0x4: {  	s19 =	simm.s32 $0x4;
	s20 =	simm.s32 $0x1400;
	s21 =	simm.s32 $0x3  }
0x5: {  	s22 =	simm.s32 $0x7D;
	s23 =	simm.s32 $0x2800;
	s28 =	simm.s32 $0x2  }
0x6: {  	s29 =	simm.s32 $0x2700;
	s30 =	simm.s32 $0x2780;
	[smem:$0x7FF] =	sst s2  }
0x7: {  	s3 =	sadd.s32 $0xDA00, s0;
	s5 =	sadd.s32 $0x35A00, s0;
	s12 =	sadd.s32 $0x8A00, s0  }
0x8: {  	s9 =	sand.u32 $0x1, s4;
	s13 =	sadd.s32 $0x2E00, s0;
	s11 =	smul.u32 $0x50000, s24  }
0x9: {  	s6 =	sadd.s32 $0x5DA00, s0;
	s7 =	sadd.s32 $0x85A00, s0;
	s31 =	smul.u32 $0x500, s24  }
0xa: {  	_ =	strace $0x8000004D;
	s8 =	ssub.s32 $0x2, s9;
	p0 =	seq.s32 s9, $0x1  }
0xb: {  	s10 =	sshrl.u32 s8, $0x1;
	s26 =	sshrl.u32 s11, $0x2;
	s11 =	sadd.s32 s13, s31  }
0xc: {  	s25 =	ssub.s32 s8, s10;
	s8 =	smul.u32 $0x2800, s24;
	s18 =	sadd.s32 s26, s1  }
.Ltmp0:
0xd: {  	s10 =	sadd.s32 s12, s31;
	s26 =	simm.s32 $0x1;
	(pc) =	sbr.rel .LBB2_1-.Ltmp0, $4  }
0xe: {  	s16 =	smax.u32 s25, $0x1;
	s18 =	sshrl.u32 s18, $0x3;
	s14 =	sshrl.u32 s8, $0x3  }
0xf: {  	s25 =	simm.s32 $0x6800;
	s9 =	sadd.s32 s3, s8;
	s14 =	sadd.s32 $0x280, s14  }
0x10: {  	s12 =	sadd.s32 s12, s14;
	s13 =	sadd.s32 s13, s14;
	s14 =	sshll.u32 s24, $0x6  }
0x11: {  	s15 =	sadd.s32 s5, s8;
	s24 =	simm.s32 $0x80;
	s17 =	sor.u32 $0x1C03, s14  }
.LBB2_11:
0x12: {  	[tilespmem:s25], [sflag:$0x2] =	stream.indirect.gather [hbm4b:s5+s22], $0x80, s0, s22, $0xb8;
	[tilespmem:$0x1E800] =	vst v63  }
0x13: {  	_ =	swait.ge [sflag:s26], $0x3E80  }
0x14: {  	[sflag:s26] =	ssyncset.done $0x0  }
0x15: {  	[sflag:s26] =	ssyncadd.s32 $0xFFFFC180  }
0x16: {  	[spmem:s1] =	stream.indirect.scatter.add.f32 [tilespmem:s23], [sflag:$0x4], $0x80, s29, s22, $0xb8;
	[tilespmem:$0x1E800] =	vst v63  }
0x17: {  	_ =	swait.ge [sflag:s19], $0x3E80  }
0x18: {  	[sflag:s19] =	ssyncset.done $0x0  }
0x19: {  	[sflag:s19] =	ssyncadd.s32 $0xFFFFC180  }
0x1a: {  	_ =	swait.ge [sflag:s28], $0x3E80  }
0x1b: {  	[sflag:s28] =	ssyncset.done $0x0  }
0x1c: {  	s0 =	smov.u32 s7;
	[sflag:s28] =	ssyncadd.s32 $0xFFFFC180  }
0x1d: {  	[spmem:s1] =	stream.indirect.scatter.add.f32 [tilespmem:s25], [sflag:$0x4], $0x80, s30, s22, $0xb8;
	[tilespmem:$0x1E800] =	vst v63  }
.LBB2_12:
0x1e: {  	_ =	swait.ge [sflag:s19], $0x3E80  }
0x1f: {  	s2 =	sadd.s32 $0x1, s2;
	[sflag:s19] =	ssyncset.done $0x0  }
0x20: {  	s0 =	sadd.s32 s0, s8;
	p1 =	sne.s32 s2, s16;
	[sflag:s19] =	ssyncadd.s32 $0xFFFFC180  }
.Ltmp1:
0x21: {  	s4 =	sor.u32 $0x1C04, s14;
	[bflag:$0x0] =	sbarrier.arrive $0xFFFF;
	(pc) =	sbr.rel @!p1 .LBB2_13-.Ltmp1, $4  }
0x22: {  	[hbm:s0], [sflag:s4] =	dma.local [spmem:s18], $0x2800  }
0x23: {  	_ =	swait.ge [sflag:s19], $0x2800  }
0x24: {  	[sflag:s19] =	ssyncset.done $0x0  }
0x25: {  	[sflag:s19] =	ssyncadd.s32 $0xFFFFD800  }
.LBB2_1:
.Ltmp2:
0x26: {  	(pc) =	sbr.rel @!p0 .LBB2_2-.Ltmp2, $1  }
0x27: {  	_ =	sdelay $0x3  }
0x28: {  	[spmem:s18], [sflag:s17] =	dma.local [hbm:s15], $0x2800  }
0x29: {  	s0 =	simm.s32 $0x0  }
0x2a: {  	[tilespmem:s0], [sflag:$0x4] =	stream.linear.gather [hbm4b:s10+s0], $0x1400, $0x38;
	[tilespmem:$0x1E800] =	vst v63  }
0x2b: {  	_ =	swait.ge [sflag:s19], $0x1400  }
0x2c: {  	[sflag:s19] =	ssyncset.done $0x0  }
0x2d: {  	[sflag:s19] =	ssyncadd.s32 $0xFFFFEC00  }
0x2e: {  	[tilespmem:s20], [sflag:$0x4] =	stream.linear.gather [hbm4b:s11+s0], $0x1400, $0x38;
	[tilespmem:$0x1E800] =	vst v63  }
0x2f: {  	_ =	swait.ge [sflag:s19], $0x1400  }
0x30: {  	[sflag:s19] =	ssyncset.done $0x0  }
0x31: {  	[sflag:s19] =	ssyncadd.s32 $0xFFFFEC00  }
0x32: {  	_ =	swait.ge [sflag:s21], $0x2800  }
0x33: {  	[sflag:s21] =	ssyncset.done $0x0  }
0x34: {  	[sflag:s21] =	ssyncadd.s32 $0xFFFFD800  }
0x35: {  	[bflag:$0x0] =	sbarrier.arrive $0xFFFF  }
0x36: {  	[tilespmem:s23], [sflag:$0x1] =	stream.indirect.gather [hbm4b:s5+s22], $0x80, s0, s22, $0xb8;
	[tilespmem:$0x1E800] =	vst v63  }
0x37: {  	_ = 	snop  }
0x38: {  	[tilespmem:s25], [sflag:$0x2] =	stream.indirect.gather [hbm4b:s5+s22], $0x80, s24, s22, $0xb8;
	[tilespmem:$0x1E800] =	vst v63  }
0x39: {  	_ =	swait.ge [sflag:s26], $0x3E80  }
0x3a: {  	[sflag:s26] =	ssyncset.done $0x0  }
0x3b: {  	s4 =	simm.s32 $0x1400;
	[sflag:s26] =	ssyncadd.s32 $0xFFFFC180  }
0x3c: {  	[spmem:s1] =	stream.indirect.scatter.add.f32 [tilespmem:s23], [sflag:$0x4], $0x80, s4, s22, $0xb8;
	[tilespmem:$0x1E800] =	vst v63  }
0x3d: {  	_ =	swait.ge [sflag:s19], $0x3E80  }
0x3e: {  	[sflag:s19] =	ssyncset.done $0x0  }
0x3f: {  	s4 =	simm.s32 $0x100;
	[sflag:s19] =	ssyncadd.s32 $0xFFFFC180  }
0x40: {  	[tilespmem:s23], [sflag:$0x1] =	stream.indirect.gather [hbm4b:s5+s22], $0x80, s4, s22, $0xb8;
	[tilespmem:$0x1E800] =	vst v63  }
0x41: {  	_ =	swait.ge [sflag:s28], $0x3E80  }
0x42: {  	[sflag:s28] =	ssyncset.done $0x0  }
0x43: {  	s4 =	simm.s32 $0x1480;
	[sflag:s28] =	ssyncadd.s32 $0xFFFFC180  }
0x44: {  	[spmem:s1] =	stream.indirect.scatter.add.f32 [tilespmem:s25], [sflag:$0x4], $0x80, s4, s22, $0xb8;
	[tilespmem:$0x1E800] =	vst v63  }
0x45: {  	_ =	swait.ge [sflag:s19], $0x3E80  }
0x46: {  	[sflag:s19] =	ssyncset.done $0x0  }
0x47: {  	s31 =	simm.s32 $0x400;
	s0 =	simm.s32 $0x180;
	[sflag:s19] =	ssyncadd.s32 $0xFFFFC180  }
.LBB2_8:
0x48: {  	[tilespmem:s25], [sflag:$0x2] =	stream.indirect.gather [hbm4b:s5+s22], $0x80, s0, s22, $0xb8;
	[tilespmem:$0x1E800] =	vst v63  }
0x49: {  	s0 =	smov.u32 s31  }
0x4a: {  	p1 =	sne.s32 s31, $0x4800;
	s31 =	sadd.s32 $0x400, s31;
	_ =	swait.ge [sflag:s26], $0x3E80  }
0x4b: {  	s0 =	sshra.s32 s0, $0x2;
	[sflag:s26] =	ssyncset.done $0x0  }
0x4c: {  	s4 =	sadd.s32 $0x1400, s0;
	[sflag:s26] =	ssyncadd.s32 $0xFFFFC180  }
0x4d: {  	[spmem:s1] =	stream.indirect.scatter.add.f32 [tilespmem:s23], [sflag:$0x4], $0x80, s4, s22, $0xb8;
	[tilespmem:$0x1E800] =	vst v63  }
0x4e: {  	_ =	swait.ge [sflag:s19], $0x3E80  }
0x4f: {  	[sflag:s19] =	ssyncset.done $0x0  }
0x50: {  	s4 =	sadd.s32 $0x100, s0;
	[sflag:s19] =	ssyncadd.s32 $0xFFFFC180  }
0x51: {  	[tilespmem:s23], [sflag:$0x1] =	stream.indirect.gather [hbm4b:s5+s22], $0x80, s4, s22, $0xb8;
	[tilespmem:$0x1E800] =	vst v63  }
0x52: {  	_ =	swait.ge [sflag:s28], $0x3E80  }
0x53: {  	[sflag:s28] =	ssyncset.done $0x0  }
.Ltmp3:
0x54: {  	s4 =	sadd.s32 $0x1480, s0;
	[sflag:s28] =	ssyncadd.s32 $0xFFFFC180;
	(pc) =	sbr.rel @p1 .LBB2_8-.Ltmp3, $4  }
0x55: {  	[spmem:s1] =	stream.indirect.scatter.add.f32 [tilespmem:s25], [sflag:$0x4], $0x80, s4, s22, $0xb8;
	[tilespmem:$0x1E800] =	vst v63  }
0x56: {  	_ =	swait.ge [sflag:s19], $0x3E80  }
0x57: {  	[sflag:s19] =	ssyncset.done $0x0  }
0x58: {  	s0 =	sadd.s32 $0x180, s0;
	[sflag:s19] =	ssyncadd.s32 $0xFFFFC180  }
0x59: {  	[tilespmem:s25], [sflag:$0x2] =	stream.indirect.gather [hbm4b:s5+s22], $0x80, s0, s22, $0xb8;
	[tilespmem:$0x1E800] =	vst v63  }
0x5a: {  	_ =	swait.ge [sflag:s26], $0x3E80  }
0x5b: {  	[sflag:s26] =	ssyncset.done $0x0  }
0x5c: {  	[sflag:s26] =	ssyncadd.s32 $0xFFFFC180  }
0x5d: {  	[spmem:s1] =	stream.indirect.scatter.add.f32 [tilespmem:s23], [sflag:$0x4], $0x80, s29, s22, $0xb8;
	[tilespmem:$0x1E800] =	vst v63  }
0x5e: {  	_ =	swait.ge [sflag:s19], $0x3E80  }
0x5f: {  	[sflag:s19] =	ssyncset.done $0x0  }
0x60: {  	[sflag:s19] =	ssyncadd.s32 $0xFFFFC180  }
0x61: {  	_ =	swait.ge [sflag:s28], $0x3E80  }
0x62: {  	[sflag:s28] =	ssyncset.done $0x0  }
0x63: {  	[sflag:s28] =	ssyncadd.s32 $0xFFFFC180  }
0x64: {  	[spmem:s1] =	stream.indirect.scatter.add.f32 [tilespmem:s25], [sflag:$0x4], $0x80, s30, s22, $0xb8;
	[tilespmem:$0x1E800] =	vst v63  }
0x65: {  	_ =	swait.ge [sflag:s19], $0x3E80  }
0x66: {  	[sflag:s19] =	ssyncset.done $0x0  }
0x67: {  	s4 =	simm.s32 $0x0;
	[sflag:s19] =	ssyncadd.s32 $0xFFFFC180  }
0x68: {  	[tilespmem:s4], [sflag:$0x4] =	stream.linear.gather [hbm4b:s12+s4], $0x1400, $0x38;
	[tilespmem:$0x1E800] =	vst v63  }
0x69: {  	_ =	swait.ge [sflag:s19], $0x1400  }
0x6a: {  	[sflag:s19] =	ssyncset.done $0x0  }
0x6b: {  	[sflag:s19] =	ssyncadd.s32 $0xFFFFEC00  }
0x6c: {  	[tilespmem:s20], [sflag:$0x4] =	stream.linear.gather [hbm4b:s13+s4], $0x1400, $0x38;
	[tilespmem:$0x1E800] =	vst v63  }
0x6d: {  	_ =	swait.ge [sflag:s19], $0x1400  }
0x6e: {  	[sflag:s19] =	ssyncset.done $0x0  }
0x6f: {  	[sflag:s19] =	ssyncadd.s32 $0xFFFFEC00  }
0x70: {  	[tilespmem:s23], [sflag:$0x1] =	stream.indirect.gather [hbm4b:s5+s22], $0x80, s4, s22, $0xb8;
	[tilespmem:$0x1E800] =	vst v63  }
0x71: {  	_ = 	snop  }
0x72: {  	[tilespmem:s25], [sflag:$0x2] =	stream.indirect.gather [hbm4b:s5+s22], $0x80, s24, s22, $0xb8;
	[tilespmem:$0x1E800] =	vst v63  }
0x73: {  	_ =	swait.ge [sflag:s26], $0x3E80  }
0x74: {  	[sflag:s26] =	ssyncset.done $0x0  }
0x75: {  	s4 =	simm.s32 $0x1400;
	[sflag:s26] =	ssyncadd.s32 $0xFFFFC180  }
0x76: {  	[spmem:s1] =	stream.indirect.scatter.add.f32 [tilespmem:s23], [sflag:$0x4], $0x80, s4, s22, $0xb8;
	[tilespmem:$0x1E800] =	vst v63  }
0x77: {  	_ =	swait.ge [sflag:s19], $0x3E80  }
0x78: {  	[sflag:s19] =	ssyncset.done $0x0  }
0x79: {  	s4 =	simm.s32 $0x100;
	[sflag:s19] =	ssyncadd.s32 $0xFFFFC180  }
0x7a: {  	[tilespmem:s23], [sflag:$0x1] =	stream.indirect.gather [hbm4b:s5+s22], $0x80, s4, s22, $0xb8;
	[tilespmem:$0x1E800] =	vst v63  }
0x7b: {  	_ =	swait.ge [sflag:s28], $0x3E80  }
0x7c: {  	[sflag:s28] =	ssyncset.done $0x0  }
0x7d: {  	s4 =	simm.s32 $0x1480;
	[sflag:s28] =	ssyncadd.s32 $0xFFFFC180  }
0x7e: {  	[spmem:s1] =	stream.indirect.scatter.add.f32 [tilespmem:s25], [sflag:$0x4], $0x80, s4, s22, $0xb8;
	[tilespmem:$0x1E800] =	vst v63  }
0x7f: {  	_ =	swait.ge [sflag:s19], $0x3E80  }
0x80: {  	[sflag:s19] =	ssyncset.done $0x0  }
0x81: {  	s31 =	simm.s32 $0x400;
	s0 =	simm.s32 $0x180;
	[sflag:s19] =	ssyncadd.s32 $0xFFFFC180  }
.LBB2_10:
0x82: {  	[tilespmem:s25], [sflag:$0x2] =	stream.indirect.gather [hbm4b:s5+s22], $0x80, s0, s22, $0xb8;
	[tilespmem:$0x1E800] =	vst v63  }
0x83: {  	s0 =	smov.u32 s31  }
0x84: {  	p1 =	sne.s32 s31, $0x4800;
	s31 =	sadd.s32 $0x400, s31;
	_ =	swait.ge [sflag:s26], $0x3E80  }
0x85: {  	s0 =	sshra.s32 s0, $0x2;
	[sflag:s26] =	ssyncset.done $0x0  }
0x86: {  	s4 =	sadd.s32 $0x1400, s0;
	[sflag:s26] =	ssyncadd.s32 $0xFFFFC180  }
0x87: {  	[spmem:s1] =	stream.indirect.scatter.add.f32 [tilespmem:s23], [sflag:$0x4], $0x80, s4, s22, $0xb8;
	[tilespmem:$0x1E800] =	vst v63  }
0x88: {  	_ =	swait.ge [sflag:s19], $0x3E80  }
0x89: {  	[sflag:s19] =	ssyncset.done $0x0  }
0x8a: {  	s4 =	sadd.s32 $0x100, s0;
	[sflag:s19] =	ssyncadd.s32 $0xFFFFC180  }
0x8b: {  	[tilespmem:s23], [sflag:$0x1] =	stream.indirect.gather [hbm4b:s5+s22], $0x80, s4, s22, $0xb8;
	[tilespmem:$0x1E800] =	vst v63  }
0x8c: {  	_ =	swait.ge [sflag:s28], $0x3E80  }
0x8d: {  	[sflag:s28] =	ssyncset.done $0x0  }
.Ltmp4:
0x8e: {  	s4 =	sadd.s32 $0x1480, s0;
	[sflag:s28] =	ssyncadd.s32 $0xFFFFC180;
	(pc) =	sbr.rel @p1 .LBB2_10-.Ltmp4, $4  }
0x8f: {  	[spmem:s1] =	stream.indirect.scatter.add.f32 [tilespmem:s25], [sflag:$0x4], $0x80, s4, s22, $0xb8;
	[tilespmem:$0x1E800] =	vst v63  }
0x90: {  	_ =	swait.ge [sflag:s19], $0x3E80  }
0x91: {  	[sflag:s19] =	ssyncset.done $0x0  }
0x92: {  	s0 =	sadd.s32 $0x180, s0;
	[sflag:s19] =	ssyncadd.s32 $0xFFFFC180  }
.Ltmp5:
0x93: {  	_ = 	snop;
	(pc) =	sbr.rel .LBB2_11-.Ltmp5, $1  }
0x94: {  	_ =	sdelay $0x3  }
.LBB2_2:
0x95: {  	[spmem:s18], [sflag:s17] =	dma.local [hbm:s9], $0x2800  }
0x96: {  	s0 =	simm.s32 $0x0  }
0x97: {  	[tilespmem:s0], [sflag:$0x4] =	stream.linear.gather [hbm4b:s10+s0], $0x1400, $0x38;
	[tilespmem:$0x1E800] =	vst v63  }
0x98: {  	_ =	swait.ge [sflag:s19], $0x1400  }
0x99: {  	[sflag:s19] =	ssyncset.done $0x0  }
0x9a: {  	[sflag:s19] =	ssyncadd.s32 $0xFFFFEC00  }
0x9b: {  	[tilespmem:s20], [sflag:$0x4] =	stream.linear.gather [hbm4b:s11+s0], $0x1400, $0x38;
	[tilespmem:$0x1E800] =	vst v63  }
0x9c: {  	_ =	swait.ge [sflag:s19], $0x1400  }
0x9d: {  	[sflag:s19] =	ssyncset.done $0x0  }
0x9e: {  	[sflag:s19] =	ssyncadd.s32 $0xFFFFEC00  }
0x9f: {  	_ =	swait.ge [sflag:s21], $0x2800  }
0xa0: {  	[sflag:s21] =	ssyncset.done $0x0  }
0xa1: {  	[sflag:s21] =	ssyncadd.s32 $0xFFFFD800  }
0xa2: {  	[bflag:$0x0] =	sbarrier.arrive $0xFFFF  }
0xa3: {  	[tilespmem:s23], [sflag:$0x1] =	stream.indirect.gather [hbm4b:s3+s22], $0x80, s0, s22, $0xb8;
	[tilespmem:$0x1E800] =	vst v63  }
0xa4: {  	_ = 	snop  }
0xa5: {  	[tilespmem:s25], [sflag:$0x2] =	stream.indirect.gather [hbm4b:s3+s22], $0x80, s24, s22, $0xb8;
	[tilespmem:$0x1E800] =	vst v63  }
0xa6: {  	_ =	swait.ge [sflag:s26], $0x3E80  }
0xa7: {  	[sflag:s26] =	ssyncset.done $0x0  }
0xa8: {  	s4 =	simm.s32 $0x1400;
	[sflag:s26] =	ssyncadd.s32 $0xFFFFC180  }
0xa9: {  	[spmem:s1] =	stream.indirect.scatter.add.f32 [tilespmem:s23], [sflag:$0x4], $0x80, s4, s22, $0xb8;
	[tilespmem:$0x1E800] =	vst v63  }
0xaa: {  	_ =	swait.ge [sflag:s19], $0x3E80  }
0xab: {  	[sflag:s19] =	ssyncset.done $0x0  }
0xac: {  	s4 =	simm.s32 $0x100;
	[sflag:s19] =	ssyncadd.s32 $0xFFFFC180  }
0xad: {  	[tilespmem:s23], [sflag:$0x1] =	stream.indirect.gather [hbm4b:s3+s22], $0x80, s4, s22, $0xb8;
	[tilespmem:$0x1E800] =	vst v63  }
0xae: {  	_ =	swait.ge [sflag:s28], $0x3E80  }
0xaf: {  	[sflag:s28] =	ssyncset.done $0x0  }
0xb0: {  	s4 =	simm.s32 $0x1480;
	[sflag:s28] =	ssyncadd.s32 $0xFFFFC180  }
0xb1: {  	[spmem:s1] =	stream.indirect.scatter.add.f32 [tilespmem:s25], [sflag:$0x4], $0x80, s4, s22, $0xb8;
	[tilespmem:$0x1E800] =	vst v63  }
0xb2: {  	_ =	swait.ge [sflag:s19], $0x3E80  }
0xb3: {  	[sflag:s19] =	ssyncset.done $0x0  }
0xb4: {  	s31 =	simm.s32 $0x400;
	s0 =	simm.s32 $0x180;
	[sflag:s19] =	ssyncadd.s32 $0xFFFFC180  }
.LBB2_3:
0xb5: {  	[tilespmem:s25], [sflag:$0x2] =	stream.indirect.gather [hbm4b:s3+s22], $0x80, s0, s22, $0xb8;
	[tilespmem:$0x1E800] =	vst v63  }
0xb6: {  	s0 =	smov.u32 s31  }
0xb7: {  	p1 =	sne.s32 s31, $0x4800;
	s31 =	sadd.s32 $0x400, s31;
	_ =	swait.ge [sflag:s26], $0x3E80  }
0xb8: {  	s0 =	sshra.s32 s0, $0x2;
	[sflag:s26] =	ssyncset.done $0x0  }
0xb9: {  	s4 =	sadd.s32 $0x1400, s0;
	[sflag:s26] =	ssyncadd.s32 $0xFFFFC180  }
0xba: {  	[spmem:s1] =	stream.indirect.scatter.add.f32 [tilespmem:s23], [sflag:$0x4], $0x80, s4, s22, $0xb8;
	[tilespmem:$0x1E800] =	vst v63  }
0xbb: {  	_ =	swait.ge [sflag:s19], $0x3E80  }
0xbc: {  	[sflag:s19] =	ssyncset.done $0x0  }
0xbd: {  	s4 =	sadd.s32 $0x100, s0;
	[sflag:s19] =	ssyncadd.s32 $0xFFFFC180  }
0xbe: {  	[tilespmem:s23], [sflag:$0x1] =	stream.indirect.gather [hbm4b:s3+s22], $0x80, s4, s22, $0xb8;
	[tilespmem:$0x1E800] =	vst v63  }
0xbf: {  	_ =	swait.ge [sflag:s28], $0x3E80  }
0xc0: {  	[sflag:s28] =	ssyncset.done $0x0  }
.Ltmp6:
0xc1: {  	s4 =	sadd.s32 $0x1480, s0;
	[sflag:s28] =	ssyncadd.s32 $0xFFFFC180;
	(pc) =	sbr.rel @p1 .LBB2_3-.Ltmp6, $4  }
0xc2: {  	[spmem:s1] =	stream.indirect.scatter.add.f32 [tilespmem:s25], [sflag:$0x4], $0x80, s4, s22, $0xb8;
	[tilespmem:$0x1E800] =	vst v63  }
0xc3: {  	_ =	swait.ge [sflag:s19], $0x3E80  }
0xc4: {  	[sflag:s19] =	ssyncset.done $0x0  }
0xc5: {  	s0 =	sadd.s32 $0x180, s0;
	[sflag:s19] =	ssyncadd.s32 $0xFFFFC180  }
0xc6: {  	[tilespmem:s25], [sflag:$0x2] =	stream.indirect.gather [hbm4b:s3+s22], $0x80, s0, s22, $0xb8;
	[tilespmem:$0x1E800] =	vst v63  }
0xc7: {  	_ =	swait.ge [sflag:s26], $0x3E80  }
0xc8: {  	[sflag:s26] =	ssyncset.done $0x0  }
0xc9: {  	[sflag:s26] =	ssyncadd.s32 $0xFFFFC180  }
0xca: {  	[spmem:s1] =	stream.indirect.scatter.add.f32 [tilespmem:s23], [sflag:$0x4], $0x80, s29, s22, $0xb8;
	[tilespmem:$0x1E800] =	vst v63  }
0xcb: {  	_ =	swait.ge [sflag:s19], $0x3E80  }
0xcc: {  	[sflag:s19] =	ssyncset.done $0x0  }
0xcd: {  	[sflag:s19] =	ssyncadd.s32 $0xFFFFC180  }
0xce: {  	_ =	swait.ge [sflag:s28], $0x3E80  }
0xcf: {  	[sflag:s28] =	ssyncset.done $0x0  }
0xd0: {  	[sflag:s28] =	ssyncadd.s32 $0xFFFFC180  }
0xd1: {  	[spmem:s1] =	stream.indirect.scatter.add.f32 [tilespmem:s25], [sflag:$0x4], $0x80, s30, s22, $0xb8;
	[tilespmem:$0x1E800] =	vst v63  }
0xd2: {  	_ =	swait.ge [sflag:s19], $0x3E80  }
0xd3: {  	[sflag:s19] =	ssyncset.done $0x0  }
0xd4: {  	s4 =	simm.s32 $0x0;
	[sflag:s19] =	ssyncadd.s32 $0xFFFFC180  }
0xd5: {  	[tilespmem:s4], [sflag:$0x4] =	stream.linear.gather [hbm4b:s12+s4], $0x1400, $0x38;
	[tilespmem:$0x1E800] =	vst v63  }
0xd6: {  	_ =	swait.ge [sflag:s19], $0x1400  }
0xd7: {  	[sflag:s19] =	ssyncset.done $0x0  }
0xd8: {  	[sflag:s19] =	ssyncadd.s32 $0xFFFFEC00  }
0xd9: {  	[tilespmem:s20], [sflag:$0x4] =	stream.linear.gather [hbm4b:s13+s4], $0x1400, $0x38;
	[tilespmem:$0x1E800] =	vst v63  }
0xda: {  	_ =	swait.ge [sflag:s19], $0x1400  }
0xdb: {  	[sflag:s19] =	ssyncset.done $0x0  }
0xdc: {  	[sflag:s19] =	ssyncadd.s32 $0xFFFFEC00  }
0xdd: {  	[tilespmem:s23], [sflag:$0x1] =	stream.indirect.gather [hbm4b:s3+s22], $0x80, s4, s22, $0xb8;
	[tilespmem:$0x1E800] =	vst v63  }
0xde: {  	_ = 	snop  }
0xdf: {  	[tilespmem:s25], [sflag:$0x2] =	stream.indirect.gather [hbm4b:s3+s22], $0x80, s24, s22, $0xb8;
	[tilespmem:$0x1E800] =	vst v63  }
0xe0: {  	_ =	swait.ge [sflag:s26], $0x3E80  }
0xe1: {  	[sflag:s26] =	ssyncset.done $0x0  }
0xe2: {  	s4 =	simm.s32 $0x1400;
	[sflag:s26] =	ssyncadd.s32 $0xFFFFC180  }
0xe3: {  	[spmem:s1] =	stream.indirect.scatter.add.f32 [tilespmem:s23], [sflag:$0x4], $0x80, s4, s22, $0xb8;
	[tilespmem:$0x1E800] =	vst v63  }
0xe4: {  	_ =	swait.ge [sflag:s19], $0x3E80  }
0xe5: {  	[sflag:s19] =	ssyncset.done $0x0  }
0xe6: {  	s4 =	simm.s32 $0x100;
	[sflag:s19] =	ssyncadd.s32 $0xFFFFC180  }
0xe7: {  	[tilespmem:s23], [sflag:$0x1] =	stream.indirect.gather [hbm4b:s3+s22], $0x80, s4, s22, $0xb8;
	[tilespmem:$0x1E800] =	vst v63  }
0xe8: {  	_ =	swait.ge [sflag:s28], $0x3E80  }
0xe9: {  	[sflag:s28] =	ssyncset.done $0x0  }
0xea: {  	s4 =	simm.s32 $0x1480;
	[sflag:s28] =	ssyncadd.s32 $0xFFFFC180  }
0xeb: {  	[spmem:s1] =	stream.indirect.scatter.add.f32 [tilespmem:s25], [sflag:$0x4], $0x80, s4, s22, $0xb8;
	[tilespmem:$0x1E800] =	vst v63  }
0xec: {  	_ =	swait.ge [sflag:s19], $0x3E80  }
0xed: {  	[sflag:s19] =	ssyncset.done $0x0  }
0xee: {  	s31 =	simm.s32 $0x400;
	s0 =	simm.s32 $0x180;
	[sflag:s19] =	ssyncadd.s32 $0xFFFFC180  }
.LBB2_5:
0xef: {  	[tilespmem:s25], [sflag:$0x2] =	stream.indirect.gather [hbm4b:s3+s22], $0x80, s0, s22, $0xb8;
	[tilespmem:$0x1E800] =	vst v63  }
0xf0: {  	s0 =	smov.u32 s31  }
0xf1: {  	p1 =	sne.s32 s31, $0x4800;
	s31 =	sadd.s32 $0x400, s31;
	_ =	swait.ge [sflag:s26], $0x3E80  }
0xf2: {  	s0 =	sshra.s32 s0, $0x2;
	[sflag:s26] =	ssyncset.done $0x0  }
0xf3: {  	s4 =	sadd.s32 $0x1400, s0;
	[sflag:s26] =	ssyncadd.s32 $0xFFFFC180  }
0xf4: {  	[spmem:s1] =	stream.indirect.scatter.add.f32 [tilespmem:s23], [sflag:$0x4], $0x80, s4, s22, $0xb8;
	[tilespmem:$0x1E800] =	vst v63  }
0xf5: {  	_ =	swait.ge [sflag:s19], $0x3E80  }
0xf6: {  	[sflag:s19] =	ssyncset.done $0x0  }
0xf7: {  	s4 =	sadd.s32 $0x100, s0;
	[sflag:s19] =	ssyncadd.s32 $0xFFFFC180  }
0xf8: {  	[tilespmem:s23], [sflag:$0x1] =	stream.indirect.gather [hbm4b:s3+s22], $0x80, s4, s22, $0xb8;
	[tilespmem:$0x1E800] =	vst v63  }
0xf9: {  	_ =	swait.ge [sflag:s28], $0x3E80  }
0xfa: {  	[sflag:s28] =	ssyncset.done $0x0  }
.Ltmp7:
0xfb: {  	s4 =	sadd.s32 $0x1480, s0;
	[sflag:s28] =	ssyncadd.s32 $0xFFFFC180;
	(pc) =	sbr.rel @p1 .LBB2_5-.Ltmp7, $4  }
0xfc: {  	[spmem:s1] =	stream.indirect.scatter.add.f32 [tilespmem:s25], [sflag:$0x4], $0x80, s4, s22, $0xb8;
	[tilespmem:$0x1E800] =	vst v63  }
0xfd: {  	_ =	swait.ge [sflag:s19], $0x3E80  }
0xfe: {  	[sflag:s19] =	ssyncset.done $0x0  }
0xff: {  	s0 =	sadd.s32 $0x180, s0;
	[sflag:s19] =	ssyncadd.s32 $0xFFFFC180  }
0x100: {  	[tilespmem:s25], [sflag:$0x2] =	stream.indirect.gather [hbm4b:s3+s22], $0x80, s0, s22, $0xb8;
	[tilespmem:$0x1E800] =	vst v63  }
0x101: {  	_ =	swait.ge [sflag:s26], $0x3E80  }
0x102: {  	[sflag:s26] =	ssyncset.done $0x0  }
0x103: {  	[sflag:s26] =	ssyncadd.s32 $0xFFFFC180  }
0x104: {  	[spmem:s1] =	stream.indirect.scatter.add.f32 [tilespmem:s23], [sflag:$0x4], $0x80, s29, s22, $0xb8;
	[tilespmem:$0x1E800] =	vst v63  }
0x105: {  	_ =	swait.ge [sflag:s19], $0x3E80  }
0x106: {  	[sflag:s19] =	ssyncset.done $0x0  }
.Ltmp8:
0x107: {  	[sflag:s19] =	ssyncadd.s32 $0xFFFFC180;
	(pc) =	sbr.rel .LBB2_12-.Ltmp8, $4  }
0x108: {  	_ =	swait.ge [sflag:s28], $0x3E80  }
0x109: {  	[sflag:s28] =	ssyncset.done $0x0  }
0x10a: {  	s0 =	smov.u32 s6;
	[sflag:s28] =	ssyncadd.s32 $0xFFFFC180  }
0x10b: {  	[spmem:s1] =	stream.indirect.scatter.add.f32 [tilespmem:s25], [sflag:$0x4], $0x80, s30, s22, $0xb8;
	[tilespmem:$0x1E800] =	vst v63  }
.LBB2_13:
0x10c: {  	_ =	sfence.sel $0x180000  }
0x10d: {  	[bflag:$0x0] =	sbarrier.arrive $0xFFFF  }
0x10e: {  	_ =	strace $0x9000004D  }
0x10f: {  	s0 =	stileid.u32;
	[bflag:$0x2] =	sbarrier.arrive $0xFFFF  }
0x110: {  	p0 =	sne.s32 s0, $0x0;
	s0 =	rddreg [dreg:$0x2]  }
0x111: {  	s0 =	sadd.s32 @!p0 $0x100000, s0  }
0x112: {  	[sflag:s0] =	ssyncadd.tile.s32 @!p0 $0x1;
	_ =	shalt  }
.Lfunc_end2:
_tile_overlayer_lowered:
.L_overlay_start_2:
0x113: {  	(tag) =	ssettag $0x2  }
0x114: {  	s0 =	rddreg [dreg:$0x0];
	s2 =	stileid.u32  }
0x115: {  	s1 =	rddreg [dreg:$0x1];
	p0 =	sne.s32 s2, $0x0  }
0x116: {  	s3 =	rddreg [dreg:$0x2];
	[bflag:$0x3] =	sbarrier.arrive $0xFFFF;
	s2 =	simm.s32 @!p0 $0x1C04  }
0x117: {  	[timem:s3], [sflag:s2] =	dma.local @!p0 [hbm:s0], s1  }
0x118: {  	s0 =	simm.s32 @!p0 $0x4  }
0x119: {  	_ =	swait.ge @!p0 [sflag:s0], s1  }
0x11a: {  	s1 =	ssub.s32 @!p0 $0x0, s1;
	[sflag:s0] =	ssyncset.done @!p0 $0x0  }
0x11b: {  	[sflag:s0] =	ssyncadd.s32 @!p0 s1  }
0x11c: {  	[bflag:$0x3] =	sbarrier.arrive $0xFFFF  }
0x11d: {  	_ =	shalt  }

// kernel: kernel.8.cloned.1.call-start
scs
__scs_entry_jumppad:
0x0: {  	(pc) =	sbr.rel $0x88, $3  }
0x1: {  	(tag) =	ssettag $0x0;
	lr =	simm.s32 $0x1  }
0x2: {  	[smem:$0x3F97] =	sst lr;
	_ =	strace $0xD0000000  }
0x3: {  	_ = 	snop  }
0x4: {  	_ = 	snop  }
0x5: {  	_ = 	snop  }
0x6: {  	_ = 	snop  }
0x7: {  	_ = 	snop  }
__scs_overlays_trampoline_lowered:
0x8: {  	[smem:$0x3FA6] =	sst s0  }
0x9: {  	[smem:$0x3FA7] =	sst s1  }
0xa: {  	[smem:$0x3FA8] =	sst s2  }
0xb: {  	[smem:$0x3FA9] =	sst s3  }
0xc: {  	[smem:$0x3FAA] =	sst s4  }
0xd: {  	[smem:$0x3FAB] =	sst s5  }
0xe: {  	[smem:$0x3FAC] =	sst s6  }
0xf: {  	[smem:$0x3FAD] =	sst s7  }
0x10: {  	[smem:$0x3FAE] =	sst s8  }
0x11: {  	[smem:$0x3FAF] =	sst s9;
	s0 =	simm.s32 @!p0 $0x0  }
0x12: {  	s1 =	sld [smem:$0x3F95];
	s0 =	simm.s32 @p0 $0x1  }
0x13: {  	[smem:$0x3FB0] =	sst s0;
	s0 =	simm.s32 @!p1 $0x0  }
0x14: {  	s2 =	sld [smem:$0x3F94];
	s0 =	simm.s32 @p1 $0x1  }
0x15: {  	[smem:$0x3FB1] =	sst s0;
	s0 =	simm.s32 @!p2 $0x0  }
0x16: {  	s3 =	sld [smem:$0x3FDB];
	s0 =	simm.s32 @p2 $0x1  }
0x17: {  	s4 =	simm.s32 $0x1BF5;
	[smem:$0x3FB3] =	sst s0  }
0x18: {  	s0 =	sld [smem:$0x3F96];
	_ =	swait.ge [sflag:s4], $0x0  }
0x19: {  	s7 =	sld [smem:$0x3F97]  }
0x1a: {  	s8 =	sadd.s32 $0xFFFFE003, lr  }
0x1b: {  	s9 =	sadd.s32 $0xFFFFFEF7, lr;
	s5 =	simm.s32 $0xFFFFFFFF;
	p2 =	slt.u32 s8, $0xFFFFF086  }
0x1c: {  	p1 =	slt.u32 s9, $0xF7A;
	s5 =	simm.s32 @!p2 $0x0  }
0x1d: {  	s5 =	simm.s32 @p1 $0x1;
	p0 =	seq.s32 s7, s2  }
0x1e: {  	s7 =	smul.u32 @!p0 $0xF7A, s2;
	p2 =	seq.s32 @!p0 s5, $0x0  }
0x1f: {  	s9 =	smul.u32 $0xF7A, s1;
	s8 =	simm.s32 @!p0 $0x1BF5;
	p2 =	por !p2, p0  }
0x20: {  	[sflag:s8] =	ssyncset.s32 @!p0 $0xFFFFF086;
	s6 =	sadd.s32 @!p0 s3, s7;
	s7 =	simm.s32 @!p0 $0x108  }
0x21: {  	s3 =	sadd.s32 s3, s9;
	s6 =	sadd.s32 @!p0 $0x88, s6;
	s7 =	simm.s32 @p2 $0x1082  }
0x22: {  	[simem:s7], [sflag:s8] =	dma.local @!p0 [hbm:s6], $0xF7A  }
0x23: {  	s9 =	sor.u32 $0xD0000000, s2;
	s6 =	simm.s32 $0x108;
	_ =	swait.ge @!p0 [sflag:s8], $0x0  }
0x24: {  	s3 =	sadd.s32 $0x88, s3;
	s6 =	simm.s32 @!p1 $0x1082;
	[sflag:s4] =	ssyncset.s32 $0xFFFFF086  }
0x25: {  	[simem:s6], [sflag:s4] =	dma.local [hbm:s3], $0xF7A  }
0x26: {  	[smem:$0x3F97] =	sst s1;
	(tag) =	ssettag s2;
	_ =	strace s9  }
0x27: {  	s1 =	sld [smem:$0x3FA7]  }
0x28: {  	s2 =	sld [smem:$0x3FA8]  }
0x29: {  	s4 =	sld [smem:$0x3FAA]  }
0x2a: {  	p0 =	seq.s32 s5, $0x0;
	s5 =	sld [smem:$0x3FAB]  }
0x2b: {  	s6 =	sld [smem:$0x3FAC]  }
0x2c: {  	s7 =	sld [smem:$0x3FAD]  }
0x2d: {  	s3 =	simm.s32 $0x108;
	s8 =	sld [smem:$0x3FAE]  }
0x2e: {  	s3 =	simm.s32 @!p0 $0x1082;
	s9 =	sld [smem:$0x3FAF]  }
0x2f: {  	lr =	sadd.s32 s0, s3;
	s0 =	sld [smem:$0x3FA6]  }
0x30: {  	s3 =	sld [smem:$0x3FA9]  }
0x31: {  	[smem:$0x3FB2] =	sst s10  }
0x32: {  	s10 =	sld [smem:$0x3FB0];
	_ =	sdelay $0x3  }
0x33: {  	p0 =	seq.s32 s10, $0x1;
	s10 =	sld [smem:$0x3FB2];
	_ =	sdelay $0x3  }
0x34: {  	[smem:$0x3FB2] =	sst s10  }
0x35: {  	s10 =	sld [smem:$0x3FB1];
	_ =	sdelay $0x3  }
0x36: {  	p1 =	seq.s32 s10, $0x1;
	s10 =	sld [smem:$0x3FB2];
	_ =	sdelay $0x3  }
0x37: {  	[smem:$0x3FB2] =	sst s10  }
0x38: {  	s10 =	sld [smem:$0x3FB3]  }
0x39: {  	_ = 	snop;
	(pc) =	sbr.ind lr, $3  }
0x3a: {  	_ = 	snop  }
0x3b: {  	_ = 	snop  }
0x3c: {  	p2 =	seq.s32 s10, $0x1;
	s10 =	sld [smem:$0x3FB2]  }
0x3d: {  	_ =	shalt  }
0x3e: {  	_ =	shalt  }
0x3f: {  	_ =	shalt  }
0x40: {  	_ =	shalt  }
0x41: {  	_ =	shalt  }
0x42: {  	_ =	shalt  }
0x43: {  	_ =	shalt  }
0x44: {  	_ =	shalt  }
0x45: {  	_ =	shalt  }
0x46: {  	_ =	shalt  }
0x47: {  	_ =	shalt  }
0x48: {  	_ =	shalt  }
0x49: {  	_ =	shalt  }
0x4a: {  	_ =	shalt  }
0x4b: {  	_ =	shalt  }
0x4c: {  	_ =	shalt  }
0x4d: {  	_ =	shalt  }
0x4e: {  	_ =	shalt  }
0x4f: {  	_ =	shalt  }
0x50: {  	_ =	shalt  }
0x51: {  	_ =	shalt  }
0x52: {  	_ =	shalt  }
0x53: {  	_ =	shalt  }
0x54: {  	_ =	shalt  }
0x55: {  	_ =	shalt  }
0x56: {  	_ =	shalt  }
0x57: {  	_ =	shalt  }
0x58: {  	_ =	shalt  }
0x59: {  	_ =	shalt  }
0x5a: {  	_ =	shalt  }
0x5b: {  	_ =	shalt  }
0x5c: {  	_ =	shalt  }
0x5d: {  	_ =	shalt  }
0x5e: {  	_ =	shalt  }
0x5f: {  	_ =	shalt  }
0x60: {  	_ =	shalt  }
0x61: {  	_ =	shalt  }
0x62: {  	_ =	shalt  }
0x63: {  	_ =	shalt  }
0x64: {  	_ =	shalt  }
0x65: {  	_ =	shalt  }
0x66: {  	_ =	shalt  }
0x67: {  	_ =	shalt  }
0x68: {  	_ =	shalt  }
0x69: {  	_ =	shalt  }
0x6a: {  	_ =	shalt  }
0x6b: {  	_ =	shalt  }
0x6c: {  	_ =	shalt  }
0x6d: {  	_ =	shalt  }
0x6e: {  	_ =	shalt  }
0x6f: {  	_ =	shalt  }
0x70: {  	_ =	shalt  }
0x71: {  	_ =	shalt  }
0x72: {  	_ =	shalt  }
0x73: {  	_ =	shalt  }
0x74: {  	_ =	shalt  }
0x75: {  	_ =	shalt  }
0x76: {  	_ =	shalt  }
0x77: {  	_ =	shalt  }
0x78: {  	_ =	shalt  }
0x79: {  	_ =	shalt  }
0x7a: {  	_ =	shalt  }
0x7b: {  	_ =	shalt  }
0x7c: {  	_ =	shalt  }
0x7d: {  	_ =	shalt  }
0x7e: {  	_ =	shalt  }
0x7f: {  	_ =	shalt  }
0x80: {  	_ =	shalt  }
0x81: {  	_ =	shalt  }
0x82: {  	_ =	shalt  }
0x83: {  	_ =	shalt  }
0x84: {  	_ =	shalt  }
0x85: {  	_ =	shalt  }
0x86: {  	_ =	shalt  }
0x87: {  	_ =	shalt  }
.Lfunc_end0:
.L_simem_size_0:
called_computation_lowered:
.L_overlay_start_0:
0x88: {  	s2 =	sld [smem:$0x3FD9]  }
0x89: {  	s3 =	sld [smem:$0x3FFE];
	_ =	sdelay $0x1  }
0x8a: {  	s1 =	srdreg.scid  }
0x8b: {  	s0 =	sand.u32 $0x1, s1  }
0x8c: {  	s16 =	sshll.u32 s0, $0xA;
	s2 =	sadd.s32 s3, s2  }
0x8d: {  	s2 =	sadd.s32 s2, s16  }
0x8e: {  	[smem:$0x3FBE] =	sst s2  }
0x8f: {  	_ = 	snop  }
0x90: {  	(tm) =	ssettm $0x1  }
0x91: {  	s17 =	sld [smem:$0x3FFB];
	_ =	sdelay $0x3  }
0x92: {  	_ =	strace s17  }
0x93: {  	s2 =	sld [smem:$0x3FFC];
	_ =	sdelay $0x3  }
0x94: {  	_ =	strace s2  }
0x95: {  	s2 =	sld [smem:$0x3FFD];
	_ =	sdelay $0x3  }
0x96: {  	_ =	strace s2  }
0x97: {  	_ =	strace $0x8FFFFFFF  }
0x98: {  	s18 =	sld [smem:$0x3FDB];
	_ =	sdelay $0x1  }
0x99: {  	s19 =	simm.s32 $_scs_section_size  }
0x9a: {  	s4 =	simm.s32 $_size__tile_overlayer_lowered;
	s5 =	simm.s32 $_tile_overlayer_lowered  }
0x9b: {  	s22 =	simm.s32 $0x1BFF;
	s21 =	sshll.u32 s5, $0x1;
	s2 =	sadd.s32 s19, s18  }
0x9c: {  	s6 =	simm.s32 $0x0;
	s20 =	sshll.u32 s4, $0x1;
	s4 =	sadd.s32 s21, s2  }
0x9d: {  	[timem:s6], [sflag:s22] =	dma.local [hbm:s4], s20  }
0x9e: {  	_ =	swait.ge [sflag:s22], s20  }
0x9f: {  	s3 =	ssub.s32 $0x0, s20;
	[sflag:s22] =	ssyncset.done $0x0  }
0xa0: {  	[sflag:s22] =	ssyncadd.s32 s3;
	_ =	sdelay $0x1  }
0xa1: {  	s23 =	simm.s32 $0x1B8B  }
0xa2: {  	_ =	swait.ge [sflag:s23], $0x1  }
0xa3: {  	[sflag:s23] =	ssyncset.done $0x0  }
0xa4: {  	s25 =	simm.s32 $0x1B8E;
	s24 =	sld [smem:$0x3FFE];
	[sflag:s23] =	ssyncadd.s32 $0xFFFFFFFF  }
0xa5: {  	s26 =	simm.s32 $execute0_lowered;
	[smem:$0x3FD2] =	sst s25  }
0xa6: {  	s4 =	sshll.u32 s26, $0x1;
	_ =	strace $0x80000046;
	[dreg:$0x1] =	wrdreg $0xFFFFFFFF  }
0xa7: {  	s28 =	simm.s32 $_size_execute0_lowered;
	s2 =	sadd.s32 s2, s4;
	[dreg:$0x0] =	wrdreg $0x0  }
0xa8: {  	s4 =	sshll.u32 s28, $0x1;
	[dreg:$0x2] =	wrdreg s2  }
0xa9: {  	[dreg:$0x3] =	wrdreg s4  }
0xaa: {  	[dreg:$0x4] =	wrdreg $0xC0  }
0xab: {  	_ =	task [dreg:s6], $0x5FFFF  }
0xac: {  	[dreg:$0x1] =	wrdreg $0xFFFFFFFF  }
0xad: {  	[dreg:$0x0] =	wrdreg $0x60  }
0xae: {  	[dreg:$0x2] =	wrdreg s24  }
0xaf: {  	[dreg:$0x3] =	wrdreg $0x17000  }
0xb0: {  	[dreg:$0x4] =	wrdreg $0x9  }
0xb1: {  	_ =	task.clear_ibuf [dreg:s6], $0x5FFFF;
	_ =	strace $0x90000046  }
0xb2: {  	s29 =	simm.s32 $0x9;
	_ =	strace $0x80000048  }
0xb3: {  	_ =	swait.ge [sflag:s29], $0x1  }
0xb4: {  	[sflag:s29] =	ssyncadd.s32 $0xFFFFFFFF  }
0xb5: {  	_ =	strace $0x90000048  }
0xb6: {  	_ =	sfence  }
0xb7: {  	s30 =	sld [smem:$0x0];
	_ =	sdelay $0x2  }
0xb8: {  	s31 =	sshll.u32 s1, $0xD;
	s1 =	sshrl.u32 s1, $0x2  }
0xb9: {  	s3 =	sand.u32 $0x4000, s31;
	s1 =	sadd.s32 s1, s30  }
0xba: {  	s0 =	sor.u32 s3, s0;
	s1 =	sshll.u32 s1, $0x11  }
0xbb: {  	s0 =	sor.u32 s1, s0  }
0xbc: {  	s0 =	sadd.s32 $0x8F2B, s0  }
0xbd: {  	[sflag:s0] =	ssyncadd.remote.s32 $0x1  }
0xbe: {  	_ =	sfence.sel $0xFFFF  }
0xbf: {  	[dreg:$0x0] =	wrdreg $0xFFFFFFFF;
	(pc) =	sbr.abs _section_cstart, $3  }
0xc0: {  	[dreg:$0x1] =	wrdreg $0xFFFFFFFF  }
0xc1: {  	_ =	task.clear_ibuf [dreg:s6], $0x2FFFF;
	_ =	strace $0x9FFFFFFF  }
0xc2: {  	(tm) =	ssettm $0x7FFFFFFF  }
0xc3: {  	_ =	shalt  }
tec
execute0_lowered:
.L_overlay_start_1:
0x0: {  	(tag) =	ssettag $0x1  }
0x1: {  	s5 =	rddreg [dreg:$0x0]  }
0x2: {  	s1 =	rddreg [dreg:$0x1]  }
0x3: {  	s0 =	rddreg [dreg:$0x2]  }
0x4: {  	s3 =	simm.s32 $0x0;
	s4 =	srdreg.scid;
	s2 =	stileid.u32  }
0x5: {  	s12 =	simm.s32 $0x1;
	s13 =	simm.s32 $0x7D;
	s14 =	simm.s32 $0x1400  }
0x6: {  	[smem:$0x7FF] =	sst s3;
	s7 =	sand.u32 $0x1, s4;
	s8 =	smul.u32 $0x280, s2  }
0x7: {  	s9 =	sadd.s32 $0x2E00, s5;
	s11 =	smul.u32 $0x1400, s2;
	s4 =	sadd.s32 $0x7E00, s5  }
0x8: {  	s5 =	sadd.s32 $0x8400, s5;
	s15 =	sshll.u32 s2, $0x6;
	_ =	strace $0x80000047  }
.Ltmp0:
0x9: {  	s6 =	ssub.s32 $0x2, s7;
	p0 =	seq.s32 s7, $0x1;
	(pc) =	sbr.rel .LBB2_1-.Ltmp0, $4  }
0xa: {  	s15 =	sor.u32 $0x1C01, s15;
	s10 =	sshrl.u32 s6, $0x1;
	s11 =	sshrl.u32 s11, $0x3  }
0xb: {  	s7 =	sadd.s32 s9, s8;
	s10 =	ssub.s32 s6, s10;
	s6 =	sadd.s32 s8, s1  }
0xc: {  	s8 =	sshrl.u32 s8, $0x3;
	s9 =	sadd.s32 s9, s11;
	s11 =	simm.s32 $0x1480  }
0xd: {  	v0 =	vimm.f32 $1.000000000e+00;
	v1 =	vimm.f32 $0.0e+00;
	s9 =	sadd.s32 $0x2800, s9;
	s10 =	smax.u32 s10, $0x1;
	s16 =	sshrl.u32 s6, $0x3  }
.LBB2_7:
0xe: {  	[sflag:s12] =	ssyncadd.s32 $0xFFFFFF83;
	s17 =	smov.u32 s5  }
.LBB2_8:
0xf: {  	s3 =	sadd.s32 $0x1, s3  }
0x10: {  	p1 =	sne.s32 s3, s10  }
.Ltmp1:
0x11: {  	s17 =	sadd.s32 s17, s8;
	[bflag:$0x0] =	sbarrier.arrive $0xFFFF;
	(pc) =	sbr.rel @!p1 .LBB2_9-.Ltmp1, $4  }
0x12: {  	[hbm:s17], [sflag:s15] =	dma.local [spmem:s16], $0x50  }
0x13: {  	_ =	swait.ge [sflag:s12], $0x50  }
0x14: {  	[sflag:s12] =	ssyncset.done $0x0  }
0x15: {  	[sflag:s12] =	ssyncadd.s32 $0xFFFFFFB0  }
.LBB2_1:
0x16: {  	[tilespmem:$0x1400] =	vst v0  }
0x17: {  	[tilespmem:$0x1410] =	vst v0  }
0x18: {  	[tilespmem:$0x1420] =	vst v0  }
0x19: {  	[tilespmem:$0x1430] =	vst v0  }
0x1a: {  	[tilespmem:$0x1440] =	vst v0  }
0x1b: {  	[tilespmem:$0x1450] =	vst v0  }
0x1c: {  	[tilespmem:$0x1460] =	vst v0  }
0x1d: {  	[tilespmem:$0x1470] =	vst v0  }
0x1e: {  	[tilespmem:$0x1480] =	vst v1  }
0x1f: {  	[tilespmem:$0x1490] =	vst v1  }
0x20: {  	[tilespmem:$0x14A0] =	vst v1  }
0x21: {  	[tilespmem:$0x14B0] =	vst v1  }
0x22: {  	[tilespmem:$0x14C0] =	vst v1  }
0x23: {  	[tilespmem:$0x14D0] =	vst v1  }
0x24: {  	[tilespmem:$0x14E0] =	vst v1  }
0x25: {  	[tilespmem:$0x14F0] =	vst v1  }
0x26: {  	[tilespmem:$0x1500] =	vst v1  }
0x27: {  	[tilespmem:$0x1510] =	vst v1  }
0x28: {  	[tilespmem:$0x1520] =	vst v1  }
0x29: {  	[tilespmem:$0x1530] =	vst v1  }
0x2a: {  	[tilespmem:$0x1540] =	vst v1  }
0x2b: {  	[tilespmem:$0x1550] =	vst v1  }
0x2c: {  	[tilespmem:$0x1560] =	vst v1  }
0x2d: {  	[tilespmem:$0x1570] =	vst v1  }
0x2e: {  	[tilespmem:$0x1580] =	vst v1  }
0x2f: {  	[tilespmem:$0x1590] =	vst v1  }
0x30: {  	[tilespmem:$0x15A0] =	vst v1  }
0x31: {  	[tilespmem:$0x15B0] =	vst v1  }
0x32: {  	[tilespmem:$0x15C0] =	vst v1  }
0x33: {  	[tilespmem:$0x15D0] =	vst v1  }
0x34: {  	[tilespmem:$0x15E0] =	vst v1  }
0x35: {  	[tilespmem:$0x15F0] =	vst v1  }
0x36: {  	[tilespmem:$0x1600] =	vst v1  }
0x37: {  	[tilespmem:$0x1610] =	vst v1  }
0x38: {  	[tilespmem:$0x1620] =	vst v1  }
0x39: {  	[tilespmem:$0x1630] =	vst v1  }
0x3a: {  	[tilespmem:$0x1640] =	vst v1  }
0x3b: {  	[tilespmem:$0x1650] =	vst v1  }
0x3c: {  	[tilespmem:$0x1660] =	vst v1  }
0x3d: {  	[tilespmem:$0x1670] =	vst v1  }
0x3e: {  	[tilespmem:$0x1680] =	vst v1  }
0x3f: {  	[tilespmem:$0x1690] =	vst v1  }
0x40: {  	[tilespmem:$0x16A0] =	vst v1  }
0x41: {  	[tilespmem:$0x16B0] =	vst v1  }
0x42: {  	[tilespmem:$0x16C0] =	vst v1  }
0x43: {  	[tilespmem:$0x16D0] =	vst v1  }
0x44: {  	[tilespmem:$0x16E0] =	vst v1  }
0x45: {  	[tilespmem:$0x16F0] =	vst v1  }
0x46: {  	[spmem:s6] =	stream.linear.scatter [tilespmem:s11], [sflag:$0x1], $0x280, $0x38;
	[tilespmem:$0x1980] =	vst v63  }
.Ltmp2:
0x47: {  	_ =	swait.ge [sflag:s12], $0x280;
	(pc) =	sbr.rel @!p0 .LBB2_2-.Ltmp2, $4  }
0x48: {  	[sflag:s12] =	ssyncset.done $0x0  }
0x49: {  	[sflag:s12] =	ssyncadd.s32 $0xFFFFFD80  }
0x4a: {  	[bflag:$0x0] =	sbarrier.arrive $0xFFFF  }
0x4b: {  	s17 =	simm.s32 $0x0  }
0x4c: {  	[tilespmem:s17], [sflag:$0x1] =	stream.linear.gather [hbm4b:s9+s17], $0x1400, $0x38;
	[tilespmem:$0x1980] =	vst v63  }
0x4d: {  	_ =	swait.ge [sflag:s12], $0x1400  }
0x4e: {  	[sflag:s12] =	ssyncset.done $0x0  }
0x4f: {  	s31 =	simm.s32 $0x0;
	[sflag:s12] =	ssyncadd.s32 $0xFFFFEC00  }
0x50: {  	[spmem:s1] =	stream.indirect.scatter.add.f32 [tilespmem:s14], [sflag:$0x1], $0x1, s31, s13, $0xb8;
	[tilespmem:$0x1980] =	vst v63  }
0x51: {  	_ =	swait.ge [sflag:s12], $0x7D  }
0x52: {  	s17 =	simm.s32 $0x200;
	[sflag:s12] =	ssyncset.done $0x0  }
.LBB2_6:
0x53: {  	s18 =	sshra.s32 s17, $0x2;
	[sflag:s12] =	ssyncadd.s32 $0xFFFFFF83;
	p1 =	sne.s32 s17, $0x4E00  }
0x54: {  	[spmem:s1] =	stream.indirect.scatter.add.f32 [tilespmem:s14], [sflag:$0x1], $0x1, s18, s13, $0xb8;
	[tilespmem:$0x1980] =	vst v63  }
.Ltmp3:
0x55: {  	_ = 	snop;
	(pc) =	sbr.rel @p1 .LBB2_6-.Ltmp3, $4  }
0x56: {  	_ = 	snop  }
0x57: {  	s17 =	sadd.s32 $0x200, s17  }
0x58: {  	_ =	swait.ge [sflag:s12], $0x7D  }
0x59: {  	[sflag:s12] =	ssyncset.done $0x0  }
.Ltmp4:
0x5a: {  	_ = 	snop;
	(pc) =	sbr.rel .LBB2_7-.Ltmp4, $1  }
0x5b: {  	_ =	sdelay $0x3  }
.LBB2_2:
0x5c: {  	[tilespmem:s17], [sflag:$0x1] =	stream.linear.gather [hbm4b:s7+s17], $0x1400, $0x38;
	[tilespmem:$0x1980] =	vst v63  }
0x5d: {  	_ =	swait.ge [sflag:s12], $0x1400  }
0x5e: {  	[sflag:s12] =	ssyncset.done $0x0  }
0x5f: {  	s31 =	simm.s32 $0x0;
	[sflag:s12] =	ssyncadd.s32 $0xFFFFEC00  }
0x60: {  	[spmem:s1] =	stream.indirect.scatter.add.f32 [tilespmem:s14], [sflag:$0x1], $0x1, s31, s13, $0xb8;
	[tilespmem:$0x1980] =	vst v63  }
0x61: {  	_ =	swait.ge [sflag:s12], $0x7D  }
0x62: {  	s17 =	simm.s32 $0x200;
	[sflag:s12] =	ssyncset.done $0x0  }
.LBB2_3:
0x63: {  	s18 =	sshra.s32 s17, $0x2;
	[sflag:s12] =	ssyncadd.s32 $0xFFFFFF83;
	p1 =	seq.s32 s17, $0x4E00  }
0x64: {  	[spmem:s1] =	stream.indirect.scatter.add.f32 [tilespmem:s14], [sflag:$0x1], $0x1, s18, s13, $0xb8;
	[tilespmem:$0x1980] =	vst v63  }
.Ltmp5:
0x65: {  	_ = 	snop;
	(pc) =	sbr.rel @!p1 .LBB2_3-.Ltmp5, $4  }
0x66: {  	_ = 	snop  }
0x67: {  	s17 =	sadd.s32 $0x200, s17  }
0x68: {  	_ =	swait.ge [sflag:s12], $0x7D  }
0x69: {  	[sflag:s12] =	ssyncset.done $0x0  }
.Ltmp6:
0x6a: {  	(pc) =	sbr.rel .LBB2_8-.Ltmp6, $2  }
0x6b: {  	_ =	sdelay $0x2  }
0x6c: {  	[sflag:s12] =	ssyncadd.s32 $0xFFFFFF83;
	s17 =	smov.u32 s4  }
.LBB2_9:
0x6d: {  	_ =	sfence.sel $0x180000  }
0x6e: {  	[bflag:$0x0] =	sbarrier.arrive $0xFFFF  }
0x6f: {  	p0 =	sne.s32 s2, $0x0;
	_ =	strace $0x90000047  }
0x70: {  	s0 =	sadd.s32 @!p0 $0x100000, s0;
	[bflag:$0x2] =	sbarrier.arrive $0xFFFF  }
0x71: {  	[sflag:s0] =	ssyncadd.tile.s32 @!p0 $0x1;
	_ =	shalt  }
.Lfunc_end2:
_tile_overlayer_lowered:
.L_overlay_start_2:
0x72: {  	(tag) =	ssettag $0x2  }
0x73: {  	s0 =	rddreg [dreg:$0x0];
	s2 =	stileid.u32  }
0x74: {  	s1 =	rddreg [dreg:$0x1];
	p0 =	sne.s32 s2, $0x0  }
0x75: {  	s3 =	rddreg [dreg:$0x2];
	[bflag:$0x3] =	sbarrier.arrive $0xFFFF;
	s2 =	simm.s32 @!p0 $0x1C01  }
0x76: {  	[timem:s3], [sflag:s2] =	dma.local @!p0 [hbm:s0], s1  }
0x77: {  	s0 =	simm.s32 @!p0 $0x1  }
0x78: {  	_ =	swait.ge @!p0 [sflag:s0], s1  }
0x79: {  	s1 =	ssub.s32 @!p0 $0x0, s1;
	[sflag:s0] =	ssyncset.done @!p0 $0x0  }
0x7a: {  	[sflag:s0] =	ssyncadd.s32 @!p0 s1  }
0x7b: {  	[bflag:$0x3] =	sbarrier.arrive $0xFFFF  }
0x7c: {  	_ =	shalt  }

</sc_bundles>
